<compile_context>
chip_gen: v7x
topology: tpu7x:2x2x1
jax: 0.10.2.dev20260603
libtpu: 0.0.44.dev20260713+nightly
codegen_flags: <defaults>
</compile_context>

<pallas_src>
import functools

import jax
import jax.numpy as jnp
from jax import lax
from jax.experimental import pallas as pl
from jax.experimental.pallas import tpu as pltpu
from jax.experimental.pallas import tpu_sc as plsc

_NC = 2
_NS = 16
_NW = _NC * _NS

_K = 80


def _sc_degree(n_nodes_pad, n_chunks):
    mesh = plsc.VectorSubcoreMesh(
        core_axis_name="c", subcore_axis_name="s",
        num_cores=_NC, num_subcores=_NS)
    rows_per_tile = n_nodes_pad // _NS

    @functools.partial(
        pl.kernel,
        out_type=jax.ShapeDtypeStruct((_NC * n_nodes_pad,), jnp.float32),
        mesh=mesh,
        scratch_types=[
            pltpu.VMEM_SHARED((n_nodes_pad,), jnp.float32),
            pltpu.VMEM((n_chunks, _K), jnp.int32),
            pltpu.VMEM((_K,), jnp.float32),
            pltpu.SemaphoreType.DMA,
            pltpu.SemaphoreType.DMA,
        ],
    )
    def deg_kernel(dst_hbm, ones_hbm, out_hbm, acc_sh, idx_v, ones_v,
                   ssem0, ssem1):
        cid = lax.axis_index("c")
        sid = lax.axis_index("s")
        wid = cid * _NS + sid
        r0 = pl.multiple_of(sid * rows_per_tile, 128)
        pltpu.sync_copy(ones_hbm.at[pl.ds(r0, rows_per_tile)],
                        acc_sh.at[pl.ds(r0, rows_per_tile)])
        pltpu.sync_copy(dst_hbm.at[wid], idx_v)
        pltpu.sync_copy(ones_hbm.at[pl.ds(0, _K)], ones_v)
        plsc.subcore_barrier()

        ssems = (ssem0, ssem1)

        def swait(j, s):
            pltpu.make_async_copy(ones_v, acc_sh.at[idx_v.at[j]],
                                  ssems[s]).wait()

        pltpu.async_copy(ones_v, acc_sh.at[idx_v.at[0]], ssems[0], add=True)

        def body(i, carry):
            for p in range(2):
                j = 2 * i + 1 + p
                swait(j - 1, p)
                pltpu.async_copy(ones_v, acc_sh.at[idx_v.at[j]],
                                 ssems[(1 + p) % 2], add=True)
            return carry

        n2 = (n_chunks - 1) // 2
        lax.fori_loop(0, n2, body, 0)
        for j in range(2 * n2 + 1, n_chunks):
            swait(j - 1, (j - 1) % 2)
            pltpu.async_copy(ones_v, acc_sh.at[idx_v.at[j]],
                             ssems[j % 2], add=True)
        swait(n_chunks - 1, (n_chunks - 1) % 2)
        plsc.subcore_barrier()
        o0 = pl.multiple_of(cid * n_nodes_pad + r0, 128)
        pltpu.sync_copy(acc_sh.at[pl.ds(r0, rows_per_tile)],
                        out_hbm.at[pl.ds(o0, rows_per_tile)])

    return deg_kernel


def _sc_edge_pass(n_nodes, d_feat, n_chunks):
    mesh = plsc.VectorSubcoreMesh(
        core_axis_name="c", subcore_axis_name="s",
        num_cores=_NC, num_subcores=_NS)
    rows_main = (n_nodes // (8 * _NS)) * 8
    rows_last = n_nodes - rows_main * (_NS - 1)
    assert rows_last % 8 == 0

    @functools.partial(
        pl.kernel,
        out_type=jax.ShapeDtypeStruct((_NC, n_nodes, d_feat), jnp.float32),
        mesh=mesh,
        scratch_types=[
            pltpu.VMEM_SHARED((n_nodes + 8, d_feat), jnp.float32),
            [pltpu.VMEM((2, _K), jnp.int32)] * 4,
            [pltpu.VMEM((_K, d_feat), jnp.float32)] * 4,
            [pltpu.SemaphoreType.DMA] * 4,
            [pltpu.SemaphoreType.DMA] * 4,
            [pltpu.SemaphoreType.DMA] * 4,
        ],
    )
    def edge_kernel(g_hbm, zeros_hbm, ei_hbm, out_hbm, acc_sh, idxs, bufs,
                    isems, gsems, ssems):
        cid = lax.axis_index("c")
        sid = lax.axis_index("s")
        wid = cid * _NS + sid
        r0 = pl.multiple_of(sid * rows_main, 8)

        for c, init_hbm in ((0, g_hbm), (1, zeros_hbm)):
            @pl.when(jnp.logical_and(cid == c, sid < _NS - 1))
            def _():
                pltpu.sync_copy(init_hbm.at[pl.ds(r0, rows_main)],
                                acc_sh.at[pl.ds(r0, rows_main)])

            @pl.when(jnp.logical_and(cid == c, sid == _NS - 1))
            def _():
                pltpu.sync_copy(
                    init_hbm.at[pl.ds(rows_main * (_NS - 1), rows_last)],
                    acc_sh.at[pl.ds(rows_main * (_NS - 1), rows_last)])

        plsc.subcore_barrier()

        def wait_idx(j, s):
            pltpu.make_async_copy(ei_hbm.at[wid, j], idxs[s], isems[s]).wait()

        def wait_gather(s):
            pltpu.make_async_copy(g_hbm.at[idxs[s].at[0]], bufs[s],
                                  gsems[s]).wait()

        def wait_scatter(s):
            pltpu.make_async_copy(bufs[s], acc_sh.at[idxs[s].at[1]],
                                  ssems[s]).wait()

        pltpu.async_copy(ei_hbm.at[wid, 0], idxs[0], isems[0])
        if n_chunks > 1:
            pltpu.async_copy(ei_hbm.at[wid, 1], idxs[1], isems[1])
        wait_idx(0, 0)
        pltpu.async_copy(g_hbm.at[idxs[0].at[0]], bufs[0], gsems[0])

        def step(j, p, static):
            if static:
                if j + 1 < n_chunks:
                    wait_idx(j + 1, (p + 1) % 4)
                    pltpu.async_copy(g_hbm.at[idxs[(p + 1) % 4].at[0]],
                                     bufs[(p + 1) % 4], gsems[(p + 1) % 4])
                wait_gather(p)
                if j >= 1:
                    wait_scatter((p + 3) % 4)
                pltpu.async_copy(bufs[p], acc_sh.at[idxs[p].at[1]], ssems[p],
                                 add=True)
                if j + 2 < n_chunks:
                    pltpu.async_copy(ei_hbm.at[wid, j + 2], idxs[(p + 2) % 4],
                                     isems[(p + 2) % 4])
            else:
                wait_idx(j + 1, (p + 1) % 4)
                pltpu.async_copy(g_hbm.at[idxs[(p + 1) % 4].at[0]],
                                 bufs[(p + 1) % 4], gsems[(p + 1) % 4])
                wait_gather(p)

                @pl.when(j >= 1)
                def _():
                    wait_scatter((p + 3) % 4)

                pltpu.async_copy(bufs[p], acc_sh.at[idxs[p].at[1]], ssems[p],
                                 add=True)

                @pl.when(j + 2 < n_chunks)
                def _():
                    pltpu.async_copy(ei_hbm.at[wid, j + 2], idxs[(p + 2) % 4],
                                     isems[(p + 2) % 4])

        n4 = (n_chunks - 1) // 4

        def body4(i, carry):
            for p in range(4):
                step(4 * i + p, p, False)
            return carry

        lax.fori_loop(0, n4, body4, 0)
        for j in range(4 * n4, n_chunks):
            step(j, j % 4, True)
        wait_scatter((n_chunks - 1) % 4)
        plsc.subcore_barrier()

        @pl.when(sid < _NS - 1)
        def _():
            pltpu.sync_copy(acc_sh.at[pl.ds(r0, rows_main)],
                            out_hbm.at[cid, pl.ds(r0, rows_main)])

        @pl.when(sid == _NS - 1)
        def _():
            pltpu.sync_copy(
                acc_sh.at[pl.ds(rows_main * (_NS - 1), rows_last)],
                out_hbm.at[cid, pl.ds(rows_main * (_NS - 1), rows_last)])

    return edge_kernel


def _tc_first(x, w1, d0, d1, block_rows):
    n, d = x.shape
    grid = n // block_rows

    def kern(x_ref, w_ref, d0_ref, d1_ref, g_ref, dinv_ref):
        deg = d0_ref[...] + d1_ref[...] - 1.0
        dinv = lax.rsqrt(deg)
        g_ref[...] = jnp.dot(x_ref[...], w_ref[...],
                             preferred_element_type=jnp.float32) * dinv
        dinv_ref[...] = dinv

    return pl.pallas_call(
        kern,
        grid=(grid,),
        in_specs=[
            pl.BlockSpec((block_rows, d), lambda i: (i, 0)),
            pl.BlockSpec((d, d), lambda i: (0, 0)),
            pl.BlockSpec((block_rows, 1), lambda i: (i, 0)),
            pl.BlockSpec((block_rows, 1), lambda i: (i, 0)),
        ],
        out_specs=[
            pl.BlockSpec((block_rows, d), lambda i: (i, 0)),
            pl.BlockSpec((block_rows, 1), lambda i: (i, 0)),
        ],
        out_shape=[
            jax.ShapeDtypeStruct((n, d), jnp.float32),
            jax.ShapeDtypeStruct((n, 1), jnp.float32),
        ],
    )(x, w1, d0, d1)


def _tc_mid(a0, a1, dinv, b, w, block_rows):
    n, d = a0.shape
    grid = n // block_rows

    def kern(a0_ref, a1_ref, dinv_ref, b_ref, w_ref, g_ref):
        dinv = dinv_ref[...]
        acc = a0_ref[...] + a1_ref[...]
        h = jnp.maximum(acc * dinv + b_ref[...], 0.0)
        g_ref[...] = jnp.dot(h, w_ref[...],
                             preferred_element_type=jnp.float32) * dinv

    return pl.pallas_call(
        kern,
        grid=(grid,),
        in_specs=[
            pl.BlockSpec((block_rows, d), lambda i: (i, 0)),
            pl.BlockSpec((block_rows, d), lambda i: (i, 0)),
            pl.BlockSpec((block_rows, 1), lambda i: (i, 0)),
            pl.BlockSpec((1, d), lambda i: (0, 0)),
            pl.BlockSpec((d, d), lambda i: (0, 0)),
        ],
        out_specs=pl.BlockSpec((block_rows, d), lambda i: (i, 0)),
        out_shape=jax.ShapeDtypeStruct((n, d), jnp.float32),
    )(a0, a1, dinv, b, w)


def _tc_final(a0, a1, dinv, b, wl, bl, batch3d, n_graphs, block_rows):
    n, d = a0.shape
    grid = n // block_rows

    def kern(a0_ref, a1_ref, dinv_ref, b_ref, wl_ref, bl_ref,
             batch_ref, out_ref):
        i = pl.program_id(0)
        acc = a0_ref[...] + a1_ref[...]
        h = jnp.maximum(acc * dinv_ref[...] + b_ref[...], 0.0)
        s = jnp.dot(h, wl_ref[...], preferred_element_type=jnp.float32)
        bidx = batch_ref[0, 0, :]
        gids = lax.broadcasted_iota(jnp.int32, (block_rows, n_graphs), 1)
        onehot = (bidx[:, None] == gids).astype(jnp.float32)
        partial = lax.dot_general(
            onehot, s, (((0,), (0,)), ((), ())),
            preferred_element_type=jnp.float32)

        @pl.when(i == 0)
        def _():
            out_ref[...] = jnp.broadcast_to(bl_ref[...], (n_graphs, 1))

        out_ref[...] += partial

    return pl.pallas_call(
        kern,
        grid=(grid,),
        in_specs=[
            pl.BlockSpec((block_rows, d), lambda i: (i, 0)),
            pl.BlockSpec((block_rows, d), lambda i: (i, 0)),
            pl.BlockSpec((block_rows, 1), lambda i: (i, 0)),
            pl.BlockSpec((1, d), lambda i: (0, 0)),
            pl.BlockSpec((d, 1), lambda i: (0, 0)),
            pl.BlockSpec((1, 1), lambda i: (0, 0)),
            pl.BlockSpec((1, 1, block_rows), lambda i: (i, 0, 0)),
        ],
        out_specs=pl.BlockSpec((n_graphs, 1), lambda i: (0, 0)),
        out_shape=jax.ShapeDtypeStruct((n_graphs, 1), jnp.float32),
    )(a0, a1, dinv, b, wl, bl, batch3d)


def kernel(x, edge_index, batch, W1, b1, W2, b2, W3, b3, Wl, bl):
    n, d = x.shape
    n_edges = edge_index.shape[1]
    n_graphs = 64

    epw = n_edges // _NW
    assert epw * _NW == n_edges
    n_chunks = -(-epw // _K)
    pad = n_chunks * _K - epw

    n_pad = ((n + _NS * 128 - 1) // (_NS * 128)) * (_NS * 128)

    src2 = edge_index[0].reshape(_NW, epw)
    dst2 = edge_index[1].reshape(_NW, epw)
    if pad:
        src2 = jnp.pad(src2, ((0, 0), (0, pad)))
        dst2 = jnp.pad(dst2, ((0, 0), (0, pad)), constant_values=n)
    ei = jnp.concatenate([src2.reshape(_NW, n_chunks, 1, _K),
                         dst2.reshape(_NW, n_chunks, 1, _K)], axis=2)
    dst3 = dst2.reshape(_NW, n_chunks, _K)
    ones = jnp.ones((n_pad,), jnp.float32)

    degs = _sc_degree(n_pad, n_chunks)(dst3, ones)
    d0 = degs[:n].reshape(n, 1)
    d1 = degs[n_pad:n_pad + n].reshape(n, 1)

    block_rows = 2000
    b1r = b1.reshape(1, d)
    b2r = b2.reshape(1, d)
    b3r = b3.reshape(1, d)
    blr = bl.reshape(1, 1)
    batch3d = batch.reshape(n // block_rows, 1, block_rows)

    edge_pass = _sc_edge_pass(n, d, n_chunks)
    zeros = jnp.zeros((n, d), jnp.float32)

    g1, dinv = _tc_first(x, W1, d0, d1, block_rows)
    a = edge_pass(g1, zeros, ei)
    g2 = _tc_mid(a[0], a[1], dinv, b1r, W2, block_rows)
    a = edge_pass(g2, zeros, ei)
    g3 = _tc_mid(a[0], a[1], dinv, b2r, W3, block_rows)
    a = edge_pass(g3, zeros, ei)
    out = _tc_final(a[0], a[1], dinv, b3r, Wl, blr, batch3d,
                    n_graphs, block_rows)
    return out

# --- scband reference (transcript-rebuilt; emitter-appended) ---
"""Pipeline reference for scband-net-20212116095614 (READ-ONLY COPY).

The authoritative reference and input builder live on the scoring server;
editing this copy changes nothing except your own understanding.
"""

import jax, jax.numpy as jnp
import numpy as np

N_NODES = 10000
N_EDGES = 320000
D_FEAT = 128
N_GRAPHS = 64


def gcn_conv(x, edge_index, W, b, n_nodes):
    # GCNConv: h = D^{-1/2} (A + I) D^{-1/2} (x @ W) + b
    src = edge_index[0]
    dst = edge_index[1]
    loop = jnp.arange(n_nodes, dtype=src.dtype)
    src = jnp.concatenate([src, loop])
    dst = jnp.concatenate([dst, loop])
    deg = jax.ops.segment_sum(jnp.ones_like(dst, dtype=jnp.float32), dst, num_segments=n_nodes)
    dinv = jnp.where(deg > 0, jax.lax.rsqrt(deg), 0.0)
    norm = dinv[src] * dinv[dst]
    h = x @ W
    msg = h[src] * norm[:, None]
    out = jax.ops.segment_sum(msg, dst, num_segments=n_nodes)
    return out + b


def setup_inputs(seed: int = 0) -> dict:
    key = jax.random.key(seed)
    ks = jax.random.split(key, 12)
    x = jax.random.normal(ks[0], (N_NODES, D_FEAT), dtype=jnp.float32)
    edge_index = jax.random.randint(ks[1], (2, N_EDGES), 0, N_NODES, dtype=jnp.int64 if jax.config.jax_enable_x64 else jnp.int32).astype(jnp.int32)
    batch = jnp.sort(jax.random.randint(ks[2], (N_NODES,), 0, N_GRAPHS).astype(jnp.int32))
    sc = 1.0 / np.sqrt(D_FEAT)
    W1 = jax.random.uniform(ks[3], (D_FEAT, D_FEAT), jnp.float32, -sc, sc)
    b1 = jnp.zeros((D_FEAT,), jnp.float32)
    W2 = jax.random.uniform(ks[4], (D_FEAT, D_FEAT), jnp.float32, -sc, sc)
    b2 = jnp.zeros((D_FEAT,), jnp.float32)
    W3 = jax.random.uniform(ks[5], (D_FEAT, D_FEAT), jnp.float32, -sc, sc)
    b3 = jnp.zeros((D_FEAT,), jnp.float32)
    Wl = jax.random.uniform(ks[6], (D_FEAT, 1), jnp.float32, -sc, sc)
    bl = jnp.zeros((1,), jnp.float32)
    return {"x": x, "edge_index": edge_index, "batch": batch,
            "W1": W1, "b1": b1, "W2": W2, "b2": b2, "W3": W3, "b3": b3,
            "Wl": Wl, "bl": bl}


def reference(x, edge_index, batch, W1, b1, W2, b2, W3, b3, Wl, bl):
    n = x.shape[0]
    h = gcn_conv(x, edge_index, W1, b1, n)
    h = jax.nn.relu(h)
    h = gcn_conv(h, edge_index, W2, b2, n)
    h = jax.nn.relu(h)
    h = gcn_conv(h, edge_index, W3, b3, n)
    h = jax.nn.relu(h)
    pooled = jax.ops.segment_sum(h, batch, num_segments=N_GRAPHS)  # global_add_pool
    out = pooled @ Wl + bl
    return out

if __name__ == "__main__":
    import jax
    _d = setup_inputs()
    print(jax.jit(kernel)(*tuple(_d.values())))

</pallas_src>

<mosaic_0001>
#map = affine_map<(d0, d1) -> (0, 0, 0)>
#map1 = affine_map<(d0, d1) -> (0)>
module attributes {stable_mosaic.version = 14 : i64} {
  func.func @deg_kernel(%arg0: i32, %arg1: i32, %arg2: memref<32x125x80xi32, #tpu.memory_space<hbm>>, %arg3: memref<10240xf32, #tpu.memory_space<hbm>>, %arg4: memref<20480xf32, #tpu.memory_space<hbm>>, %arg5: memref<10240xf32, #tpu.memory_space<vmem_shared>>, %arg6: memref<125x80xi32, #tpu.memory_space<vmem>>, %arg7: memref<80xf32, #tpu.memory_space<vmem>>, %arg8: memref<!tpu.dma_semaphore, #tpu.memory_space<semaphore_mem>>, %arg9: memref<!tpu.dma_semaphore, #tpu.memory_space<semaphore_mem>>) attributes {dimension_semantics = [#tpu.dimension_semantics<core_parallel>, #tpu.dimension_semantics<subcore_parallel>], iteration_bounds = array<i64: 2, 16>, scalar_prefetch = 0 : i64, scratch_operands = 5 : i64, tpu.core_type = #tpu.core_type<sc_vector_subcore>, window_params = [{transform_indices = #map}, {transform_indices = #map1}, {transform_indices = #map1}]} {
    %mul3A = arith.constant 16 : i32
    %mul3A_0 = arith.muli %arg0, %mul3A : i32
    %add3A = arith.addi %mul3A_0, %arg1 : i32
    %mul3A_1 = arith.constant 640 : i32
    %mul3A_2 = arith.muli %arg1, %mul3A_1 : i32
    %multiple_of3A = tpu.assume_multiple %mul3A_2, 128 : i32
    "tpu.region"() ({
      %run_scoped3A = tpu.sem_alloc : memref<!tpu.dma_semaphore, #tpu.memory_space<semaphore_mem>>
      %dma_start3A_23 = tpu.memref_slice %arg5[%multiple_of3A] : memref<10240xf32, #tpu.memory_space<vmem_shared>> -> memref<640xf32, #tpu.memory_space<vmem_shared>>
      %dma_start3A_24 = tpu.memref_slice %arg3[%multiple_of3A] : memref<10240xf32, #tpu.memory_space<hbm>> -> memref<640xf32, #tpu.memory_space<hbm>>
      tpu.enqueue_dma source(%dma_start3A_24 : memref<640xf32, #tpu.memory_space<hbm>>) target(%dma_start3A_23 : memref<640xf32, #tpu.memory_space<vmem_shared>>) target_semaphore(%run_scoped3A : memref<!tpu.dma_semaphore, #tpu.memory_space<semaphore_mem>>)
      %dma_wait3A_25 = tpu.memref_slice %arg5[%multiple_of3A] : memref<10240xf32, #tpu.memory_space<vmem_shared>> -> memref<640xf32, #tpu.memory_space<vmem_shared>>
      %dma_wait3A_26 = tpu.memref_slice %arg3[%multiple_of3A] : memref<10240xf32, #tpu.memory_space<hbm>> -> memref<640xf32, #tpu.memory_space<hbm>>
      tpu.wait_dma2 semaphore(%run_scoped3A : memref<!tpu.dma_semaphore, #tpu.memory_space<semaphore_mem>>) src(%dma_wait3A_26 : memref<640xf32, #tpu.memory_space<hbm>>) dst(%dma_wait3A_25 : memref<640xf32, #tpu.memory_space<vmem_shared>>)
      tpu.yield
    }) : () -> ()
    "tpu.region"() ({
      %run_scoped3A = tpu.sem_alloc : memref<!tpu.dma_semaphore, #tpu.memory_space<semaphore_mem>>
      %dma_start3A_23 = arith.constant 0 : i32
      %dma_start3A_24 = arith.constant 0 : i32
      %dma_start3A_25 = tpu.memref_slice %arg2[%add3A, %dma_start3A_23, %dma_start3A_24] : memref<32x125x80xi32, #tpu.memory_space<hbm>> -> memref<1x125x80xi32, #tpu.memory_space<hbm>>
      %dma_start3A_26 = tpu.memref_squeeze %dma_start3A_25 : memref<1x125x80xi32, #tpu.memory_space<hbm>> -> memref<125x80xi32, #tpu.memory_space<hbm>>
      %dma_start3A_27 = arith.constant 0 : i32
      %dma_start3A_28 = arith.constant 0 : i32
      %dma_start3A_29 = tpu.memref_slice %arg2[%add3A, %dma_start3A_27, %dma_start3A_28] : memref<32x125x80xi32, #tpu.memory_space<hbm>> -> memref<1x125x80xi32, #tpu.memory_space<hbm>>
      %dma_start3A_30 = tpu.memref_squeeze %dma_start3A_29 : memref<1x125x80xi32, #tpu.memory_space<hbm>> -> memref<125x80xi32, #tpu.memory_space<hbm>>
      tpu.enqueue_dma source(%dma_start3A_30 : memref<125x80xi32, #tpu.memory_space<hbm>>) target(%arg6 : memref<125x80xi32, #tpu.memory_space<vmem>>) target_semaphore(%run_scoped3A : memref<!tpu.dma_semaphore, #tpu.memory_space<semaphore_mem>>)
      %dma_wait3A_31 = arith.constant 0 : i32
      %dma_wait3A_32 = arith.constant 0 : i32
      %dma_wait3A_33 = tpu.memref_slice %arg2[%add3A, %dma_wait3A_31, %dma_wait3A_32] : memref<32x125x80xi32, #tpu.memory_space<hbm>> -> memref<1x125x80xi32, #tpu.memory_space<hbm>>
      %dma_wait3A_34 = tpu.memref_squeeze %dma_wait3A_33 : memref<1x125x80xi32, #tpu.memory_space<hbm>> -> memref<125x80xi32, #tpu.memory_space<hbm>>
      %dma_wait3A_35 = arith.constant 0 : i32
      %dma_wait3A_36 = arith.constant 0 : i32
      %dma_wait3A_37 = tpu.memref_slice %arg2[%add3A, %dma_wait3A_35, %dma_wait3A_36] : memref<32x125x80xi32, #tpu.memory_space<hbm>> -> memref<1x125x80xi32, #tpu.memory_space<hbm>>
      %dma_wait3A_38 = tpu.memref_squeeze %dma_wait3A_37 : memref<1x125x80xi32, #tpu.memory_space<hbm>> -> memref<125x80xi32, #tpu.memory_space<hbm>>
      tpu.wait_dma2 semaphore(%run_scoped3A : memref<!tpu.dma_semaphore, #tpu.memory_space<semaphore_mem>>) src(%dma_wait3A_38 : memref<125x80xi32, #tpu.memory_space<hbm>>) dst(%arg6 : memref<125x80xi32, #tpu.memory_space<vmem>>)
      tpu.yield
    }) : () -> ()
    "tpu.region"() ({
      %run_scoped3A = tpu.sem_alloc : memref<!tpu.dma_semaphore, #tpu.memory_space<semaphore_mem>>
      %dma_start3A_23 = arith.constant 0 : i32
      %dma_start3A_24 = tpu.memref_slice %arg3[%dma_start3A_23] : memref<10240xf32, #tpu.memory_space<hbm>> -> memref<80xf32, #tpu.memory_space<hbm>>
      %dma_start3A_25 = arith.constant 0 : i32
      %dma_start3A_26 = tpu.memref_slice %arg3[%dma_start3A_25] : memref<10240xf32, #tpu.memory_space<hbm>> -> memref<80xf32, #tpu.memory_space<hbm>>
      tpu.enqueue_dma source(%dma_start3A_26 : memref<80xf32, #tpu.memory_space<hbm>>) target(%arg7 : memref<80xf32, #tpu.memory_space<vmem>>) target_semaphore(%run_scoped3A : memref<!tpu.dma_semaphore, #tpu.memory_space<semaphore_mem>>)
      %dma_wait3A_27 = arith.constant 0 : i32
      %dma_wait3A_28 = tpu.memref_slice %arg3[%dma_wait3A_27] : memref<10240xf32, #tpu.memory_space<hbm>> -> memref<80xf32, #tpu.memory_space<hbm>>
      %dma_wait3A_29 = arith.constant 0 : i32
      %dma_wait3A_30 = tpu.memref_slice %arg3[%dma_wait3A_29] : memref<10240xf32, #tpu.memory_space<hbm>> -> memref<80xf32, #tpu.memory_space<hbm>>
      tpu.wait_dma2 semaphore(%run_scoped3A : memref<!tpu.dma_semaphore, #tpu.memory_space<semaphore_mem>>) src(%dma_wait3A_30 : memref<80xf32, #tpu.memory_space<hbm>>) dst(%arg7 : memref<80xf32, #tpu.memory_space<vmem>>)
      tpu.yield
    }) : () -> ()
    %barrier3A = arith.constant 0 : index
    tpu.barrier barrier_id(%barrier3A)
    %dma_start3A = arith.constant 0 : i32
    %dma_start3A_3 = arith.constant 0 : i32
    %dma_start3A_4 = tpu.memref_slice %arg6[%dma_start3A, %dma_start3A_3] : memref<125x80xi32, #tpu.memory_space<vmem>> -> memref<1x80xi32, #tpu.memory_space<vmem>>
    %dma_start3A_5 = tpu.memref_squeeze %dma_start3A_4 : memref<1x80xi32, #tpu.memory_space<vmem>> -> memref<80xi32, #tpu.memory_space<vmem>>
    %dma_start3A_6 = arith.constant 0 : i32
    %dma_start3A_7 = tpu.memref_slice %arg5[%dma_start3A_6] : memref<10240xf32, #tpu.memory_space<vmem_shared>> -> memref<10240xf32, #tpu.memory_space<vmem_shared>>
    tpu.enqueue_indirect_dma source(%arg7 : memref<80xf32, #tpu.memory_space<vmem>>) target(%dma_start3A_7 : memref<10240xf32, #tpu.memory_space<vmem_shared>>) offsets(%dma_start3A_5 : memref<80xi32, #tpu.memory_space<vmem>>) semaphore(%arg8 : memref<!tpu.dma_semaphore, #tpu.memory_space<semaphore_mem>>) {add = true}
    %scan3A = arith.constant 0 : i32
    %scan3A_8 = arith.constant 0 : i32
    %scan3A_9 = arith.constant 62 : i32
    %scan3A_10 = arith.addi %scan3A_8, %scan3A_9 : i32
    %scan3A_11 = arith.constant 1 : i32
    scf.for %scan3A_23 = %scan3A_8 to %scan3A_10 step %scan3A_11  : i32 {
      %mul3A_24 = arith.constant 2 : i32
      %mul3A_25 = arith.muli %mul3A_24, %scan3A_23 : i32
      %add3A_26 = arith.constant 1 : i32
      %add3A_27 = arith.addi %mul3A_25, %add3A_26 : i32
      %add3A_28 = arith.constant 0 : i32
      %add3A_29 = arith.addi %add3A_27, %add3A_28 : i32
      %sub3A = arith.constant 1 : i32
      %sub3A_30 = arith.subi %add3A_29, %sub3A : i32
      %dma_wait3A_31 = arith.constant 0 : i32
      %dma_wait3A_32 = tpu.memref_slice %arg6[%sub3A_30, %dma_wait3A_31] : memref<125x80xi32, #tpu.memory_space<vmem>> -> memref<1x80xi32, #tpu.memory_space<vmem>>
      %dma_wait3A_33 = tpu.memref_squeeze %dma_wait3A_32 : memref<1x80xi32, #tpu.memory_space<vmem>> -> memref<80xi32, #tpu.memory_space<vmem>>
      %dma_wait3A_34 = arith.constant 0 : i32
      %dma_wait3A_35 = tpu.memref_slice %arg5[%dma_wait3A_34] : memref<10240xf32, #tpu.memory_space<vmem_shared>> -> memref<10240xf32, #tpu.memory_space<vmem_shared>>
      tpu.wait_indirect_dma semaphore(%arg8 : memref<!tpu.dma_semaphore, #tpu.memory_space<semaphore_mem>>) src(%arg7 : memref<80xf32, #tpu.memory_space<vmem>>) dst(%dma_wait3A_35 : memref<10240xf32, #tpu.memory_space<vmem_shared>>)
      %dma_start3A_36 = arith.constant 0 : i32
      %dma_start3A_37 = tpu.memref_slice %arg6[%add3A_29, %dma_start3A_36] : memref<125x80xi32, #tpu.memory_space<vmem>> -> memref<1x80xi32, #tpu.memory_space<vmem>>
      %dma_start3A_38 = tpu.memref_squeeze %dma_start3A_37 : memref<1x80xi32, #tpu.memory_space<vmem>> -> memref<80xi32, #tpu.memory_space<vmem>>
      %dma_start3A_39 = arith.constant 0 : i32
      %dma_start3A_40 = tpu.memref_slice %arg5[%dma_start3A_39] : memref<10240xf32, #tpu.memory_space<vmem_shared>> -> memref<10240xf32, #tpu.memory_space<vmem_shared>>
      tpu.enqueue_indirect_dma source(%arg7 : memref<80xf32, #tpu.memory_space<vmem>>) target(%dma_start3A_40 : memref<10240xf32, #tpu.memory_space<vmem_shared>>) offsets(%dma_start3A_38 : memref<80xi32, #tpu.memory_space<vmem>>) semaphore(%arg9 : memref<!tpu.dma_semaphore, #tpu.memory_space<semaphore_mem>>) {add = true}
      %mul3A_41 = arith.constant 2 : i32
      %mul3A_42 = arith.muli %mul3A_41, %scan3A_23 : i32
      %add3A_43 = arith.constant 1 : i32
      %add3A_44 = arith.addi %mul3A_42, %add3A_43 : i32
      %add3A_45 = arith.constant 1 : i32
      %add3A_46 = arith.addi %add3A_44, %add3A_45 : i32
      %sub3A_47 = arith.constant 1 : i32
      %sub3A_48 = arith.subi %add3A_46, %sub3A_47 : i32
      %dma_wait3A_49 = arith.constant 0 : i32
      %dma_wait3A_50 = tpu.memref_slice %arg6[%sub3A_48, %dma_wait3A_49] : memref<125x80xi32, #tpu.memory_space<vmem>> -> memref<1x80xi32, #tpu.memory_space<vmem>>
      %dma_wait3A_51 = tpu.memref_squeeze %dma_wait3A_50 : memref<1x80xi32, #tpu.memory_space<vmem>> -> memref<80xi32, #tpu.memory_space<vmem>>
      %dma_wait3A_52 = arith.constant 0 : i32
      %dma_wait3A_53 = tpu.memref_slice %arg5[%dma_wait3A_52] : memref<10240xf32, #tpu.memory_space<vmem_shared>> -> memref<10240xf32, #tpu.memory_space<vmem_shared>>
      tpu.wait_indirect_dma semaphore(%arg9 : memref<!tpu.dma_semaphore, #tpu.memory_space<semaphore_mem>>) src(%arg7 : memref<80xf32, #tpu.memory_space<vmem>>) dst(%dma_wait3A_53 : memref<10240xf32, #tpu.memory_space<vmem_shared>>)
      %dma_start3A_54 = arith.constant 0 : i32
      %dma_start3A_55 = tpu.memref_slice %arg6[%add3A_46, %dma_start3A_54] : memref<125x80xi32, #tpu.memory_space<vmem>> -> memref<1x80xi32, #tpu.memory_space<vmem>>
      %dma_start3A_56 = tpu.memref_squeeze %dma_start3A_55 : memref<1x80xi32, #tpu.memory_space<vmem>> -> memref<80xi32, #tpu.memory_space<vmem>>
      %dma_start3A_57 = arith.constant 0 : i32
      %dma_start3A_58 = tpu.memref_slice %arg5[%dma_start3A_57] : memref<10240xf32, #tpu.memory_space<vmem_shared>> -> memref<10240xf32, #tpu.memory_space<vmem_shared>>
      tpu.enqueue_indirect_dma source(%arg7 : memref<80xf32, #tpu.memory_space<vmem>>) target(%dma_start3A_58 : memref<10240xf32, #tpu.memory_space<vmem_shared>>) offsets(%dma_start3A_56 : memref<80xi32, #tpu.memory_space<vmem>>) semaphore(%arg8 : memref<!tpu.dma_semaphore, #tpu.memory_space<semaphore_mem>>) {add = true}
    }
    %scan3A_12 = arith.constant 62 : i32
    %dma_wait3A = arith.constant 124 : i32
    %dma_wait3A_13 = arith.constant 0 : i32
    %dma_wait3A_14 = tpu.memref_slice %arg6[%dma_wait3A, %dma_wait3A_13] : memref<125x80xi32, #tpu.memory_space<vmem>> -> memref<1x80xi32, #tpu.memory_space<vmem>>
    %dma_wait3A_15 = tpu.memref_squeeze %dma_wait3A_14 : memref<1x80xi32, #tpu.memory_space<vmem>> -> memref<80xi32, #tpu.memory_space<vmem>>
    %dma_wait3A_16 = arith.constant 0 : i32
    %dma_wait3A_17 = tpu.memref_slice %arg5[%dma_wait3A_16] : memref<10240xf32, #tpu.memory_space<vmem_shared>> -> memref<10240xf32, #tpu.memory_space<vmem_shared>>
    tpu.wait_indirect_dma semaphore(%arg8 : memref<!tpu.dma_semaphore, #tpu.memory_space<semaphore_mem>>) src(%arg7 : memref<80xf32, #tpu.memory_space<vmem>>) dst(%dma_wait3A_17 : memref<10240xf32, #tpu.memory_space<vmem_shared>>)
    %barrier3A_18 = arith.constant 0 : index
    tpu.barrier barrier_id(%barrier3A_18)
    %mul3A_19 = arith.constant 10240 : i32
    %mul3A_20 = arith.muli %arg0, %mul3A_19 : i32
    %add3A_21 = arith.addi %mul3A_20, %multiple_of3A : i32
    %multiple_of3A_22 = tpu.assume_multiple %add3A_21, 128 : i32
    "tpu.region"() ({
      %run_scoped3A = tpu.sem_alloc : memref<!tpu.dma_semaphore, #tpu.memory_space<semaphore_mem>>
      %dma_start3A_23 = tpu.memref_slice %arg4[%multiple_of3A_22] : memref<20480xf32, #tpu.memory_space<hbm>> -> memref<640xf32, #tpu.memory_space<hbm>>
      %dma_start3A_24 = tpu.memref_slice %arg5[%multiple_of3A] : memref<10240xf32, #tpu.memory_space<vmem_shared>> -> memref<640xf32, #tpu.memory_space<vmem_shared>>
      tpu.enqueue_dma source(%dma_start3A_24 : memref<640xf32, #tpu.memory_space<vmem_shared>>) target(%dma_start3A_23 : memref<640xf32, #tpu.memory_space<hbm>>) target_semaphore(%run_scoped3A : memref<!tpu.dma_semaphore, #tpu.memory_space<semaphore_mem>>)
      %dma_wait3A_25 = tpu.memref_slice %arg4[%multiple_of3A_22] : memref<20480xf32, #tpu.memory_space<hbm>> -> memref<640xf32, #tpu.memory_space<hbm>>
      %dma_wait3A_26 = tpu.memref_slice %arg5[%multiple_of3A] : memref<10240xf32, #tpu.memory_space<vmem_shared>> -> memref<640xf32, #tpu.memory_space<vmem_shared>>
      tpu.wait_dma2 semaphore(%run_scoped3A : memref<!tpu.dma_semaphore, #tpu.memory_space<semaphore_mem>>) src(%dma_wait3A_26 : memref<640xf32, #tpu.memory_space<vmem_shared>>) dst(%dma_wait3A_25 : memref<640xf32, #tpu.memory_space<hbm>>)
      tpu.yield
    }) : () -> ()
    return
  }
}

#map = affine_map<(d0, d1) -> (0, 0)>
#map1 = affine_map<(d0, d1) -> (0, 0, 0, 0)>
#map2 = affine_map<(d0, d1) -> (0, 0, 0)>
module attributes {stable_mosaic.version = 14 : i64} {
  func.func @edge_kernel(%arg0: i32, %arg1: i32, %arg2: memref<10000x128xf32, #tpu.memory_space<hbm>>, %arg3: memref<10000x128xf32, #tpu.memory_space<hbm>>, %arg4: memref<32x125x2x80xi32, #tpu.memory_space<hbm>>, %arg5: memref<2x10000x128xf32, #tpu.memory_space<hbm>>, %arg6: memref<10008x128xf32, #tpu.memory_space<vmem_shared>>, %arg7: memref<2x80xi32, #tpu.memory_space<vmem>>, %arg8: memref<2x80xi32, #tpu.memory_space<vmem>>, %arg9: memref<2x80xi32, #tpu.memory_space<vmem>>, %arg10: memref<2x80xi32, #tpu.memory_space<vmem>>, %arg11: memref<80x128xf32, #tpu.memory_space<vmem>>, %arg12: memref<80x128xf32, #tpu.memory_space<vmem>>, %arg13: memref<80x128xf32, #tpu.memory_space<vmem>>, %arg14: memref<80x128xf32, #tpu.memory_space<vmem>>, %arg15: memref<!tpu.dma_semaphore, #tpu.memory_space<semaphore_mem>>, %arg16: memref<!tpu.dma_semaphore, #tpu.memory_space<semaphore_mem>>, %arg17: memref<!tpu.dma_semaphore, #tpu.memory_space<semaphore_mem>>, %arg18: memref<!tpu.dma_semaphore, #tpu.memory_space<semaphore_mem>>, %arg19: memref<!tpu.dma_semaphore, #tpu.memory_space<semaphore_mem>>, %arg20: memref<!tpu.dma_semaphore, #tpu.memory_space<semaphore_mem>>, %arg21: memref<!tpu.dma_semaphore, #tpu.memory_space<semaphore_mem>>, %arg22: memref<!tpu.dma_semaphore, #tpu.memory_space<semaphore_mem>>, %arg23: memref<!tpu.dma_semaphore, #tpu.memory_space<semaphore_mem>>, %arg24: memref<!tpu.dma_semaphore, #tpu.memory_space<semaphore_mem>>, %arg25: memref<!tpu.dma_semaphore, #tpu.memory_space<semaphore_mem>>, %arg26: memref<!tpu.dma_semaphore, #tpu.memory_space<semaphore_mem>>) attributes {dimension_semantics = [#tpu.dimension_semantics<core_parallel>, #tpu.dimension_semantics<subcore_parallel>], iteration_bounds = array<i64: 2, 16>, scalar_prefetch = 0 : i64, scratch_operands = 21 : i64, tpu.core_type = #tpu.core_type<sc_vector_subcore>, window_params = [{transform_indices = #map}, {transform_indices = #map}, {transform_indices = #map1}, {transform_indices = #map2}]} {
    %mul3A = arith.constant 16 : i32
    %mul3A_0 = arith.muli %arg0, %mul3A : i32
    %add3A = arith.addi %mul3A_0, %arg1 : i32
    %mul3A_1 = arith.constant 624 : i32
    %mul3A_2 = arith.muli %arg1, %mul3A_1 : i32
    %multiple_of3A = tpu.assume_multiple %mul3A_2, 8 : i32
    %eq3A = arith.constant 0 : i32
    %eq3A_3 = arith.cmpi eq, %arg0, %eq3A : i32
    %lt3A = arith.constant 15 : i32
    %lt3A_4 = arith.cmpi slt, %arg1, %lt3A : i32
    %and3A = arith.andi %eq3A_3, %lt3A_4 : i1
    %convert_element_type3A = arith.extui %and3A : i1 to i32
    %cond3A = arith.constant 0 : i32
    %cond3A_5 = arith.cmpi ne, %convert_element_type3A, %cond3A : i32
    scf.if %cond3A_5 {
      "tpu.region"() ({
        %run_scoped3A = tpu.sem_alloc : memref<!tpu.dma_semaphore, #tpu.memory_space<semaphore_mem>>
        %dma_start3A_106 = arith.constant 0 : i32
        %dma_start3A_107 = tpu.memref_slice %arg6[%multiple_of3A, %dma_start3A_106] : memref<10008x128xf32, #tpu.memory_space<vmem_shared>> -> memref<624x128xf32, #tpu.memory_space<vmem_shared>>
        %dma_start3A_108 = arith.constant 0 : i32
        %dma_start3A_109 = tpu.memref_slice %arg2[%multiple_of3A, %dma_start3A_108] : memref<10000x128xf32, #tpu.memory_space<hbm>> -> memref<624x128xf32, #tpu.memory_space<hbm>>
        tpu.enqueue_dma source(%dma_start3A_109 : memref<624x128xf32, #tpu.memory_space<hbm>>) target(%dma_start3A_107 : memref<624x128xf32, #tpu.memory_space<vmem_shared>>) target_semaphore(%run_scoped3A : memref<!tpu.dma_semaphore, #tpu.memory_space<semaphore_mem>>)
        %dma_wait3A_110 = arith.constant 0 : i32
        %dma_wait3A_111 = tpu.memref_slice %arg6[%multiple_of3A, %dma_wait3A_110] : memref<10008x128xf32, #tpu.memory_space<vmem_shared>> -> memref<624x128xf32, #tpu.memory_space<vmem_shared>>
        %dma_wait3A_112 = arith.constant 0 : i32
        %dma_wait3A_113 = tpu.memref_slice %arg2[%multiple_of3A, %dma_wait3A_112] : memref<10000x128xf32, #tpu.memory_space<hbm>> -> memref<624x128xf32, #tpu.memory_space<hbm>>
        tpu.wait_dma2 semaphore(%run_scoped3A : memref<!tpu.dma_semaphore, #tpu.memory_space<semaphore_mem>>) src(%dma_wait3A_113 : memref<624x128xf32, #tpu.memory_space<hbm>>) dst(%dma_wait3A_111 : memref<624x128xf32, #tpu.memory_space<vmem_shared>>)
        tpu.yield
      }) : () -> ()
    } else {
    }
    %eq3A_6 = arith.constant 0 : i32
    %eq3A_7 = arith.cmpi eq, %arg0, %eq3A_6 : i32
    %eq3A_8 = arith.constant 15 : i32
    %eq3A_9 = arith.cmpi eq, %arg1, %eq3A_8 : i32
    %and3A_10 = arith.andi %eq3A_7, %eq3A_9 : i1
    %convert_element_type3A_11 = arith.extui %and3A_10 : i1 to i32
    %cond3A_12 = arith.constant 0 : i32
    %cond3A_13 = arith.cmpi ne, %convert_element_type3A_11, %cond3A_12 : i32
    scf.if %cond3A_13 {
      "tpu.region"() ({
        %run_scoped3A = tpu.sem_alloc : memref<!tpu.dma_semaphore, #tpu.memory_space<semaphore_mem>>
        %dma_start3A_106 = arith.constant 9360 : i32
        %dma_start3A_107 = arith.constant 0 : i32
        %dma_start3A_108 = tpu.memref_slice %arg6[%dma_start3A_106, %dma_start3A_107] : memref<10008x128xf32, #tpu.memory_space<vmem_shared>> -> memref<640x128xf32, #tpu.memory_space<vmem_shared>>
        %dma_start3A_109 = arith.constant 9360 : i32
        %dma_start3A_110 = arith.constant 0 : i32
        %dma_start3A_111 = tpu.memref_slice %arg2[%dma_start3A_109, %dma_start3A_110] : memref<10000x128xf32, #tpu.memory_space<hbm>> -> memref<640x128xf32, #tpu.memory_space<hbm>>
        tpu.enqueue_dma source(%dma_start3A_111 : memref<640x128xf32, #tpu.memory_space<hbm>>) target(%dma_start3A_108 : memref<640x128xf32, #tpu.memory_space<vmem_shared>>) target_semaphore(%run_scoped3A : memref<!tpu.dma_semaphore, #tpu.memory_space<semaphore_mem>>)
        %dma_wait3A_112 = arith.constant 9360 : i32
        %dma_wait3A_113 = arith.constant 0 : i32
        %dma_wait3A_114 = tpu.memref_slice %arg6[%dma_wait3A_112, %dma_wait3A_113] : memref<10008x128xf32, #tpu.memory_space<vmem_shared>> -> memref<640x128xf32, #tpu.memory_space<vmem_shared>>
        %dma_wait3A_115 = arith.constant 9360 : i32
        %dma_wait3A_116 = arith.constant 0 : i32
        %dma_wait3A_117 = tpu.memref_slice %arg2[%dma_wait3A_115, %dma_wait3A_116] : memref<10000x128xf32, #tpu.memory_space<hbm>> -> memref<640x128xf32, #tpu.memory_space<hbm>>
        tpu.wait_dma2 semaphore(%run_scoped3A : memref<!tpu.dma_semaphore, #tpu.memory_space<semaphore_mem>>) src(%dma_wait3A_117 : memref<640x128xf32, #tpu.memory_space<hbm>>) dst(%dma_wait3A_114 : memref<640x128xf32, #tpu.memory_space<vmem_shared>>)
        tpu.yield
      }) : () -> ()
    } else {
    }
    %eq3A_14 = arith.constant 1 : i32
    %eq3A_15 = arith.cmpi eq, %arg0, %eq3A_14 : i32
    %lt3A_16 = arith.constant 15 : i32
    %lt3A_17 = arith.cmpi slt, %arg1, %lt3A_16 : i32
    %and3A_18 = arith.andi %eq3A_15, %lt3A_17 : i1
    %convert_element_type3A_19 = arith.extui %and3A_18 : i1 to i32
    %cond3A_20 = arith.constant 0 : i32
    %cond3A_21 = arith.cmpi ne, %convert_element_type3A_19, %cond3A_20 : i32
    scf.if %cond3A_21 {
      "tpu.region"() ({
        %run_scoped3A = tpu.sem_alloc : memref<!tpu.dma_semaphore, #tpu.memory_space<semaphore_mem>>
        %dma_start3A_106 = arith.constant 0 : i32
        %dma_start3A_107 = tpu.memref_slice %arg6[%multiple_of3A, %dma_start3A_106] : memref<10008x128xf32, #tpu.memory_space<vmem_shared>> -> memref<624x128xf32, #tpu.memory_space<vmem_shared>>
        %dma_start3A_108 = arith.constant 0 : i32
        %dma_start3A_109 = tpu.memref_slice %arg3[%multiple_of3A, %dma_start3A_108] : memref<10000x128xf32, #tpu.memory_space<hbm>> -> memref<624x128xf32, #tpu.memory_space<hbm>>
        tpu.enqueue_dma source(%dma_start3A_109 : memref<624x128xf32, #tpu.memory_space<hbm>>) target(%dma_start3A_107 : memref<624x128xf32, #tpu.memory_space<vmem_shared>>) target_semaphore(%run_scoped3A : memref<!tpu.dma_semaphore, #tpu.memory_space<semaphore_mem>>)
        %dma_wait3A_110 = arith.constant 0 : i32
        %dma_wait3A_111 = tpu.memref_slice %arg6[%multiple_of3A, %dma_wait3A_110] : memref<10008x128xf32, #tpu.memory_space<vmem_shared>> -> memref<624x128xf32, #tpu.memory_space<vmem_shared>>
        %dma_wait3A_112 = arith.constant 0 : i32
        %dma_wait3A_113 = tpu.memref_slice %arg3[%multiple_of3A, %dma_wait3A_112] : memref<10000x128xf32, #tpu.memory_space<hbm>> -> memref<624x128xf32, #tpu.memory_space<hbm>>
        tpu.wait_dma2 semaphore(%run_scoped3A : memref<!tpu.dma_semaphore, #tpu.memory_space<semaphore_mem>>) src(%dma_wait3A_113 : memref<624x128xf32, #tpu.memory_space<hbm>>) dst(%dma_wait3A_111 : memref<624x128xf32, #tpu.memory_space<vmem_shared>>)
        tpu.yield
      }) : () -> ()
    } else {
    }
    %eq3A_22 = arith.constant 1 : i32
    %eq3A_23 = arith.cmpi eq, %arg0, %eq3A_22 : i32
    %eq3A_24 = arith.constant 15 : i32
    %eq3A_25 = arith.cmpi eq, %arg1, %eq3A_24 : i32
    %and3A_26 = arith.andi %eq3A_23, %eq3A_25 : i1
    %convert_element_type3A_27 = arith.extui %and3A_26 : i1 to i32
    %cond3A_28 = arith.constant 0 : i32
    %cond3A_29 = arith.cmpi ne, %convert_element_type3A_27, %cond3A_28 : i32
    scf.if %cond3A_29 {
      "tpu.region"() ({
        %run_scoped3A = tpu.sem_alloc : memref<!tpu.dma_semaphore, #tpu.memory_space<semaphore_mem>>
        %dma_start3A_106 = arith.constant 9360 : i32
        %dma_start3A_107 = arith.constant 0 : i32
        %dma_start3A_108 = tpu.memref_slice %arg6[%dma_start3A_106, %dma_start3A_107] : memref<10008x128xf32, #tpu.memory_space<vmem_shared>> -> memref<640x128xf32, #tpu.memory_space<vmem_shared>>
        %dma_start3A_109 = arith.constant 9360 : i32
        %dma_start3A_110 = arith.constant 0 : i32
        %dma_start3A_111 = tpu.memref_slice %arg3[%dma_start3A_109, %dma_start3A_110] : memref<10000x128xf32, #tpu.memory_space<hbm>> -> memref<640x128xf32, #tpu.memory_space<hbm>>
        tpu.enqueue_dma source(%dma_start3A_111 : memref<640x128xf32, #tpu.memory_space<hbm>>) target(%dma_start3A_108 : memref<640x128xf32, #tpu.memory_space<vmem_shared>>) target_semaphore(%run_scoped3A : memref<!tpu.dma_semaphore, #tpu.memory_space<semaphore_mem>>)
        %dma_wait3A_112 = arith.constant 9360 : i32
        %dma_wait3A_113 = arith.constant 0 : i32
        %dma_wait3A_114 = tpu.memref_slice %arg6[%dma_wait3A_112, %dma_wait3A_113] : memref<10008x128xf32, #tpu.memory_space<vmem_shared>> -> memref<640x128xf32, #tpu.memory_space<vmem_shared>>
        %dma_wait3A_115 = arith.constant 9360 : i32
        %dma_wait3A_116 = arith.constant 0 : i32
        %dma_wait3A_117 = tpu.memref_slice %arg3[%dma_wait3A_115, %dma_wait3A_116] : memref<10000x128xf32, #tpu.memory_space<hbm>> -> memref<640x128xf32, #tpu.memory_space<hbm>>
        tpu.wait_dma2 semaphore(%run_scoped3A : memref<!tpu.dma_semaphore, #tpu.memory_space<semaphore_mem>>) src(%dma_wait3A_117 : memref<640x128xf32, #tpu.memory_space<hbm>>) dst(%dma_wait3A_114 : memref<640x128xf32, #tpu.memory_space<vmem_shared>>)
        tpu.yield
      }) : () -> ()
    } else {
    }
    %barrier3A = arith.constant 0 : index
    tpu.barrier barrier_id(%barrier3A)
    %dma_start3A = arith.constant 0 : i32
    %dma_start3A_30 = arith.constant 0 : i32
    %dma_start3A_31 = arith.constant 0 : i32
    %dma_start3A_32 = tpu.memref_slice %arg4[%add3A, %dma_start3A, %dma_start3A_30, %dma_start3A_31] : memref<32x125x2x80xi32, #tpu.memory_space<hbm>> -> memref<1x1x2x80xi32, #tpu.memory_space<hbm>>
    %dma_start3A_33 = tpu.memref_squeeze %dma_start3A_32 : memref<1x1x2x80xi32, #tpu.memory_space<hbm>> -> memref<2x80xi32, #tpu.memory_space<hbm>>
    %dma_start3A_34 = arith.constant 0 : i32
    %dma_start3A_35 = arith.constant 0 : i32
    %dma_start3A_36 = tpu.memref_slice %arg4[%add3A, %dma_start3A, %dma_start3A_34, %dma_start3A_35] : memref<32x125x2x80xi32, #tpu.memory_space<hbm>> -> memref<1x1x2x80xi32, #tpu.memory_space<hbm>>
    %dma_start3A_37 = tpu.memref_squeeze %dma_start3A_36 : memref<1x1x2x80xi32, #tpu.memory_space<hbm>> -> memref<2x80xi32, #tpu.memory_space<hbm>>
    tpu.enqueue_dma source(%dma_start3A_37 : memref<2x80xi32, #tpu.memory_space<hbm>>) target(%arg7 : memref<2x80xi32, #tpu.memory_space<vmem>>) target_semaphore(%arg15 : memref<!tpu.dma_semaphore, #tpu.memory_space<semaphore_mem>>)
    %dma_start3A_38 = arith.constant 1 : i32
    %dma_start3A_39 = arith.constant 0 : i32
    %dma_start3A_40 = arith.constant 0 : i32
    %dma_start3A_41 = tpu.memref_slice %arg4[%add3A, %dma_start3A_38, %dma_start3A_39, %dma_start3A_40] : memref<32x125x2x80xi32, #tpu.memory_space<hbm>> -> memref<1x1x2x80xi32, #tpu.memory_space<hbm>>
    %dma_start3A_42 = tpu.memref_squeeze %dma_start3A_41 : memref<1x1x2x80xi32, #tpu.memory_space<hbm>> -> memref<2x80xi32, #tpu.memory_space<hbm>>
    %dma_start3A_43 = arith.constant 0 : i32
    %dma_start3A_44 = arith.constant 0 : i32
    %dma_start3A_45 = tpu.memref_slice %arg4[%add3A, %dma_start3A_38, %dma_start3A_43, %dma_start3A_44] : memref<32x125x2x80xi32, #tpu.memory_space<hbm>> -> memref<1x1x2x80xi32, #tpu.memory_space<hbm>>
    %dma_start3A_46 = tpu.memref_squeeze %dma_start3A_45 : memref<1x1x2x80xi32, #tpu.memory_space<hbm>> -> memref<2x80xi32, #tpu.memory_space<hbm>>
    tpu.enqueue_dma source(%dma_start3A_46 : memref<2x80xi32, #tpu.memory_space<hbm>>) target(%arg8 : memref<2x80xi32, #tpu.memory_space<vmem>>) target_semaphore(%arg16 : memref<!tpu.dma_semaphore, #tpu.memory_space<semaphore_mem>>)
    %dma_wait3A = arith.constant 0 : i32
    %dma_wait3A_47 = arith.constant 0 : i32
    %dma_wait3A_48 = arith.constant 0 : i32
    %dma_wait3A_49 = tpu.memref_slice %arg4[%add3A, %dma_wait3A, %dma_wait3A_47, %dma_wait3A_48] : memref<32x125x2x80xi32, #tpu.memory_space<hbm>> -> memref<1x1x2x80xi32, #tpu.memory_space<hbm>>
    %dma_wait3A_50 = tpu.memref_squeeze %dma_wait3A_49 : memref<1x1x2x80xi32, #tpu.memory_space<hbm>> -> memref<2x80xi32, #tpu.memory_space<hbm>>
    %dma_wait3A_51 = arith.constant 0 : i32
    %dma_wait3A_52 = arith.constant 0 : i32
    %dma_wait3A_53 = tpu.memref_slice %arg4[%add3A, %dma_wait3A, %dma_wait3A_51, %dma_wait3A_52] : memref<32x125x2x80xi32, #tpu.memory_space<hbm>> -> memref<1x1x2x80xi32, #tpu.memory_space<hbm>>
    %dma_wait3A_54 = tpu.memref_squeeze %dma_wait3A_53 : memref<1x1x2x80xi32, #tpu.memory_space<hbm>> -> memref<2x80xi32, #tpu.memory_space<hbm>>
    tpu.wait_dma2 semaphore(%arg15 : memref<!tpu.dma_semaphore, #tpu.memory_space<semaphore_mem>>) src(%dma_wait3A_54 : memref<2x80xi32, #tpu.memory_space<hbm>>) dst(%arg7 : memref<2x80xi32, #tpu.memory_space<vmem>>)
    %dma_start3A_55 = arith.constant 0 : i32
    %dma_start3A_56 = arith.constant 0 : i32
    %dma_start3A_57 = tpu.memref_slice %arg7[%dma_start3A_55, %dma_start3A_56] : memref<2x80xi32, #tpu.memory_space<vmem>> -> memref<1x80xi32, #tpu.memory_space<vmem>>
    %dma_start3A_58 = tpu.memref_squeeze %dma_start3A_57 : memref<1x80xi32, #tpu.memory_space<vmem>> -> memref<80xi32, #tpu.memory_space<vmem>>
    %dma_start3A_59 = arith.constant 0 : i32
    %dma_start3A_60 = arith.constant 0 : i32
    %dma_start3A_61 = tpu.memref_slice %arg2[%dma_start3A_59, %dma_start3A_60] : memref<10000x128xf32, #tpu.memory_space<hbm>> -> memref<10000x128xf32, #tpu.memory_space<hbm>>
    tpu.enqueue_indirect_dma source(%dma_start3A_61 : memref<10000x128xf32, #tpu.memory_space<hbm>>) target(%arg11 : memref<80x128xf32, #tpu.memory_space<vmem>>) offsets(%dma_start3A_58 : memref<80xi32, #tpu.memory_space<vmem>>) semaphore(%arg19 : memref<!tpu.dma_semaphore, #tpu.memory_space<semaphore_mem>>)
    %scan3A = arith.constant 0 : i32
    %scan3A_62 = arith.constant 0 : i32
    %scan3A_63 = arith.constant 31 : i32
    %scan3A_64 = arith.addi %scan3A_62, %scan3A_63 : i32
    %scan3A_65 = arith.constant 1 : i32
    scf.for %scan3A_106 = %scan3A_62 to %scan3A_64 step %scan3A_65  : i32 {
      %mul3A_107 = arith.constant 4 : i32
      %mul3A_108 = arith.muli %mul3A_107, %scan3A_106 : i32
      %add3A_109 = arith.constant 0 : i32
      %add3A_110 = arith.addi %mul3A_108, %add3A_109 : i32
      %add3A_111 = arith.constant 1 : i32
      %add3A_112 = arith.addi %add3A_110, %add3A_111 : i32
      %dma_wait3A_113 = arith.constant 0 : i32
      %dma_wait3A_114 = arith.constant 0 : i32
      %dma_wait3A_115 = tpu.memref_slice %arg4[%add3A, %add3A_112, %dma_wait3A_113, %dma_wait3A_114] : memref<32x125x2x80xi32, #tpu.memory_space<hbm>> -> memref<1x1x2x80xi32, #tpu.memory_space<hbm>>
      %dma_wait3A_116 = tpu.memref_squeeze %dma_wait3A_115 : memref<1x1x2x80xi32, #tpu.memory_space<hbm>> -> memref<2x80xi32, #tpu.memory_space<hbm>>
      %dma_wait3A_117 = arith.constant 0 : i32
      %dma_wait3A_118 = arith.constant 0 : i32
      %dma_wait3A_119 = tpu.memref_slice %arg4[%add3A, %add3A_112, %dma_wait3A_117, %dma_wait3A_118] : memref<32x125x2x80xi32, #tpu.memory_space<hbm>> -> memref<1x1x2x80xi32, #tpu.memory_space<hbm>>
      %dma_wait3A_120 = tpu.memref_squeeze %dma_wait3A_119 : memref<1x1x2x80xi32, #tpu.memory_space<hbm>> -> memref<2x80xi32, #tpu.memory_space<hbm>>
      tpu.wait_dma2 semaphore(%arg16 : memref<!tpu.dma_semaphore, #tpu.memory_space<semaphore_mem>>) src(%dma_wait3A_120 : memref<2x80xi32, #tpu.memory_space<hbm>>) dst(%arg8 : memref<2x80xi32, #tpu.memory_space<vmem>>)
      %dma_start3A_121 = arith.constant 0 : i32
      %dma_start3A_122 = arith.constant 0 : i32
      %dma_start3A_123 = tpu.memref_slice %arg8[%dma_start3A_121, %dma_start3A_122] : memref<2x80xi32, #tpu.memory_space<vmem>> -> memref<1x80xi32, #tpu.memory_space<vmem>>
      %dma_start3A_124 = tpu.memref_squeeze %dma_start3A_123 : memref<1x80xi32, #tpu.memory_space<vmem>> -> memref<80xi32, #tpu.memory_space<vmem>>
      %dma_start3A_125 = arith.constant 0 : i32
      %dma_start3A_126 = arith.constant 0 : i32
      %dma_start3A_127 = tpu.memref_slice %arg2[%dma_start3A_125, %dma_start3A_126] : memref<10000x128xf32, #tpu.memory_space<hbm>> -> memref<10000x128xf32, #tpu.memory_space<hbm>>
      tpu.enqueue_indirect_dma source(%dma_start3A_127 : memref<10000x128xf32, #tpu.memory_space<hbm>>) target(%arg12 : memref<80x128xf32, #tpu.memory_space<vmem>>) offsets(%dma_start3A_124 : memref<80xi32, #tpu.memory_space<vmem>>) semaphore(%arg20 : memref<!tpu.dma_semaphore, #tpu.memory_space<semaphore_mem>>)
      %dma_wait3A_128 = arith.constant 0 : i32
      %dma_wait3A_129 = arith.constant 0 : i32
      %dma_wait3A_130 = tpu.memref_slice %arg7[%dma_wait3A_128, %dma_wait3A_129] : memref<2x80xi32, #tpu.memory_space<vmem>> -> memref<1x80xi32, #tpu.memory_space<vmem>>
      %dma_wait3A_131 = tpu.memref_squeeze %dma_wait3A_130 : memref<1x80xi32, #tpu.memory_space<vmem>> -> memref<80xi32, #tpu.memory_space<vmem>>
      %dma_wait3A_132 = arith.constant 0 : i32
      %dma_wait3A_133 = arith.constant 0 : i32
      %dma_wait3A_134 = tpu.memref_slice %arg2[%dma_wait3A_132, %dma_wait3A_133] : memref<10000x128xf32, #tpu.memory_space<hbm>> -> memref<10000x128xf32, #tpu.memory_space<hbm>>
      tpu.wait_indirect_dma semaphore(%arg19 : memref<!tpu.dma_semaphore, #tpu.memory_space<semaphore_mem>>) src(%dma_wait3A_134 : memref<10000x128xf32, #tpu.memory_space<hbm>>) dst(%arg11 : memref<80x128xf32, #tpu.memory_space<vmem>>)
      %ge3A = arith.constant 1 : i32
      %ge3A_135 = arith.cmpi sge, %add3A_110, %ge3A : i32
      %convert_element_type3A_136 = arith.extui %ge3A_135 : i1 to i32
      %cond3A_137 = arith.constant 0 : i32
      %cond3A_138 = arith.cmpi ne, %convert_element_type3A_136, %cond3A_137 : i32
      scf.if %cond3A_138 {
        %dma_wait3A_294 = arith.constant 1 : i32
        %dma_wait3A_295 = arith.constant 0 : i32
        %dma_wait3A_296 = tpu.memref_slice %arg10[%dma_wait3A_294, %dma_wait3A_295] : memref<2x80xi32, #tpu.memory_space<vmem>> -> memref<1x80xi32, #tpu.memory_space<vmem>>
        %dma_wait3A_297 = tpu.memref_squeeze %dma_wait3A_296 : memref<1x80xi32, #tpu.memory_space<vmem>> -> memref<80xi32, #tpu.memory_space<vmem>>
        %dma_wait3A_298 = arith.constant 0 : i32
        %dma_wait3A_299 = arith.constant 0 : i32
        %dma_wait3A_300 = tpu.memref_slice %arg6[%dma_wait3A_298, %dma_wait3A_299] : memref<10008x128xf32, #tpu.memory_space<vmem_shared>> -> memref<10008x128xf32, #tpu.memory_space<vmem_shared>>
        tpu.wait_indirect_dma semaphore(%arg26 : memref<!tpu.dma_semaphore, #tpu.memory_space<semaphore_mem>>) src(%arg14 : memref<80x128xf32, #tpu.memory_space<vmem>>) dst(%dma_wait3A_300 : memref<10008x128xf32, #tpu.memory_space<vmem_shared>>)
      } else {
      }
      %dma_start3A_139 = arith.constant 1 : i32
      %dma_start3A_140 = arith.constant 0 : i32
      %dma_start3A_141 = tpu.memref_slice %arg7[%dma_start3A_139, %dma_start3A_140] : memref<2x80xi32, #tpu.memory_space<vmem>> -> memref<1x80xi32, #tpu.memory_space<vmem>>
      %dma_start3A_142 = tpu.memref_squeeze %dma_start3A_141 : memref<1x80xi32, #tpu.memory_space<vmem>> -> memref<80xi32, #tpu.memory_space<vmem>>
      %dma_start3A_143 = arith.constant 0 : i32
      %dma_start3A_144 = arith.constant 0 : i32
      %dma_start3A_145 = tpu.memref_slice %arg6[%dma_start3A_143, %dma_start3A_144] : memref<10008x128xf32, #tpu.memory_space<vmem_shared>> -> memref<10008x128xf32, #tpu.memory_space<vmem_shared>>
      tpu.enqueue_indirect_dma source(%arg11 : memref<80x128xf32, #tpu.memory_space<vmem>>) target(%dma_start3A_145 : memref<10008x128xf32, #tpu.memory_space<vmem_shared>>) offsets(%dma_start3A_142 : memref<80xi32, #tpu.memory_space<vmem>>) semaphore(%arg23 : memref<!tpu.dma_semaphore, #tpu.memory_space<semaphore_mem>>) {add = true}
      %add3A_146 = arith.constant 2 : i32
      %add3A_147 = arith.addi %add3A_110, %add3A_146 : i32
      %lt3A_148 = arith.constant 125 : i32
      %lt3A_149 = arith.cmpi slt, %add3A_147, %lt3A_148 : i32
      %convert_element_type3A_150 = arith.extui %lt3A_149 : i1 to i32
      %cond3A_151 = arith.constant 0 : i32
      %cond3A_152 = arith.cmpi ne, %convert_element_type3A_150, %cond3A_151 : i32
      scf.if %cond3A_152 {
        %add3A_294 = arith.constant 2 : i32
        %add3A_295 = arith.addi %add3A_110, %add3A_294 : i32
        %dma_start3A_296 = arith.constant 0 : i32
        %dma_start3A_297 = arith.constant 0 : i32
        %dma_start3A_298 = tpu.memref_slice %arg4[%add3A, %add3A_295, %dma_start3A_296, %dma_start3A_297] : memref<32x125x2x80xi32, #tpu.memory_space<hbm>> -> memref<1x1x2x80xi32, #tpu.memory_space<hbm>>
        %dma_start3A_299 = tpu.memref_squeeze %dma_start3A_298 : memref<1x1x2x80xi32, #tpu.memory_space<hbm>> -> memref<2x80xi32, #tpu.memory_space<hbm>>
        %dma_start3A_300 = arith.constant 0 : i32
        %dma_start3A_301 = arith.constant 0 : i32
        %dma_start3A_302 = tpu.memref_slice %arg4[%add3A, %add3A_295, %dma_start3A_300, %dma_start3A_301] : memref<32x125x2x80xi32, #tpu.memory_space<hbm>> -> memref<1x1x2x80xi32, #tpu.memory_space<hbm>>
        %dma_start3A_303 = tpu.memref_squeeze %dma_start3A_302 : memref<1x1x2x80xi32, #tpu.memory_space<hbm>> -> memref<2x80xi32, #tpu.memory_space<hbm>>
        tpu.enqueue_dma source(%dma_start3A_303 : memref<2x80xi32, #tpu.memory_space<hbm>>) target(%arg9 : memref<2x80xi32, #tpu.memory_space<vmem>>) target_semaphore(%arg17 : memref<!tpu.dma_semaphore, #tpu.memory_space<semaphore_mem>>)
      } else {
      }
      %mul3A_153 = arith.constant 4 : i32
      %mul3A_154 = arith.muli %mul3A_153, %scan3A_106 : i32
      %add3A_155 = arith.constant 1 : i32
      %add3A_156 = arith.addi %mul3A_154, %add3A_155 : i32
      %add3A_157 = arith.constant 1 : i32
      %add3A_158 = arith.addi %add3A_156, %add3A_157 : i32
      %dma_wait3A_159 = arith.constant 0 : i32
      %dma_wait3A_160 = arith.constant 0 : i32
      %dma_wait3A_161 = tpu.memref_slice %arg4[%add3A, %add3A_158, %dma_wait3A_159, %dma_wait3A_160] : memref<32x125x2x80xi32, #tpu.memory_space<hbm>> -> memref<1x1x2x80xi32, #tpu.memory_space<hbm>>
      %dma_wait3A_162 = tpu.memref_squeeze %dma_wait3A_161 : memref<1x1x2x80xi32, #tpu.memory_space<hbm>> -> memref<2x80xi32, #tpu.memory_space<hbm>>
      %dma_wait3A_163 = arith.constant 0 : i32
      %dma_wait3A_164 = arith.constant 0 : i32
      %dma_wait3A_165 = tpu.memref_slice %arg4[%add3A, %add3A_158, %dma_wait3A_163, %dma_wait3A_164] : memref<32x125x2x80xi32, #tpu.memory_space<hbm>> -> memref<1x1x2x80xi32, #tpu.memory_space<hbm>>
      %dma_wait3A_166 = tpu.memref_squeeze %dma_wait3A_165 : memref<1x1x2x80xi32, #tpu.memory_space<hbm>> -> memref<2x80xi32, #tpu.memory_space<hbm>>
      tpu.wait_dma2 semaphore(%arg17 : memref<!tpu.dma_semaphore, #tpu.memory_space<semaphore_mem>>) src(%dma_wait3A_166 : memref<2x80xi32, #tpu.memory_space<hbm>>) dst(%arg9 : memref<2x80xi32, #tpu.memory_space<vmem>>)
      %dma_start3A_167 = arith.constant 0 : i32
      %dma_start3A_168 = arith.constant 0 : i32
      %dma_start3A_169 = tpu.memref_slice %arg9[%dma_start3A_167, %dma_start3A_168] : memref<2x80xi32, #tpu.memory_space<vmem>> -> memref<1x80xi32, #tpu.memory_space<vmem>>
      %dma_start3A_170 = tpu.memref_squeeze %dma_start3A_169 : memref<1x80xi32, #tpu.memory_space<vmem>> -> memref<80xi32, #tpu.memory_space<vmem>>
      %dma_start3A_171 = arith.constant 0 : i32
      %dma_start3A_172 = arith.constant 0 : i32
      %dma_start3A_173 = tpu.memref_slice %arg2[%dma_start3A_171, %dma_start3A_172] : memref<10000x128xf32, #tpu.memory_space<hbm>> -> memref<10000x128xf32, #tpu.memory_space<hbm>>
      tpu.enqueue_indirect_dma source(%dma_start3A_173 : memref<10000x128xf32, #tpu.memory_space<hbm>>) target(%arg13 : memref<80x128xf32, #tpu.memory_space<vmem>>) offsets(%dma_start3A_170 : memref<80xi32, #tpu.memory_space<vmem>>) semaphore(%arg21 : memref<!tpu.dma_semaphore, #tpu.memory_space<semaphore_mem>>)
      %dma_wait3A_174 = arith.constant 0 : i32
      %dma_wait3A_175 = arith.constant 0 : i32
      %dma_wait3A_176 = tpu.memref_slice %arg8[%dma_wait3A_174, %dma_wait3A_175] : memref<2x80xi32, #tpu.memory_space<vmem>> -> memref<1x80xi32, #tpu.memory_space<vmem>>
      %dma_wait3A_177 = tpu.memref_squeeze %dma_wait3A_176 : memref<1x80xi32, #tpu.memory_space<vmem>> -> memref<80xi32, #tpu.memory_space<vmem>>
      %dma_wait3A_178 = arith.constant 0 : i32
      %dma_wait3A_179 = arith.constant 0 : i32
      %dma_wait3A_180 = tpu.memref_slice %arg2[%dma_wait3A_178, %dma_wait3A_179] : memref<10000x128xf32, #tpu.memory_space<hbm>> -> memref<10000x128xf32, #tpu.memory_space<hbm>>
      tpu.wait_indirect_dma semaphore(%arg20 : memref<!tpu.dma_semaphore, #tpu.memory_space<semaphore_mem>>) src(%dma_wait3A_180 : memref<10000x128xf32, #tpu.memory_space<hbm>>) dst(%arg12 : memref<80x128xf32, #tpu.memory_space<vmem>>)
      %ge3A_181 = arith.constant 1 : i32
      %ge3A_182 = arith.cmpi sge, %add3A_156, %ge3A_181 : i32
      %convert_element_type3A_183 = arith.extui %ge3A_182 : i1 to i32
      %cond3A_184 = arith.constant 0 : i32
      %cond3A_185 = arith.cmpi ne, %convert_element_type3A_183, %cond3A_184 : i32
      scf.if %cond3A_185 {
        %dma_wait3A_294 = arith.constant 1 : i32
        %dma_wait3A_295 = arith.constant 0 : i32
        %dma_wait3A_296 = tpu.memref_slice %arg7[%dma_wait3A_294, %dma_wait3A_295] : memref<2x80xi32, #tpu.memory_space<vmem>> -> memref<1x80xi32, #tpu.memory_space<vmem>>
        %dma_wait3A_297 = tpu.memref_squeeze %dma_wait3A_296 : memref<1x80xi32, #tpu.memory_space<vmem>> -> memref<80xi32, #tpu.memory_space<vmem>>
        %dma_wait3A_298 = arith.constant 0 : i32
        %dma_wait3A_299 = arith.constant 0 : i32
        %dma_wait3A_300 = tpu.memref_slice %arg6[%dma_wait3A_298, %dma_wait3A_299] : memref<10008x128xf32, #tpu.memory_space<vmem_shared>> -> memref<10008x128xf32, #tpu.memory_space<vmem_shared>>
        tpu.wait_indirect_dma semaphore(%arg23 : memref<!tpu.dma_semaphore, #tpu.memory_space<semaphore_mem>>) src(%arg11 : memref<80x128xf32, #tpu.memory_space<vmem>>) dst(%dma_wait3A_300 : memref<10008x128xf32, #tpu.memory_space<vmem_shared>>)
      } else {
      }
      %dma_start3A_186 = arith.constant 1 : i32
      %dma_start3A_187 = arith.constant 0 : i32
      %dma_start3A_188 = tpu.memref_slice %arg8[%dma_start3A_186, %dma_start3A_187] : memref<2x80xi32, #tpu.memory_space<vmem>> -> memref<1x80xi32, #tpu.memory_space<vmem>>
      %dma_start3A_189 = tpu.memref_squeeze %dma_start3A_188 : memref<1x80xi32, #tpu.memory_space<vmem>> -> memref<80xi32, #tpu.memory_space<vmem>>
      %dma_start3A_190 = arith.constant 0 : i32
      %dma_start3A_191 = arith.constant 0 : i32
      %dma_start3A_192 = tpu.memref_slice %arg6[%dma_start3A_190, %dma_start3A_191] : memref<10008x128xf32, #tpu.memory_space<vmem_shared>> -> memref<10008x128xf32, #tpu.memory_space<vmem_shared>>
      tpu.enqueue_indirect_dma source(%arg12 : memref<80x128xf32, #tpu.memory_space<vmem>>) target(%dma_start3A_192 : memref<10008x128xf32, #tpu.memory_space<vmem_shared>>) offsets(%dma_start3A_189 : memref<80xi32, #tpu.memory_space<vmem>>) semaphore(%arg24 : memref<!tpu.dma_semaphore, #tpu.memory_space<semaphore_mem>>) {add = true}
      %add3A_193 = arith.constant 2 : i32
      %add3A_194 = arith.addi %add3A_156, %add3A_193 : i32
      %lt3A_195 = arith.constant 125 : i32
      %lt3A_196 = arith.cmpi slt, %add3A_194, %lt3A_195 : i32
      %convert_element_type3A_197 = arith.extui %lt3A_196 : i1 to i32
      %cond3A_198 = arith.constant 0 : i32
      %cond3A_199 = arith.cmpi ne, %convert_element_type3A_197, %cond3A_198 : i32
      scf.if %cond3A_199 {
        %add3A_294 = arith.constant 2 : i32
        %add3A_295 = arith.addi %add3A_156, %add3A_294 : i32
        %dma_start3A_296 = arith.constant 0 : i32
        %dma_start3A_297 = arith.constant 0 : i32
        %dma_start3A_298 = tpu.memref_slice %arg4[%add3A, %add3A_295, %dma_start3A_296, %dma_start3A_297] : memref<32x125x2x80xi32, #tpu.memory_space<hbm>> -> memref<1x1x2x80xi32, #tpu.memory_space<hbm>>
        %dma_start3A_299 = tpu.memref_squeeze %dma_start3A_298 : memref<1x1x2x80xi32, #tpu.memory_space<hbm>> -> memref<2x80xi32, #tpu.memory_space<hbm>>
        %dma_start3A_300 = arith.constant 0 : i32
        %dma_start3A_301 = arith.constant 0 : i32
        %dma_start3A_302 = tpu.memref_slice %arg4[%add3A, %add3A_295, %dma_start3A_300, %dma_start3A_301] : memref<32x125x2x80xi32, #tpu.memory_space<hbm>> -> memref<1x1x2x80xi32, #tpu.memory_space<hbm>>
        %dma_start3A_303 = tpu.memref_squeeze %dma_start3A_302 : memref<1x1x2x80xi32, #tpu.memory_space<hbm>> -> memref<2x80xi32, #tpu.memory_space<hbm>>
        tpu.enqueue_dma source(%dma_start3A_303 : memref<2x80xi32, #tpu.memory_space<hbm>>) target(%arg10 : memref<2x80xi32, #tpu.memory_space<vmem>>) target_semaphore(%arg18 : memref<!tpu.dma_semaphore, #tpu.memory_space<semaphore_mem>>)
      } else {
      }
      %mul3A_200 = arith.constant 4 : i32
      %mul3A_201 = arith.muli %mul3A_200, %scan3A_106 : i32
      %add3A_202 = arith.constant 2 : i32
      %add3A_203 = arith.addi %mul3A_201, %add3A_202 : i32
      %add3A_204 = arith.constant 1 : i32
      %add3A_205 = arith.addi %add3A_203, %add3A_204 : i32
      %dma_wait3A_206 = arith.constant 0 : i32
      %dma_wait3A_207 = arith.constant 0 : i32
      %dma_wait3A_208 = tpu.memref_slice %arg4[%add3A, %add3A_205, %dma_wait3A_206, %dma_wait3A_207] : memref<32x125x2x80xi32, #tpu.memory_space<hbm>> -> memref<1x1x2x80xi32, #tpu.memory_space<hbm>>
      %dma_wait3A_209 = tpu.memref_squeeze %dma_wait3A_208 : memref<1x1x2x80xi32, #tpu.memory_space<hbm>> -> memref<2x80xi32, #tpu.memory_space<hbm>>
      %dma_wait3A_210 = arith.constant 0 : i32
      %dma_wait3A_211 = arith.constant 0 : i32
      %dma_wait3A_212 = tpu.memref_slice %arg4[%add3A, %add3A_205, %dma_wait3A_210, %dma_wait3A_211] : memref<32x125x2x80xi32, #tpu.memory_space<hbm>> -> memref<1x1x2x80xi32, #tpu.memory_space<hbm>>
      %dma_wait3A_213 = tpu.memref_squeeze %dma_wait3A_212 : memref<1x1x2x80xi32, #tpu.memory_space<hbm>> -> memref<2x80xi32, #tpu.memory_space<hbm>>
      tpu.wait_dma2 semaphore(%arg18 : memref<!tpu.dma_semaphore, #tpu.memory_space<semaphore_mem>>) src(%dma_wait3A_213 : memref<2x80xi32, #tpu.memory_space<hbm>>) dst(%arg10 : memref<2x80xi32, #tpu.memory_space<vmem>>)
      %dma_start3A_214 = arith.constant 0 : i32
      %dma_start3A_215 = arith.constant 0 : i32
      %dma_start3A_216 = tpu.memref_slice %arg10[%dma_start3A_214, %dma_start3A_215] : memref<2x80xi32, #tpu.memory_space<vmem>> -> memref<1x80xi32, #tpu.memory_space<vmem>>
      %dma_start3A_217 = tpu.memref_squeeze %dma_start3A_216 : memref<1x80xi32, #tpu.memory_space<vmem>> -> memref<80xi32, #tpu.memory_space<vmem>>
      %dma_start3A_218 = arith.constant 0 : i32
      %dma_start3A_219 = arith.constant 0 : i32
      %dma_start3A_220 = tpu.memref_slice %arg2[%dma_start3A_218, %dma_start3A_219] : memref<10000x128xf32, #tpu.memory_space<hbm>> -> memref<10000x128xf32, #tpu.memory_space<hbm>>
      tpu.enqueue_indirect_dma source(%dma_start3A_220 : memref<10000x128xf32, #tpu.memory_space<hbm>>) target(%arg14 : memref<80x128xf32, #tpu.memory_space<vmem>>) offsets(%dma_start3A_217 : memref<80xi32, #tpu.memory_space<vmem>>) semaphore(%arg22 : memref<!tpu.dma_semaphore, #tpu.memory_space<semaphore_mem>>)
      %dma_wait3A_221 = arith.constant 0 : i32
      %dma_wait3A_222 = arith.constant 0 : i32
      %dma_wait3A_223 = tpu.memref_slice %arg9[%dma_wait3A_221, %dma_wait3A_222] : memref<2x80xi32, #tpu.memory_space<vmem>> -> memref<1x80xi32, #tpu.memory_space<vmem>>
      %dma_wait3A_224 = tpu.memref_squeeze %dma_wait3A_223 : memref<1x80xi32, #tpu.memory_space<vmem>> -> memref<80xi32, #tpu.memory_space<vmem>>
      %dma_wait3A_225 = arith.constant 0 : i32
      %dma_wait3A_226 = arith.constant 0 : i32
      %dma_wait3A_227 = tpu.memref_slice %arg2[%dma_wait3A_225, %dma_wait3A_226] : memref<10000x128xf32, #tpu.memory_space<hbm>> -> memref<10000x128xf32, #tpu.memory_space<hbm>>
      tpu.wait_indirect_dma semaphore(%arg21 : memref<!tpu.dma_semaphore, #tpu.memory_space<semaphore_mem>>) src(%dma_wait3A_227 : memref<10000x128xf32, #tpu.memory_space<hbm>>) dst(%arg13 : memref<80x128xf32, #tpu.memory_space<vmem>>)
      %ge3A_228 = arith.constant 1 : i32
      %ge3A_229 = arith.cmpi sge, %add3A_203, %ge3A_228 : i32
      %convert_element_type3A_230 = arith.extui %ge3A_229 : i1 to i32
      %cond3A_231 = arith.constant 0 : i32
      %cond3A_232 = arith.cmpi ne, %convert_element_type3A_230, %cond3A_231 : i32
      scf.if %cond3A_232 {
        %dma_wait3A_294 = arith.constant 1 : i32
        %dma_wait3A_295 = arith.constant 0 : i32
        %dma_wait3A_296 = tpu.memref_slice %arg8[%dma_wait3A_294, %dma_wait3A_295] : memref<2x80xi32, #tpu.memory_space<vmem>> -> memref<1x80xi32, #tpu.memory_space<vmem>>
        %dma_wait3A_297 = tpu.memref_squeeze %dma_wait3A_296 : memref<1x80xi32, #tpu.memory_space<vmem>> -> memref<80xi32, #tpu.memory_space<vmem>>
        %dma_wait3A_298 = arith.constant 0 : i32
        %dma_wait3A_299 = arith.constant 0 : i32
        %dma_wait3A_300 = tpu.memref_slice %arg6[%dma_wait3A_298, %dma_wait3A_299] : memref<10008x128xf32, #tpu.memory_space<vmem_shared>> -> memref<10008x128xf32, #tpu.memory_space<vmem_shared>>
        tpu.wait_indirect_dma semaphore(%arg24 : memref<!tpu.dma_semaphore, #tpu.memory_space<semaphore_mem>>) src(%arg12 : memref<80x128xf32, #tpu.memory_space<vmem>>) dst(%dma_wait3A_300 : memref<10008x128xf32, #tpu.memory_space<vmem_shared>>)
      } else {
      }
      %dma_start3A_233 = arith.constant 1 : i32
      %dma_start3A_234 = arith.constant 0 : i32
      %dma_start3A_235 = tpu.memref_slice %arg9[%dma_start3A_233, %dma_start3A_234] : memref<2x80xi32, #tpu.memory_space<vmem>> -> memref<1x80xi32, #tpu.memory_space<vmem>>
      %dma_start3A_236 = tpu.memref_squeeze %dma_start3A_235 : memref<1x80xi32, #tpu.memory_space<vmem>> -> memref<80xi32, #tpu.memory_space<vmem>>
      %dma_start3A_237 = arith.constant 0 : i32
      %dma_start3A_238 = arith.constant 0 : i32
      %dma_start3A_239 = tpu.memref_slice %arg6[%dma_start3A_237, %dma_start3A_238] : memref<10008x128xf32, #tpu.memory_space<vmem_shared>> -> memref<10008x128xf32, #tpu.memory_space<vmem_shared>>
      tpu.enqueue_indirect_dma source(%arg13 : memref<80x128xf32, #tpu.memory_space<vmem>>) target(%dma_start3A_239 : memref<10008x128xf32, #tpu.memory_space<vmem_shared>>) offsets(%dma_start3A_236 : memref<80xi32, #tpu.memory_space<vmem>>) semaphore(%arg25 : memref<!tpu.dma_semaphore, #tpu.memory_space<semaphore_mem>>) {add = true}
      %add3A_240 = arith.constant 2 : i32
      %add3A_241 = arith.addi %add3A_203, %add3A_240 : i32
      %lt3A_242 = arith.constant 125 : i32
      %lt3A_243 = arith.cmpi slt, %add3A_241, %lt3A_242 : i32
      %convert_element_type3A_244 = arith.extui %lt3A_243 : i1 to i32
      %cond3A_245 = arith.constant 0 : i32
      %cond3A_246 = arith.cmpi ne, %convert_element_type3A_244, %cond3A_245 : i32
      scf.if %cond3A_246 {
        %add3A_294 = arith.constant 2 : i32
        %add3A_295 = arith.addi %add3A_203, %add3A_294 : i32
        %dma_start3A_296 = arith.constant 0 : i32
        %dma_start3A_297 = arith.constant 0 : i32
        %dma_start3A_298 = tpu.memref_slice %arg4[%add3A, %add3A_295, %dma_start3A_296, %dma_start3A_297] : memref<32x125x2x80xi32, #tpu.memory_space<hbm>> -> memref<1x1x2x80xi32, #tpu.memory_space<hbm>>
        %dma_start3A_299 = tpu.memref_squeeze %dma_start3A_298 : memref<1x1x2x80xi32, #tpu.memory_space<hbm>> -> memref<2x80xi32, #tpu.memory_space<hbm>>
        %dma_start3A_300 = arith.constant 0 : i32
        %dma_start3A_301 = arith.constant 0 : i32
        %dma_start3A_302 = tpu.memref_slice %arg4[%add3A, %add3A_295, %dma_start3A_300, %dma_start3A_301] : memref<32x125x2x80xi32, #tpu.memory_space<hbm>> -> memref<1x1x2x80xi32, #tpu.memory_space<hbm>>
        %dma_start3A_303 = tpu.memref_squeeze %dma_start3A_302 : memref<1x1x2x80xi32, #tpu.memory_space<hbm>> -> memref<2x80xi32, #tpu.memory_space<hbm>>
        tpu.enqueue_dma source(%dma_start3A_303 : memref<2x80xi32, #tpu.memory_space<hbm>>) target(%arg7 : memref<2x80xi32, #tpu.memory_space<vmem>>) target_semaphore(%arg15 : memref<!tpu.dma_semaphore, #tpu.memory_space<semaphore_mem>>)
      } else {
      }
      %mul3A_247 = arith.constant 4 : i32
      %mul3A_248 = arith.muli %mul3A_247, %scan3A_106 : i32
      %add3A_249 = arith.constant 3 : i32
      %add3A_250 = arith.addi %mul3A_248, %add3A_249 : i32
      %add3A_251 = arith.constant 1 : i32
      %add3A_252 = arith.addi %add3A_250, %add3A_251 : i32
      %dma_wait3A_253 = arith.constant 0 : i32
      %dma_wait3A_254 = arith.constant 0 : i32
      %dma_wait3A_255 = tpu.memref_slice %arg4[%add3A, %add3A_252, %dma_wait3A_253, %dma_wait3A_254] : memref<32x125x2x80xi32, #tpu.memory_space<hbm>> -> memref<1x1x2x80xi32, #tpu.memory_space<hbm>>
      %dma_wait3A_256 = tpu.memref_squeeze %dma_wait3A_255 : memref<1x1x2x80xi32, #tpu.memory_space<hbm>> -> memref<2x80xi32, #tpu.memory_space<hbm>>
      %dma_wait3A_257 = arith.constant 0 : i32
      %dma_wait3A_258 = arith.constant 0 : i32
      %dma_wait3A_259 = tpu.memref_slice %arg4[%add3A, %add3A_252, %dma_wait3A_257, %dma_wait3A_258] : memref<32x125x2x80xi32, #tpu.memory_space<hbm>> -> memref<1x1x2x80xi32, #tpu.memory_space<hbm>>
      %dma_wait3A_260 = tpu.memref_squeeze %dma_wait3A_259 : memref<1x1x2x80xi32, #tpu.memory_space<hbm>> -> memref<2x80xi32, #tpu.memory_space<hbm>>
      tpu.wait_dma2 semaphore(%arg15 : memref<!tpu.dma_semaphore, #tpu.memory_space<semaphore_mem>>) src(%dma_wait3A_260 : memref<2x80xi32, #tpu.memory_space<hbm>>) dst(%arg7 : memref<2x80xi32, #tpu.memory_space<vmem>>)
      %dma_start3A_261 = arith.constant 0 : i32
      %dma_start3A_262 = arith.constant 0 : i32
      %dma_start3A_263 = tpu.memref_slice %arg7[%dma_start3A_261, %dma_start3A_262] : memref<2x80xi32, #tpu.memory_space<vmem>> -> memref<1x80xi32, #tpu.memory_space<vmem>>
      %dma_start3A_264 = tpu.memref_squeeze %dma_start3A_263 : memref<1x80xi32, #tpu.memory_space<vmem>> -> memref<80xi32, #tpu.memory_space<vmem>>
      %dma_start3A_265 = arith.constant 0 : i32
      %dma_start3A_266 = arith.constant 0 : i32
      %dma_start3A_267 = tpu.memref_slice %arg2[%dma_start3A_265, %dma_start3A_266] : memref<10000x128xf32, #tpu.memory_space<hbm>> -> memref<10000x128xf32, #tpu.memory_space<hbm>>
      tpu.enqueue_indirect_dma source(%dma_start3A_267 : memref<10000x128xf32, #tpu.memory_space<hbm>>) target(%arg11 : memref<80x128xf32, #tpu.memory_space<vmem>>) offsets(%dma_start3A_264 : memref<80xi32, #tpu.memory_space<vmem>>) semaphore(%arg19 : memref<!tpu.dma_semaphore, #tpu.memory_space<semaphore_mem>>)
      %dma_wait3A_268 = arith.constant 0 : i32
      %dma_wait3A_269 = arith.constant 0 : i32
      %dma_wait3A_270 = tpu.memref_slice %arg10[%dma_wait3A_268, %dma_wait3A_269] : memref<2x80xi32, #tpu.memory_space<vmem>> -> memref<1x80xi32, #tpu.memory_space<vmem>>
      %dma_wait3A_271 = tpu.memref_squeeze %dma_wait3A_270 : memref<1x80xi32, #tpu.memory_space<vmem>> -> memref<80xi32, #tpu.memory_space<vmem>>
      %dma_wait3A_272 = arith.constant 0 : i32
      %dma_wait3A_273 = arith.constant 0 : i32
      %dma_wait3A_274 = tpu.memref_slice %arg2[%dma_wait3A_272, %dma_wait3A_273] : memref<10000x128xf32, #tpu.memory_space<hbm>> -> memref<10000x128xf32, #tpu.memory_space<hbm>>
      tpu.wait_indirect_dma semaphore(%arg22 : memref<!tpu.dma_semaphore, #tpu.memory_space<semaphore_mem>>) src(%dma_wait3A_274 : memref<10000x128xf32, #tpu.memory_space<hbm>>) dst(%arg14 : memref<80x128xf32, #tpu.memory_space<vmem>>)
      %ge3A_275 = arith.constant 1 : i32
      %ge3A_276 = arith.cmpi sge, %add3A_250, %ge3A_275 : i32
      %convert_element_type3A_277 = arith.extui %ge3A_276 : i1 to i32
      %cond3A_278 = arith.constant 0 : i32
      %cond3A_279 = arith.cmpi ne, %convert_element_type3A_277, %cond3A_278 : i32
      scf.if %cond3A_279 {
        %dma_wait3A_294 = arith.constant 1 : i32
        %dma_wait3A_295 = arith.constant 0 : i32
        %dma_wait3A_296 = tpu.memref_slice %arg9[%dma_wait3A_294, %dma_wait3A_295] : memref<2x80xi32, #tpu.memory_space<vmem>> -> memref<1x80xi32, #tpu.memory_space<vmem>>
        %dma_wait3A_297 = tpu.memref_squeeze %dma_wait3A_296 : memref<1x80xi32, #tpu.memory_space<vmem>> -> memref<80xi32, #tpu.memory_space<vmem>>
        %dma_wait3A_298 = arith.constant 0 : i32
        %dma_wait3A_299 = arith.constant 0 : i32
        %dma_wait3A_300 = tpu.memref_slice %arg6[%dma_wait3A_298, %dma_wait3A_299] : memref<10008x128xf32, #tpu.memory_space<vmem_shared>> -> memref<10008x128xf32, #tpu.memory_space<vmem_shared>>
        tpu.wait_indirect_dma semaphore(%arg25 : memref<!tpu.dma_semaphore, #tpu.memory_space<semaphore_mem>>) src(%arg13 : memref<80x128xf32, #tpu.memory_space<vmem>>) dst(%dma_wait3A_300 : memref<10008x128xf32, #tpu.memory_space<vmem_shared>>)
      } else {
      }
      %dma_start3A_280 = arith.constant 1 : i32
      %dma_start3A_281 = arith.constant 0 : i32
      %dma_start3A_282 = tpu.memref_slice %arg10[%dma_start3A_280, %dma_start3A_281] : memref<2x80xi32, #tpu.memory_space<vmem>> -> memref<1x80xi32, #tpu.memory_space<vmem>>
      %dma_start3A_283 = tpu.memref_squeeze %dma_start3A_282 : memref<1x80xi32, #tpu.memory_space<vmem>> -> memref<80xi32, #tpu.memory_space<vmem>>
      %dma_start3A_284 = arith.constant 0 : i32
      %dma_start3A_285 = arith.constant 0 : i32
      %dma_start3A_286 = tpu.memref_slice %arg6[%dma_start3A_284, %dma_start3A_285] : memref<10008x128xf32, #tpu.memory_space<vmem_shared>> -> memref<10008x128xf32, #tpu.memory_space<vmem_shared>>
      tpu.enqueue_indirect_dma source(%arg14 : memref<80x128xf32, #tpu.memory_space<vmem>>) target(%dma_start3A_286 : memref<10008x128xf32, #tpu.memory_space<vmem_shared>>) offsets(%dma_start3A_283 : memref<80xi32, #tpu.memory_space<vmem>>) semaphore(%arg26 : memref<!tpu.dma_semaphore, #tpu.memory_space<semaphore_mem>>) {add = true}
      %add3A_287 = arith.constant 2 : i32
      %add3A_288 = arith.addi %add3A_250, %add3A_287 : i32
      %lt3A_289 = arith.constant 125 : i32
      %lt3A_290 = arith.cmpi slt, %add3A_288, %lt3A_289 : i32
      %convert_element_type3A_291 = arith.extui %lt3A_290 : i1 to i32
      %cond3A_292 = arith.constant 0 : i32
      %cond3A_293 = arith.cmpi ne, %convert_element_type3A_291, %cond3A_292 : i32
      scf.if %cond3A_293 {
        %add3A_294 = arith.constant 2 : i32
        %add3A_295 = arith.addi %add3A_250, %add3A_294 : i32
        %dma_start3A_296 = arith.constant 0 : i32
        %dma_start3A_297 = arith.constant 0 : i32
        %dma_start3A_298 = tpu.memref_slice %arg4[%add3A, %add3A_295, %dma_start3A_296, %dma_start3A_297] : memref<32x125x2x80xi32, #tpu.memory_space<hbm>> -> memref<1x1x2x80xi32, #tpu.memory_space<hbm>>
        %dma_start3A_299 = tpu.memref_squeeze %dma_start3A_298 : memref<1x1x2x80xi32, #tpu.memory_space<hbm>> -> memref<2x80xi32, #tpu.memory_space<hbm>>
        %dma_start3A_300 = arith.constant 0 : i32
        %dma_start3A_301 = arith.constant 0 : i32
        %dma_start3A_302 = tpu.memref_slice %arg4[%add3A, %add3A_295, %dma_start3A_300, %dma_start3A_301] : memref<32x125x2x80xi32, #tpu.memory_space<hbm>> -> memref<1x1x2x80xi32, #tpu.memory_space<hbm>>
        %dma_start3A_303 = tpu.memref_squeeze %dma_start3A_302 : memref<1x1x2x80xi32, #tpu.memory_space<hbm>> -> memref<2x80xi32, #tpu.memory_space<hbm>>
        tpu.enqueue_dma source(%dma_start3A_303 : memref<2x80xi32, #tpu.memory_space<hbm>>) target(%arg8 : memref<2x80xi32, #tpu.memory_space<vmem>>) target_semaphore(%arg16 : memref<!tpu.dma_semaphore, #tpu.memory_space<semaphore_mem>>)
      } else {
      }
    }
    %scan3A_66 = arith.constant 31 : i32
    %dma_wait3A_67 = arith.constant 0 : i32
    %dma_wait3A_68 = arith.constant 0 : i32
    %dma_wait3A_69 = tpu.memref_slice %arg7[%dma_wait3A_67, %dma_wait3A_68] : memref<2x80xi32, #tpu.memory_space<vmem>> -> memref<1x80xi32, #tpu.memory_space<vmem>>
    %dma_wait3A_70 = tpu.memref_squeeze %dma_wait3A_69 : memref<1x80xi32, #tpu.memory_space<vmem>> -> memref<80xi32, #tpu.memory_space<vmem>>
    %dma_wait3A_71 = arith.constant 0 : i32
    %dma_wait3A_72 = arith.constant 0 : i32
    %dma_wait3A_73 = tpu.memref_slice %arg2[%dma_wait3A_71, %dma_wait3A_72] : memref<10000x128xf32, #tpu.memory_space<hbm>> -> memref<10000x128xf32, #tpu.memory_space<hbm>>
    tpu.wait_indirect_dma semaphore(%arg19 : memref<!tpu.dma_semaphore, #tpu.memory_space<semaphore_mem>>) src(%dma_wait3A_73 : memref<10000x128xf32, #tpu.memory_space<hbm>>) dst(%arg11 : memref<80x128xf32, #tpu.memory_space<vmem>>)
    %dma_wait3A_74 = arith.constant 1 : i32
    %dma_wait3A_75 = arith.constant 0 : i32
    %dma_wait3A_76 = tpu.memref_slice %arg10[%dma_wait3A_74, %dma_wait3A_75] : memref<2x80xi32, #tpu.memory_space<vmem>> -> memref<1x80xi32, #tpu.memory_space<vmem>>
    %dma_wait3A_77 = tpu.memref_squeeze %dma_wait3A_76 : memref<1x80xi32, #tpu.memory_space<vmem>> -> memref<80xi32, #tpu.memory_space<vmem>>
    %dma_wait3A_78 = arith.constant 0 : i32
    %dma_wait3A_79 = arith.constant 0 : i32
    %dma_wait3A_80 = tpu.memref_slice %arg6[%dma_wait3A_78, %dma_wait3A_79] : memref<10008x128xf32, #tpu.memory_space<vmem_shared>> -> memref<10008x128xf32, #tpu.memory_space<vmem_shared>>
    tpu.wait_indirect_dma semaphore(%arg26 : memref<!tpu.dma_semaphore, #tpu.memory_space<semaphore_mem>>) src(%arg14 : memref<80x128xf32, #tpu.memory_space<vmem>>) dst(%dma_wait3A_80 : memref<10008x128xf32, #tpu.memory_space<vmem_shared>>)
    %dma_start3A_81 = arith.constant 1 : i32
    %dma_start3A_82 = arith.constant 0 : i32
    %dma_start3A_83 = tpu.memref_slice %arg7[%dma_start3A_81, %dma_start3A_82] : memref<2x80xi32, #tpu.memory_space<vmem>> -> memref<1x80xi32, #tpu.memory_space<vmem>>
    %dma_start3A_84 = tpu.memref_squeeze %dma_start3A_83 : memref<1x80xi32, #tpu.memory_space<vmem>> -> memref<80xi32, #tpu.memory_space<vmem>>
    %dma_start3A_85 = arith.constant 0 : i32
    %dma_start3A_86 = arith.constant 0 : i32
    %dma_start3A_87 = tpu.memref_slice %arg6[%dma_start3A_85, %dma_start3A_86] : memref<10008x128xf32, #tpu.memory_space<vmem_shared>> -> memref<10008x128xf32, #tpu.memory_space<vmem_shared>>
    tpu.enqueue_indirect_dma source(%arg11 : memref<80x128xf32, #tpu.memory_space<vmem>>) target(%dma_start3A_87 : memref<10008x128xf32, #tpu.memory_space<vmem_shared>>) offsets(%dma_start3A_84 : memref<80xi32, #tpu.memory_space<vmem>>) semaphore(%arg23 : memref<!tpu.dma_semaphore, #tpu.memory_space<semaphore_mem>>) {add = true}
    %dma_wait3A_88 = arith.constant 1 : i32
    %dma_wait3A_89 = arith.constant 0 : i32
    %dma_wait3A_90 = tpu.memref_slice %arg7[%dma_wait3A_88, %dma_wait3A_89] : memref<2x80xi32, #tpu.memory_space<vmem>> -> memref<1x80xi32, #tpu.memory_space<vmem>>
    %dma_wait3A_91 = tpu.memref_squeeze %dma_wait3A_90 : memref<1x80xi32, #tpu.memory_space<vmem>> -> memref<80xi32, #tpu.memory_space<vmem>>
    %dma_wait3A_92 = arith.constant 0 : i32
    %dma_wait3A_93 = arith.constant 0 : i32
    %dma_wait3A_94 = tpu.memref_slice %arg6[%dma_wait3A_92, %dma_wait3A_93] : memref<10008x128xf32, #tpu.memory_space<vmem_shared>> -> memref<10008x128xf32, #tpu.memory_space<vmem_shared>>
    tpu.wait_indirect_dma semaphore(%arg23 : memref<!tpu.dma_semaphore, #tpu.memory_space<semaphore_mem>>) src(%arg11 : memref<80x128xf32, #tpu.memory_space<vmem>>) dst(%dma_wait3A_94 : memref<10008x128xf32, #tpu.memory_space<vmem_shared>>)
    %barrier3A_95 = arith.constant 0 : index
    tpu.barrier barrier_id(%barrier3A_95)
    %lt3A_96 = arith.constant 15 : i32
    %lt3A_97 = arith.cmpi slt, %arg1, %lt3A_96 : i32
    %convert_element_type3A_98 = arith.extui %lt3A_97 : i1 to i32
    %cond3A_99 = arith.constant 0 : i32
    %cond3A_100 = arith.cmpi ne, %convert_element_type3A_98, %cond3A_99 : i32
    scf.if %cond3A_100 {
      "tpu.region"() ({
        %run_scoped3A = tpu.sem_alloc : memref<!tpu.dma_semaphore, #tpu.memory_space<semaphore_mem>>
        %dma_start3A_106 = arith.constant 0 : i32
        %dma_start3A_107 = tpu.memref_slice %arg5[%arg0, %multiple_of3A, %dma_start3A_106] : memref<2x10000x128xf32, #tpu.memory_space<hbm>> -> memref<1x624x128xf32, #tpu.memory_space<hbm>>
        %dma_start3A_108 = tpu.memref_squeeze %dma_start3A_107 : memref<1x624x128xf32, #tpu.memory_space<hbm>> -> memref<624x128xf32, #tpu.memory_space<hbm>>
        %dma_start3A_109 = arith.constant 0 : i32
        %dma_start3A_110 = tpu.memref_slice %arg6[%multiple_of3A, %dma_start3A_109] : memref<10008x128xf32, #tpu.memory_space<vmem_shared>> -> memref<624x128xf32, #tpu.memory_space<vmem_shared>>
        tpu.enqueue_dma source(%dma_start3A_110 : memref<624x128xf32, #tpu.memory_space<vmem_shared>>) target(%dma_start3A_108 : memref<624x128xf32, #tpu.memory_space<hbm>>) target_semaphore(%run_scoped3A : memref<!tpu.dma_semaphore, #tpu.memory_space<semaphore_mem>>)
        %dma_wait3A_111 = arith.constant 0 : i32
        %dma_wait3A_112 = tpu.memref_slice %arg5[%arg0, %multiple_of3A, %dma_wait3A_111] : memref<2x10000x128xf32, #tpu.memory_space<hbm>> -> memref<1x624x128xf32, #tpu.memory_space<hbm>>
        %dma_wait3A_113 = tpu.memref_squeeze %dma_wait3A_112 : memref<1x624x128xf32, #tpu.memory_space<hbm>> -> memref<624x128xf32, #tpu.memory_space<hbm>>
        %dma_wait3A_114 = arith.constant 0 : i32
        %dma_wait3A_115 = tpu.memref_slice %arg6[%multiple_of3A, %dma_wait3A_114] : memref<10008x128xf32, #tpu.memory_space<vmem_shared>> -> memref<624x128xf32, #tpu.memory_space<vmem_shared>>
        tpu.wait_dma2 semaphore(%run_scoped3A : memref<!tpu.dma_semaphore, #tpu.memory_space<semaphore_mem>>) src(%dma_wait3A_115 : memref<624x128xf32, #tpu.memory_space<vmem_shared>>) dst(%dma_wait3A_113 : memref<624x128xf32, #tpu.memory_space<hbm>>)
        tpu.yield
      }) : () -> ()
    } else {
    }
    %eq3A_101 = arith.constant 15 : i32
    %eq3A_102 = arith.cmpi eq, %arg1, %eq3A_101 : i32
    %convert_element_type3A_103 = arith.extui %eq3A_102 : i1 to i32
    %cond3A_104 = arith.constant 0 : i32
    %cond3A_105 = arith.cmpi ne, %convert_element_type3A_103, %cond3A_104 : i32
    scf.if %cond3A_105 {
      "tpu.region"() ({
        %run_scoped3A = tpu.sem_alloc : memref<!tpu.dma_semaphore, #tpu.memory_space<semaphore_mem>>
        %dma_start3A_106 = arith.constant 9360 : i32
        %dma_start3A_107 = arith.constant 0 : i32
        %dma_start3A_108 = tpu.memref_slice %arg5[%arg0, %dma_start3A_106, %dma_start3A_107] : memref<2x10000x128xf32, #tpu.memory_space<hbm>> -> memref<1x640x128xf32, #tpu.memory_space<hbm>>
        %dma_start3A_109 = tpu.memref_squeeze %dma_start3A_108 : memref<1x640x128xf32, #tpu.memory_space<hbm>> -> memref<640x128xf32, #tpu.memory_space<hbm>>
        %dma_start3A_110 = arith.constant 9360 : i32
        %dma_start3A_111 = arith.constant 0 : i32
        %dma_start3A_112 = tpu.memref_slice %arg6[%dma_start3A_110, %dma_start3A_111] : memref<10008x128xf32, #tpu.memory_space<vmem_shared>> -> memref<640x128xf32, #tpu.memory_space<vmem_shared>>
        tpu.enqueue_dma source(%dma_start3A_112 : memref<640x128xf32, #tpu.memory_space<vmem_shared>>) target(%dma_start3A_109 : memref<640x128xf32, #tpu.memory_space<hbm>>) target_semaphore(%run_scoped3A : memref<!tpu.dma_semaphore, #tpu.memory_space<semaphore_mem>>)
        %dma_wait3A_113 = arith.constant 9360 : i32
        %dma_wait3A_114 = arith.constant 0 : i32
        %dma_wait3A_115 = tpu.memref_slice %arg5[%arg0, %dma_wait3A_113, %dma_wait3A_114] : memref<2x10000x128xf32, #tpu.memory_space<hbm>> -> memref<1x640x128xf32, #tpu.memory_space<hbm>>
        %dma_wait3A_116 = tpu.memref_squeeze %dma_wait3A_115 : memref<1x640x128xf32, #tpu.memory_space<hbm>> -> memref<640x128xf32, #tpu.memory_space<hbm>>
        %dma_wait3A_117 = arith.constant 9360 : i32
        %dma_wait3A_118 = arith.constant 0 : i32
        %dma_wait3A_119 = tpu.memref_slice %arg6[%dma_wait3A_117, %dma_wait3A_118] : memref<10008x128xf32, #tpu.memory_space<vmem_shared>> -> memref<640x128xf32, #tpu.memory_space<vmem_shared>>
        tpu.wait_dma2 semaphore(%run_scoped3A : memref<!tpu.dma_semaphore, #tpu.memory_space<semaphore_mem>>) src(%dma_wait3A_119 : memref<640x128xf32, #tpu.memory_space<vmem_shared>>) dst(%dma_wait3A_116 : memref<640x128xf32, #tpu.memory_space<hbm>>)
        tpu.yield
      }) : () -> ()
    } else {
    }
    return
  }
}

#map = affine_map<(d0, d1) -> (0, 0)>
#map1 = affine_map<(d0, d1) -> (0, 0, 0, 0)>
#map2 = affine_map<(d0, d1) -> (0, 0, 0)>
module attributes {stable_mosaic.version = 14 : i64} {
  func.func @edge_kernel(%arg0: i32, %arg1: i32, %arg2: memref<10000x128xf32, #tpu.memory_space<hbm>>, %arg3: memref<10000x128xf32, #tpu.memory_space<hbm>>, %arg4: memref<32x125x2x80xi32, #tpu.memory_space<hbm>>, %arg5: memref<2x10000x128xf32, #tpu.memory_space<hbm>>, %arg6: memref<10008x128xf32, #tpu.memory_space<vmem_shared>>, %arg7: memref<2x80xi32, #tpu.memory_space<vmem>>, %arg8: memref<2x80xi32, #tpu.memory_space<vmem>>, %arg9: memref<2x80xi32, #tpu.memory_space<vmem>>, %arg10: memref<2x80xi32, #tpu.memory_space<vmem>>, %arg11: memref<80x128xf32, #tpu.memory_space<vmem>>, %arg12: memref<80x128xf32, #tpu.memory_space<vmem>>, %arg13: memref<80x128xf32, #tpu.memory_space<vmem>>, %arg14: memref<80x128xf32, #tpu.memory_space<vmem>>, %arg15: memref<!tpu.dma_semaphore, #tpu.memory_space<semaphore_mem>>, %arg16: memref<!tpu.dma_semaphore, #tpu.memory_space<semaphore_mem>>, %arg17: memref<!tpu.dma_semaphore, #tpu.memory_space<semaphore_mem>>, %arg18: memref<!tpu.dma_semaphore, #tpu.memory_space<semaphore_mem>>, %arg19: memref<!tpu.dma_semaphore, #tpu.memory_space<semaphore_mem>>, %arg20: memref<!tpu.dma_semaphore, #tpu.memory_space<semaphore_mem>>, %arg21: memref<!tpu.dma_semaphore, #tpu.memory_space<semaphore_mem>>, %arg22: memref<!tpu.dma_semaphore, #tpu.memory_space<semaphore_mem>>, %arg23: memref<!tpu.dma_semaphore, #tpu.memory_space<semaphore_mem>>, %arg24: memref<!tpu.dma_semaphore, #tpu.memory_space<semaphore_mem>>, %arg25: memref<!tpu.dma_semaphore, #tpu.memory_space<semaphore_mem>>, %arg26: memref<!tpu.dma_semaphore, #tpu.memory_space<semaphore_mem>>) attributes {dimension_semantics = [#tpu.dimension_semantics<core_parallel>, #tpu.dimension_semantics<subcore_parallel>], iteration_bounds = array<i64: 2, 16>, scalar_prefetch = 0 : i64, scratch_operands = 21 : i64, tpu.core_type = #tpu.core_type<sc_vector_subcore>, window_params = [{transform_indices = #map}, {transform_indices = #map}, {transform_indices = #map1}, {transform_indices = #map2}]} {
    %mul3A = arith.constant 16 : i32
    %mul3A_0 = arith.muli %arg0, %mul3A : i32
    %add3A = arith.addi %mul3A_0, %arg1 : i32
    %mul3A_1 = arith.constant 624 : i32
    %mul3A_2 = arith.muli %arg1, %mul3A_1 : i32
    %multiple_of3A = tpu.assume_multiple %mul3A_2, 8 : i32
    %eq3A = arith.constant 0 : i32
    %eq3A_3 = arith.cmpi eq, %arg0, %eq3A : i32
    %lt3A = arith.constant 15 : i32
    %lt3A_4 = arith.cmpi slt, %arg1, %lt3A : i32
    %and3A = arith.andi %eq3A_3, %lt3A_4 : i1
    %convert_element_type3A = arith.extui %and3A : i1 to i32
    %cond3A = arith.constant 0 : i32
    %cond3A_5 = arith.cmpi ne, %convert_element_type3A, %cond3A : i32
    scf.if %cond3A_5 {
      "tpu.region"() ({
        %run_scoped3A = tpu.sem_alloc : memref<!tpu.dma_semaphore, #tpu.memory_space<semaphore_mem>>
        %dma_start3A_106 = arith.constant 0 : i32
        %dma_start3A_107 = tpu.memref_slice %arg6[%multiple_of3A, %dma_start3A_106] : memref<10008x128xf32, #tpu.memory_space<vmem_shared>> -> memref<624x128xf32, #tpu.memory_space<vmem_shared>>
        %dma_start3A_108 = arith.constant 0 : i32
        %dma_start3A_109 = tpu.memref_slice %arg2[%multiple_of3A, %dma_start3A_108] : memref<10000x128xf32, #tpu.memory_space<hbm>> -> memref<624x128xf32, #tpu.memory_space<hbm>>
        tpu.enqueue_dma source(%dma_start3A_109 : memref<624x128xf32, #tpu.memory_space<hbm>>) target(%dma_start3A_107 : memref<624x128xf32, #tpu.memory_space<vmem_shared>>) target_semaphore(%run_scoped3A : memref<!tpu.dma_semaphore, #tpu.memory_space<semaphore_mem>>)
        %dma_wait3A_110 = arith.constant 0 : i32
        %dma_wait3A_111 = tpu.memref_slice %arg6[%multiple_of3A, %dma_wait3A_110] : memref<10008x128xf32, #tpu.memory_space<vmem_shared>> -> memref<624x128xf32, #tpu.memory_space<vmem_shared>>
        %dma_wait3A_112 = arith.constant 0 : i32
        %dma_wait3A_113 = tpu.memref_slice %arg2[%multiple_of3A, %dma_wait3A_112] : memref<10000x128xf32, #tpu.memory_space<hbm>> -> memref<624x128xf32, #tpu.memory_space<hbm>>
        tpu.wait_dma2 semaphore(%run_scoped3A : memref<!tpu.dma_semaphore, #tpu.memory_space<semaphore_mem>>) src(%dma_wait3A_113 : memref<624x128xf32, #tpu.memory_space<hbm>>) dst(%dma_wait3A_111 : memref<624x128xf32, #tpu.memory_space<vmem_shared>>)
        tpu.yield
      }) : () -> ()
    } else {
    }
    %eq3A_6 = arith.constant 0 : i32
    %eq3A_7 = arith.cmpi eq, %arg0, %eq3A_6 : i32
    %eq3A_8 = arith.constant 15 : i32
    %eq3A_9 = arith.cmpi eq, %arg1, %eq3A_8 : i32
    %and3A_10 = arith.andi %eq3A_7, %eq3A_9 : i1
    %convert_element_type3A_11 = arith.extui %and3A_10 : i1 to i32
    %cond3A_12 = arith.constant 0 : i32
    %cond3A_13 = arith.cmpi ne, %convert_element_type3A_11, %cond3A_12 : i32
    scf.if %cond3A_13 {
      "tpu.region"() ({
        %run_scoped3A = tpu.sem_alloc : memref<!tpu.dma_semaphore, #tpu.memory_space<semaphore_mem>>
        %dma_start3A_106 = arith.constant 9360 : i32
        %dma_start3A_107 = arith.constant 0 : i32
        %dma_start3A_108 = tpu.memref_slice %arg6[%dma_start3A_106, %dma_start3A_107] : memref<10008x128xf32, #tpu.memory_space<vmem_shared>> -> memref<640x128xf32, #tpu.memory_space<vmem_shared>>
        %dma_start3A_109 = arith.constant 9360 : i32
        %dma_start3A_110 = arith.constant 0 : i32
        %dma_start3A_111 = tpu.memref_slice %arg2[%dma_start3A_109, %dma_start3A_110] : memref<10000x128xf32, #tpu.memory_space<hbm>> -> memref<640x128xf32, #tpu.memory_space<hbm>>
        tpu.enqueue_dma source(%dma_start3A_111 : memref<640x128xf32, #tpu.memory_space<hbm>>) target(%dma_start3A_108 : memref<640x128xf32, #tpu.memory_space<vmem_shared>>) target_semaphore(%run_scoped3A : memref<!tpu.dma_semaphore, #tpu.memory_space<semaphore_mem>>)
        %dma_wait3A_112 = arith.constant 9360 : i32
        %dma_wait3A_113 = arith.constant 0 : i32
        %dma_wait3A_114 = tpu.memref_slice %arg6[%dma_wait3A_112, %dma_wait3A_113] : memref<10008x128xf32, #tpu.memory_space<vmem_shared>> -> memref<640x128xf32, #tpu.memory_space<vmem_shared>>
        %dma_wait3A_115 = arith.constant 9360 : i32
        %dma_wait3A_116 = arith.constant 0 : i32
        %dma_wait3A_117 = tpu.memref_slice %arg2[%dma_wait3A_115, %dma_wait3A_116] : memref<10000x128xf32, #tpu.memory_space<hbm>> -> memref<640x128xf32, #tpu.memory_space<hbm>>
        tpu.wait_dma2 semaphore(%run_scoped3A : memref<!tpu.dma_semaphore, #tpu.memory_space<semaphore_mem>>) src(%dma_wait3A_117 : memref<640x128xf32, #tpu.memory_space<hbm>>) dst(%dma_wait3A_114 : memref<640x128xf32, #tpu.memory_space<vmem_shared>>)
        tpu.yield
      }) : () -> ()
    } else {
    }
    %eq3A_14 = arith.constant 1 : i32
    %eq3A_15 = arith.cmpi eq, %arg0, %eq3A_14 : i32
    %lt3A_16 = arith.constant 15 : i32
    %lt3A_17 = arith.cmpi slt, %arg1, %lt3A_16 : i32
    %and3A_18 = arith.andi %eq3A_15, %lt3A_17 : i1
    %convert_element_type3A_19 = arith.extui %and3A_18 : i1 to i32
    %cond3A_20 = arith.constant 0 : i32
    %cond3A_21 = arith.cmpi ne, %convert_element_type3A_19, %cond3A_20 : i32
    scf.if %cond3A_21 {
      "tpu.region"() ({
        %run_scoped3A = tpu.sem_alloc : memref<!tpu.dma_semaphore, #tpu.memory_space<semaphore_mem>>
        %dma_start3A_106 = arith.constant 0 : i32
        %dma_start3A_107 = tpu.memref_slice %arg6[%multiple_of3A, %dma_start3A_106] : memref<10008x128xf32, #tpu.memory_space<vmem_shared>> -> memref<624x128xf32, #tpu.memory_space<vmem_shared>>
        %dma_start3A_108 = arith.constant 0 : i32
        %dma_start3A_109 = tpu.memref_slice %arg3[%multiple_of3A, %dma_start3A_108] : memref<10000x128xf32, #tpu.memory_space<hbm>> -> memref<624x128xf32, #tpu.memory_space<hbm>>
        tpu.enqueue_dma source(%dma_start3A_109 : memref<624x128xf32, #tpu.memory_space<hbm>>) target(%dma_start3A_107 : memref<624x128xf32, #tpu.memory_space<vmem_shared>>) target_semaphore(%run_scoped3A : memref<!tpu.dma_semaphore, #tpu.memory_space<semaphore_mem>>)
        %dma_wait3A_110 = arith.constant 0 : i32
        %dma_wait3A_111 = tpu.memref_slice %arg6[%multiple_of3A, %dma_wait3A_110] : memref<10008x128xf32, #tpu.memory_space<vmem_shared>> -> memref<624x128xf32, #tpu.memory_space<vmem_shared>>
        %dma_wait3A_112 = arith.constant 0 : i32
        %dma_wait3A_113 = tpu.memref_slice %arg3[%multiple_of3A, %dma_wait3A_112] : memref<10000x128xf32, #tpu.memory_space<hbm>> -> memref<624x128xf32, #tpu.memory_space<hbm>>
        tpu.wait_dma2 semaphore(%run_scoped3A : memref<!tpu.dma_semaphore, #tpu.memory_space<semaphore_mem>>) src(%dma_wait3A_113 : memref<624x128xf32, #tpu.memory_space<hbm>>) dst(%dma_wait3A_111 : memref<624x128xf32, #tpu.memory_space<vmem_shared>>)
        tpu.yield
      }) : () -> ()
    } else {
    }
    %eq3A_22 = arith.constant 1 : i32
    %eq3A_23 = arith.cmpi eq, %arg0, %eq3A_22 : i32
    %eq3A_24 = arith.constant 15 : i32
    %eq3A_25 = arith.cmpi eq, %arg1, %eq3A_24 : i32
    %and3A_26 = arith.andi %eq3A_23, %eq3A_25 : i1
    %convert_element_type3A_27 = arith.extui %and3A_26 : i1 to i32
    %cond3A_28 = arith.constant 0 : i32
    %cond3A_29 = arith.cmpi ne, %convert_element_type3A_27, %cond3A_28 : i32
    scf.if %cond3A_29 {
      "tpu.region"() ({
        %run_scoped3A = tpu.sem_alloc : memref<!tpu.dma_semaphore, #tpu.memory_space<semaphore_mem>>
        %dma_start3A_106 = arith.constant 9360 : i32
        %dma_start3A_107 = arith.constant 0 : i32
        %dma_start3A_108 = tpu.memref_slice %arg6[%dma_start3A_106, %dma_start3A_107] : memref<10008x128xf32, #tpu.memory_space<vmem_shared>> -> memref<640x128xf32, #tpu.memory_space<vmem_shared>>
        %dma_start3A_109 = arith.constant 9360 : i32
        %dma_start3A_110 = arith.constant 0 : i32
        %dma_start3A_111 = tpu.memref_slice %arg3[%dma_start3A_109, %dma_start3A_110] : memref<10000x128xf32, #tpu.memory_space<hbm>> -> memref<640x128xf32, #tpu.memory_space<hbm>>
        tpu.enqueue_dma source(%dma_start3A_111 : memref<640x128xf32, #tpu.memory_space<hbm>>) target(%dma_start3A_108 : memref<640x128xf32, #tpu.memory_space<vmem_shared>>) target_semaphore(%run_scoped3A : memref<!tpu.dma_semaphore, #tpu.memory_space<semaphore_mem>>)
        %dma_wait3A_112 = arith.constant 9360 : i32
        %dma_wait3A_113 = arith.constant 0 : i32
        %dma_wait3A_114 = tpu.memref_slice %arg6[%dma_wait3A_112, %dma_wait3A_113] : memref<10008x128xf32, #tpu.memory_space<vmem_shared>> -> memref<640x128xf32, #tpu.memory_space<vmem_shared>>
        %dma_wait3A_115 = arith.constant 9360 : i32
        %dma_wait3A_116 = arith.constant 0 : i32
        %dma_wait3A_117 = tpu.memref_slice %arg3[%dma_wait3A_115, %dma_wait3A_116] : memref<10000x128xf32, #tpu.memory_space<hbm>> -> memref<640x128xf32, #tpu.memory_space<hbm>>
        tpu.wait_dma2 semaphore(%run_scoped3A : memref<!tpu.dma_semaphore, #tpu.memory_space<semaphore_mem>>) src(%dma_wait3A_117 : memref<640x128xf32, #tpu.memory_space<hbm>>) dst(%dma_wait3A_114 : memref<640x128xf32, #tpu.memory_space<vmem_shared>>)
        tpu.yield
      }) : () -> ()
    } else {
    }
    %barrier3A = arith.constant 0 : index
    tpu.barrier barrier_id(%barrier3A)
    %dma_start3A = arith.constant 0 : i32
    %dma_start3A_30 = arith.constant 0 : i32
    %dma_start3A_31 = arith.constant 0 : i32
    %dma_start3A_32 = tpu.memref_slice %arg4[%add3A, %dma_start3A, %dma_start3A_30, %dma_start3A_31] : memref<32x125x2x80xi32, #tpu.memory_space<hbm>> -> memref<1x1x2x80xi32, #tpu.memory_space<hbm>>
    %dma_start3A_33 = tpu.memref_squeeze %dma_start3A_32 : memref<1x1x2x80xi32, #tpu.memory_space<hbm>> -> memref<2x80xi32, #tpu.memory_space<hbm>>
    %dma_start3A_34 = arith.constant 0 : i32
    %dma_start3A_35 = arith.constant 0 : i32
    %dma_start3A_36 = tpu.memref_slice %arg4[%add3A, %dma_start3A, %dma_start3A_34, %dma_start3A_35] : memref<32x125x2x80xi32, #tpu.memory_space<hbm>> -> memref<1x1x2x80xi32, #tpu.memory_space<hbm>>
    %dma_start3A_37 = tpu.memref_squeeze %dma_start3A_36 : memref<1x1x2x80xi32, #tpu.memory_space<hbm>> -> memref<2x80xi32, #tpu.memory_space<hbm>>
    tpu.enqueue_dma source(%dma_start3A_37 : memref<2x80xi32, #tpu.memory_space<hbm>>) target(%arg7 : memref<2x80xi32, #tpu.memory_space<vmem>>) target_semaphore(%arg15 : memref<!tpu.dma_semaphore, #tpu.memory_space<semaphore_mem>>)
    %dma_start3A_38 = arith.constant 1 : i32
    %dma_start3A_39 = arith.constant 0 : i32
    %dma_start3A_40 = arith.constant 0 : i32
    %dma_start3A_41 = tpu.memref_slice %arg4[%add3A, %dma_start3A_38, %dma_start3A_39, %dma_start3A_40] : memref<32x125x2x80xi32, #tpu.memory_space<hbm>> -> memref<1x1x2x80xi32, #tpu.memory_space<hbm>>
    %dma_start3A_42 = tpu.memref_squeeze %dma_start3A_41 : memref<1x1x2x80xi32, #tpu.memory_space<hbm>> -> memref<2x80xi32, #tpu.memory_space<hbm>>
    %dma_start3A_43 = arith.constant 0 : i32
    %dma_start3A_44 = arith.constant 0 : i32
    %dma_start3A_45 = tpu.memref_slice %arg4[%add3A, %dma_start3A_38, %dma_start3A_43, %dma_start3A_44] : memref<32x125x2x80xi32, #tpu.memory_space<hbm>> -> memref<1x1x2x80xi32, #tpu.memory_space<hbm>>
    %dma_start3A_46 = tpu.memref_squeeze %dma_start3A_45 : memref<1x1x2x80xi32, #tpu.memory_space<hbm>> -> memref<2x80xi32, #tpu.memory_space<hbm>>
    tpu.enqueue_dma source(%dma_start3A_46 : memref<2x80xi32, #tpu.memory_space<hbm>>) target(%arg8 : memref<2x80xi32, #tpu.memory_space<vmem>>) target_semaphore(%arg16 : memref<!tpu.dma_semaphore, #tpu.memory_space<semaphore_mem>>)
    %dma_wait3A = arith.constant 0 : i32
    %dma_wait3A_47 = arith.constant 0 : i32
    %dma_wait3A_48 = arith.constant 0 : i32
    %dma_wait3A_49 = tpu.memref_slice %arg4[%add3A, %dma_wait3A, %dma_wait3A_47, %dma_wait3A_48] : memref<32x125x2x80xi32, #tpu.memory_space<hbm>> -> memref<1x1x2x80xi32, #tpu.memory_space<hbm>>
    %dma_wait3A_50 = tpu.memref_squeeze %dma_wait3A_49 : memref<1x1x2x80xi32, #tpu.memory_space<hbm>> -> memref<2x80xi32, #tpu.memory_space<hbm>>
    %dma_wait3A_51 = arith.constant 0 : i32
    %dma_wait3A_52 = arith.constant 0 : i32
    %dma_wait3A_53 = tpu.memref_slice %arg4[%add3A, %dma_wait3A, %dma_wait3A_51, %dma_wait3A_52] : memref<32x125x2x80xi32, #tpu.memory_space<hbm>> -> memref<1x1x2x80xi32, #tpu.memory_space<hbm>>
    %dma_wait3A_54 = tpu.memref_squeeze %dma_wait3A_53 : memref<1x1x2x80xi32, #tpu.memory_space<hbm>> -> memref<2x80xi32, #tpu.memory_space<hbm>>
    tpu.wait_dma2 semaphore(%arg15 : memref<!tpu.dma_semaphore, #tpu.memory_space<semaphore_mem>>) src(%dma_wait3A_54 : memref<2x80xi32, #tpu.memory_space<hbm>>) dst(%arg7 : memref<2x80xi32, #tpu.memory_space<vmem>>)
    %dma_start3A_55 = arith.constant 0 : i32
    %dma_start3A_56 = arith.constant 0 : i32
    %dma_start3A_57 = tpu.memref_slice %arg7[%dma_start3A_55, %dma_start3A_56] : memref<2x80xi32, #tpu.memory_space<vmem>> -> memref<1x80xi32, #tpu.memory_space<vmem>>
    %dma_start3A_58 = tpu.memref_squeeze %dma_start3A_57 : memref<1x80xi32, #tpu.memory_space<vmem>> -> memref<80xi32, #tpu.memory_space<vmem>>
    %dma_start3A_59 = arith.constant 0 : i32
    %dma_start3A_60 = arith.constant 0 : i32
    %dma_start3A_61 = tpu.memref_slice %arg2[%dma_start3A_59, %dma_start3A_60] : memref<10000x128xf32, #tpu.memory_space<hbm>> -> memref<10000x128xf32, #tpu.memory_space<hbm>>
    tpu.enqueue_indirect_dma source(%dma_start3A_61 : memref<10000x128xf32, #tpu.memory_space<hbm>>) target(%arg11 : memref<80x128xf32, #tpu.memory_space<vmem>>) offsets(%dma_start3A_58 : memref<80xi32, #tpu.memory_space<vmem>>) semaphore(%arg19 : memref<!tpu.dma_semaphore, #tpu.memory_space<semaphore_mem>>)
    %scan3A = arith.constant 0 : i32
    %scan3A_62 = arith.constant 0 : i32
    %scan3A_63 = arith.constant 31 : i32
    %scan3A_64 = arith.addi %scan3A_62, %scan3A_63 : i32
    %scan3A_65 = arith.constant 1 : i32
    scf.for %scan3A_106 = %scan3A_62 to %scan3A_64 step %scan3A_65  : i32 {
      %mul3A_107 = arith.constant 4 : i32
      %mul3A_108 = arith.muli %mul3A_107, %scan3A_106 : i32
      %add3A_109 = arith.constant 0 : i32
      %add3A_110 = arith.addi %mul3A_108, %add3A_109 : i32
      %add3A_111 = arith.constant 1 : i32
      %add3A_112 = arith.addi %add3A_110, %add3A_111 : i32
      %dma_wait3A_113 = arith.constant 0 : i32
      %dma_wait3A_114 = arith.constant 0 : i32
      %dma_wait3A_115 = tpu.memref_slice %arg4[%add3A, %add3A_112, %dma_wait3A_113, %dma_wait3A_114] : memref<32x125x2x80xi32, #tpu.memory_space<hbm>> -> memref<1x1x2x80xi32, #tpu.memory_space<hbm>>
      %dma_wait3A_116 = tpu.memref_squeeze %dma_wait3A_115 : memref<1x1x2x80xi32, #tpu.memory_space<hbm>> -> memref<2x80xi32, #tpu.memory_space<hbm>>
      %dma_wait3A_117 = arith.constant 0 : i32
      %dma_wait3A_118 = arith.constant 0 : i32
      %dma_wait3A_119 = tpu.memref_slice %arg4[%add3A, %add3A_112, %dma_wait3A_117, %dma_wait3A_118] : memref<32x125x2x80xi32, #tpu.memory_space<hbm>> -> memref<1x1x2x80xi32, #tpu.memory_space<hbm>>
      %dma_wait3A_120 = tpu.memref_squeeze %dma_wait3A_119 : memref<1x1x2x80xi32, #tpu.memory_space<hbm>> -> memref<2x80xi32, #tpu.memory_space<hbm>>
      tpu.wait_dma2 semaphore(%arg16 : memref<!tpu.dma_semaphore, #tpu.memory_space<semaphore_mem>>) src(%dma_wait3A_120 : memref<2x80xi32, #tpu.memory_space<hbm>>) dst(%arg8 : memref<2x80xi32, #tpu.memory_space<vmem>>)
      %dma_start3A_121 = arith.constant 0 : i32
      %dma_start3A_122 = arith.constant 0 : i32
      %dma_start3A_123 = tpu.memref_slice %arg8[%dma_start3A_121, %dma_start3A_122] : memref<2x80xi32, #tpu.memory_space<vmem>> -> memref<1x80xi32, #tpu.memory_space<vmem>>
      %dma_start3A_124 = tpu.memref_squeeze %dma_start3A_123 : memref<1x80xi32, #tpu.memory_space<vmem>> -> memref<80xi32, #tpu.memory_space<vmem>>
      %dma_start3A_125 = arith.constant 0 : i32
      %dma_start3A_126 = arith.constant 0 : i32
      %dma_start3A_127 = tpu.memref_slice %arg2[%dma_start3A_125, %dma_start3A_126] : memref<10000x128xf32, #tpu.memory_space<hbm>> -> memref<10000x128xf32, #tpu.memory_space<hbm>>
      tpu.enqueue_indirect_dma source(%dma_start3A_127 : memref<10000x128xf32, #tpu.memory_space<hbm>>) target(%arg12 : memref<80x128xf32, #tpu.memory_space<vmem>>) offsets(%dma_start3A_124 : memref<80xi32, #tpu.memory_space<vmem>>) semaphore(%arg20 : memref<!tpu.dma_semaphore, #tpu.memory_space<semaphore_mem>>)
      %dma_wait3A_128 = arith.constant 0 : i32
      %dma_wait3A_129 = arith.constant 0 : i32
      %dma_wait3A_130 = tpu.memref_slice %arg7[%dma_wait3A_128, %dma_wait3A_129] : memref<2x80xi32, #tpu.memory_space<vmem>> -> memref<1x80xi32, #tpu.memory_space<vmem>>
      %dma_wait3A_131 = tpu.memref_squeeze %dma_wait3A_130 : memref<1x80xi32, #tpu.memory_space<vmem>> -> memref<80xi32, #tpu.memory_space<vmem>>
      %dma_wait3A_132 = arith.constant 0 : i32
      %dma_wait3A_133 = arith.constant 0 : i32
      %dma_wait3A_134 = tpu.memref_slice %arg2[%dma_wait3A_132, %dma_wait3A_133] : memref<10000x128xf32, #tpu.memory_space<hbm>> -> memref<10000x128xf32, #tpu.memory_space<hbm>>
      tpu.wait_indirect_dma semaphore(%arg19 : memref<!tpu.dma_semaphore, #tpu.memory_space<semaphore_mem>>) src(%dma_wait3A_134 : memref<10000x128xf32, #tpu.memory_space<hbm>>) dst(%arg11 : memref<80x128xf32, #tpu.memory_space<vmem>>)
      %ge3A = arith.constant 1 : i32
      %ge3A_135 = arith.cmpi sge, %add3A_110, %ge3A : i32
      %convert_element_type3A_136 = arith.extui %ge3A_135 : i1 to i32
      %cond3A_137 = arith.constant 0 : i32
      %cond3A_138 = arith.cmpi ne, %convert_element_type3A_136, %cond3A_137 : i32
      scf.if %cond3A_138 {
        %dma_wait3A_294 = arith.constant 1 : i32
        %dma_wait3A_295 = arith.constant 0 : i32
        %dma_wait3A_296 = tpu.memref_slice %arg10[%dma_wait3A_294, %dma_wait3A_295] : memref<2x80xi32, #tpu.memory_space<vmem>> -> memref<1x80xi32, #tpu.memory_space<vmem>>
        %dma_wait3A_297 = tpu.memref_squeeze %dma_wait3A_296 : memref<1x80xi32, #tpu.memory_space<vmem>> -> memref<80xi32, #tpu.memory_space<vmem>>
        %dma_wait3A_298 = arith.constant 0 : i32
        %dma_wait3A_299 = arith.constant 0 : i32
        %dma_wait3A_300 = tpu.memref_slice %arg6[%dma_wait3A_298, %dma_wait3A_299] : memref<10008x128xf32, #tpu.memory_space<vmem_shared>> -> memref<10008x128xf32, #tpu.memory_space<vmem_shared>>
        tpu.wait_indirect_dma semaphore(%arg26 : memref<!tpu.dma_semaphore, #tpu.memory_space<semaphore_mem>>) src(%arg14 : memref<80x128xf32, #tpu.memory_space<vmem>>) dst(%dma_wait3A_300 : memref<10008x128xf32, #tpu.memory_space<vmem_shared>>)
      } else {
      }
      %dma_start3A_139 = arith.constant 1 : i32
      %dma_start3A_140 = arith.constant 0 : i32
      %dma_start3A_141 = tpu.memref_slice %arg7[%dma_start3A_139, %dma_start3A_140] : memref<2x80xi32, #tpu.memory_space<vmem>> -> memref<1x80xi32, #tpu.memory_space<vmem>>
      %dma_start3A_142 = tpu.memref_squeeze %dma_start3A_141 : memref<1x80xi32, #tpu.memory_space<vmem>> -> memref<80xi32, #tpu.memory_space<vmem>>
      %dma_start3A_143 = arith.constant 0 : i32
      %dma_start3A_144 = arith.constant 0 : i32
      %dma_start3A_145 = tpu.memref_slice %arg6[%dma_start3A_143, %dma_start3A_144] : memref<10008x128xf32, #tpu.memory_space<vmem_shared>> -> memref<10008x128xf32, #tpu.memory_space<vmem_shared>>
      tpu.enqueue_indirect_dma source(%arg11 : memref<80x128xf32, #tpu.memory_space<vmem>>) target(%dma_start3A_145 : memref<10008x128xf32, #tpu.memory_space<vmem_shared>>) offsets(%dma_start3A_142 : memref<80xi32, #tpu.memory_space<vmem>>) semaphore(%arg23 : memref<!tpu.dma_semaphore, #tpu.memory_space<semaphore_mem>>) {add = true}
      %add3A_146 = arith.constant 2 : i32
      %add3A_147 = arith.addi %add3A_110, %add3A_146 : i32
      %lt3A_148 = arith.constant 125 : i32
      %lt3A_149 = arith.cmpi slt, %add3A_147, %lt3A_148 : i32
      %convert_element_type3A_150 = arith.extui %lt3A_149 : i1 to i32
      %cond3A_151 = arith.constant 0 : i32
      %cond3A_152 = arith.cmpi ne, %convert_element_type3A_150, %cond3A_151 : i32
      scf.if %cond3A_152 {
        %add3A_294 = arith.constant 2 : i32
        %add3A_295 = arith.addi %add3A_110, %add3A_294 : i32
        %dma_start3A_296 = arith.constant 0 : i32
        %dma_start3A_297 = arith.constant 0 : i32
        %dma_start3A_298 = tpu.memref_slice %arg4[%add3A, %add3A_295, %dma_start3A_296, %dma_start3A_297] : memref<32x125x2x80xi32, #tpu.memory_space<hbm>> -> memref<1x1x2x80xi32, #tpu.memory_space<hbm>>
        %dma_start3A_299 = tpu.memref_squeeze %dma_start3A_298 : memref<1x1x2x80xi32, #tpu.memory_space<hbm>> -> memref<2x80xi32, #tpu.memory_space<hbm>>
        %dma_start3A_300 = arith.constant 0 : i32
        %dma_start3A_301 = arith.constant 0 : i32
        %dma_start3A_302 = tpu.memref_slice %arg4[%add3A, %add3A_295, %dma_start3A_300, %dma_start3A_301] : memref<32x125x2x80xi32, #tpu.memory_space<hbm>> -> memref<1x1x2x80xi32, #tpu.memory_space<hbm>>
        %dma_start3A_303 = tpu.memref_squeeze %dma_start3A_302 : memref<1x1x2x80xi32, #tpu.memory_space<hbm>> -> memref<2x80xi32, #tpu.memory_space<hbm>>
        tpu.enqueue_dma source(%dma_start3A_303 : memref<2x80xi32, #tpu.memory_space<hbm>>) target(%arg9 : memref<2x80xi32, #tpu.memory_space<vmem>>) target_semaphore(%arg17 : memref<!tpu.dma_semaphore, #tpu.memory_space<semaphore_mem>>)
      } else {
      }
      %mul3A_153 = arith.constant 4 : i32
      %mul3A_154 = arith.muli %mul3A_153, %scan3A_106 : i32
      %add3A_155 = arith.constant 1 : i32
      %add3A_156 = arith.addi %mul3A_154, %add3A_155 : i32
      %add3A_157 = arith.constant 1 : i32
      %add3A_158 = arith.addi %add3A_156, %add3A_157 : i32
      %dma_wait3A_159 = arith.constant 0 : i32
      %dma_wait3A_160 = arith.constant 0 : i32
      %dma_wait3A_161 = tpu.memref_slice %arg4[%add3A, %add3A_158, %dma_wait3A_159, %dma_wait3A_160] : memref<32x125x2x80xi32, #tpu.memory_space<hbm>> -> memref<1x1x2x80xi32, #tpu.memory_space<hbm>>
      %dma_wait3A_162 = tpu.memref_squeeze %dma_wait3A_161 : memref<1x1x2x80xi32, #tpu.memory_space<hbm>> -> memref<2x80xi32, #tpu.memory_space<hbm>>
      %dma_wait3A_163 = arith.constant 0 : i32
      %dma_wait3A_164 = arith.constant 0 : i32
      %dma_wait3A_165 = tpu.memref_slice %arg4[%add3A, %add3A_158, %dma_wait3A_163, %dma_wait3A_164] : memref<32x125x2x80xi32, #tpu.memory_space<hbm>> -> memref<1x1x2x80xi32, #tpu.memory_space<hbm>>
      %dma_wait3A_166 = tpu.memref_squeeze %dma_wait3A_165 : memref<1x1x2x80xi32, #tpu.memory_space<hbm>> -> memref<2x80xi32, #tpu.memory_space<hbm>>
      tpu.wait_dma2 semaphore(%arg17 : memref<!tpu.dma_semaphore, #tpu.memory_space<semaphore_mem>>) src(%dma_wait3A_166 : memref<2x80xi32, #tpu.memory_space<hbm>>) dst(%arg9 : memref<2x80xi32, #tpu.memory_space<vmem>>)
      %dma_start3A_167 = arith.constant 0 : i32
      %dma_start3A_168 = arith.constant 0 : i32
      %dma_start3A_169 = tpu.memref_slice %arg9[%dma_start3A_167, %dma_start3A_168] : memref<2x80xi32, #tpu.memory_space<vmem>> -> memref<1x80xi32, #tpu.memory_space<vmem>>
      %dma_start3A_170 = tpu.memref_squeeze %dma_start3A_169 : memref<1x80xi32, #tpu.memory_space<vmem>> -> memref<80xi32, #tpu.memory_space<vmem>>
      %dma_start3A_171 = arith.constant 0 : i32
      %dma_start3A_172 = arith.constant 0 : i32
      %dma_start3A_173 = tpu.memref_slice %arg2[%dma_start3A_171, %dma_start3A_172] : memref<10000x128xf32, #tpu.memory_space<hbm>> -> memref<10000x128xf32, #tpu.memory_space<hbm>>
      tpu.enqueue_indirect_dma source(%dma_start3A_173 : memref<10000x128xf32, #tpu.memory_space<hbm>>) target(%arg13 : memref<80x128xf32, #tpu.memory_space<vmem>>) offsets(%dma_start3A_170 : memref<80xi32, #tpu.memory_space<vmem>>) semaphore(%arg21 : memref<!tpu.dma_semaphore, #tpu.memory_space<semaphore_mem>>)
      %dma_wait3A_174 = arith.constant 0 : i32
      %dma_wait3A_175 = arith.constant 0 : i32
      %dma_wait3A_176 = tpu.memref_slice %arg8[%dma_wait3A_174, %dma_wait3A_175] : memref<2x80xi32, #tpu.memory_space<vmem>> -> memref<1x80xi32, #tpu.memory_space<vmem>>
      %dma_wait3A_177 = tpu.memref_squeeze %dma_wait3A_176 : memref<1x80xi32, #tpu.memory_space<vmem>> -> memref<80xi32, #tpu.memory_space<vmem>>
      %dma_wait3A_178 = arith.constant 0 : i32
      %dma_wait3A_179 = arith.constant 0 : i32
      %dma_wait3A_180 = tpu.memref_slice %arg2[%dma_wait3A_178, %dma_wait3A_179] : memref<10000x128xf32, #tpu.memory_space<hbm>> -> memref<10000x128xf32, #tpu.memory_space<hbm>>
      tpu.wait_indirect_dma semaphore(%arg20 : memref<!tpu.dma_semaphore, #tpu.memory_space<semaphore_mem>>) src(%dma_wait3A_180 : memref<10000x128xf32, #tpu.memory_space<hbm>>) dst(%arg12 : memref<80x128xf32, #tpu.memory_space<vmem>>)
      %ge3A_181 = arith.constant 1 : i32
      %ge3A_182 = arith.cmpi sge, %add3A_156, %ge3A_181 : i32
      %convert_element_type3A_183 = arith.extui %ge3A_182 : i1 to i32
      %cond3A_184 = arith.constant 0 : i32
      %cond3A_185 = arith.cmpi ne, %convert_element_type3A_183, %cond3A_184 : i32
      scf.if %cond3A_185 {
        %dma_wait3A_294 = arith.constant 1 : i32
        %dma_wait3A_295 = arith.constant 0 : i32
        %dma_wait3A_296 = tpu.memref_slice %arg7[%dma_wait3A_294, %dma_wait3A_295] : memref<2x80xi32, #tpu.memory_space<vmem>> -> memref<1x80xi32, #tpu.memory_space<vmem>>
        %dma_wait3A_297 = tpu.memref_squeeze %dma_wait3A_296 : memref<1x80xi32, #tpu.memory_space<vmem>> -> memref<80xi32, #tpu.memory_space<vmem>>
        %dma_wait3A_298 = arith.constant 0 : i32
        %dma_wait3A_299 = arith.constant 0 : i32
        %dma_wait3A_300 = tpu.memref_slice %arg6[%dma_wait3A_298, %dma_wait3A_299] : memref<10008x128xf32, #tpu.memory_space<vmem_shared>> -> memref<10008x128xf32, #tpu.memory_space<vmem_shared>>
        tpu.wait_indirect_dma semaphore(%arg23 : memref<!tpu.dma_semaphore, #tpu.memory_space<semaphore_mem>>) src(%arg11 : memref<80x128xf32, #tpu.memory_space<vmem>>) dst(%dma_wait3A_300 : memref<10008x128xf32, #tpu.memory_space<vmem_shared>>)
      } else {
      }
      %dma_start3A_186 = arith.constant 1 : i32
      %dma_start3A_187 = arith.constant 0 : i32
      %dma_start3A_188 = tpu.memref_slice %arg8[%dma_start3A_186, %dma_start3A_187] : memref<2x80xi32, #tpu.memory_space<vmem>> -> memref<1x80xi32, #tpu.memory_space<vmem>>
      %dma_start3A_189 = tpu.memref_squeeze %dma_start3A_188 : memref<1x80xi32, #tpu.memory_space<vmem>> -> memref<80xi32, #tpu.memory_space<vmem>>
      %dma_start3A_190 = arith.constant 0 : i32
      %dma_start3A_191 = arith.constant 0 : i32
      %dma_start3A_192 = tpu.memref_slice %arg6[%dma_start3A_190, %dma_start3A_191] : memref<10008x128xf32, #tpu.memory_space<vmem_shared>> -> memref<10008x128xf32, #tpu.memory_space<vmem_shared>>
      tpu.enqueue_indirect_dma source(%arg12 : memref<80x128xf32, #tpu.memory_space<vmem>>) target(%dma_start3A_192 : memref<10008x128xf32, #tpu.memory_space<vmem_shared>>) offsets(%dma_start3A_189 : memref<80xi32, #tpu.memory_space<vmem>>) semaphore(%arg24 : memref<!tpu.dma_semaphore, #tpu.memory_space<semaphore_mem>>) {add = true}
      %add3A_193 = arith.constant 2 : i32
      %add3A_194 = arith.addi %add3A_156, %add3A_193 : i32
      %lt3A_195 = arith.constant 125 : i32
      %lt3A_196 = arith.cmpi slt, %add3A_194, %lt3A_195 : i32
      %convert_element_type3A_197 = arith.extui %lt3A_196 : i1 to i32
      %cond3A_198 = arith.constant 0 : i32
      %cond3A_199 = arith.cmpi ne, %convert_element_type3A_197, %cond3A_198 : i32
      scf.if %cond3A_199 {
        %add3A_294 = arith.constant 2 : i32
        %add3A_295 = arith.addi %add3A_156, %add3A_294 : i32
        %dma_start3A_296 = arith.constant 0 : i32
        %dma_start3A_297 = arith.constant 0 : i32
        %dma_start3A_298 = tpu.memref_slice %arg4[%add3A, %add3A_295, %dma_start3A_296, %dma_start3A_297] : memref<32x125x2x80xi32, #tpu.memory_space<hbm>> -> memref<1x1x2x80xi32, #tpu.memory_space<hbm>>
        %dma_start3A_299 = tpu.memref_squeeze %dma_start3A_298 : memref<1x1x2x80xi32, #tpu.memory_space<hbm>> -> memref<2x80xi32, #tpu.memory_space<hbm>>
        %dma_start3A_300 = arith.constant 0 : i32
        %dma_start3A_301 = arith.constant 0 : i32
        %dma_start3A_302 = tpu.memref_slice %arg4[%add3A, %add3A_295, %dma_start3A_300, %dma_start3A_301] : memref<32x125x2x80xi32, #tpu.memory_space<hbm>> -> memref<1x1x2x80xi32, #tpu.memory_space<hbm>>
        %dma_start3A_303 = tpu.memref_squeeze %dma_start3A_302 : memref<1x1x2x80xi32, #tpu.memory_space<hbm>> -> memref<2x80xi32, #tpu.memory_space<hbm>>
        tpu.enqueue_dma source(%dma_start3A_303 : memref<2x80xi32, #tpu.memory_space<hbm>>) target(%arg10 : memref<2x80xi32, #tpu.memory_space<vmem>>) target_semaphore(%arg18 : memref<!tpu.dma_semaphore, #tpu.memory_space<semaphore_mem>>)
      } else {
      }
      %mul3A_200 = arith.constant 4 : i32
      %mul3A_201 = arith.muli %mul3A_200, %scan3A_106 : i32
      %add3A_202 = arith.constant 2 : i32
      %add3A_203 = arith.addi %mul3A_201, %add3A_202 : i32
      %add3A_204 = arith.constant 1 : i32
      %add3A_205 = arith.addi %add3A_203, %add3A_204 : i32
      %dma_wait3A_206 = arith.constant 0 : i32
      %dma_wait3A_207 = arith.constant 0 : i32
      %dma_wait3A_208 = tpu.memref_slice %arg4[%add3A, %add3A_205, %dma_wait3A_206, %dma_wait3A_207] : memref<32x125x2x80xi32, #tpu.memory_space<hbm>> -> memref<1x1x2x80xi32, #tpu.memory_space<hbm>>
      %dma_wait3A_209 = tpu.memref_squeeze %dma_wait3A_208 : memref<1x1x2x80xi32, #tpu.memory_space<hbm>> -> memref<2x80xi32, #tpu.memory_space<hbm>>
      %dma_wait3A_210 = arith.constant 0 : i32
      %dma_wait3A_211 = arith.constant 0 : i32
      %dma_wait3A_212 = tpu.memref_slice %arg4[%add3A, %add3A_205, %dma_wait3A_210, %dma_wait3A_211] : memref<32x125x2x80xi32, #tpu.memory_space<hbm>> -> memref<1x1x2x80xi32, #tpu.memory_space<hbm>>
      %dma_wait3A_213 = tpu.memref_squeeze %dma_wait3A_212 : memref<1x1x2x80xi32, #tpu.memory_space<hbm>> -> memref<2x80xi32, #tpu.memory_space<hbm>>
      tpu.wait_dma2 semaphore(%arg18 : memref<!tpu.dma_semaphore, #tpu.memory_space<semaphore_mem>>) src(%dma_wait3A_213 : memref<2x80xi32, #tpu.memory_space<hbm>>) dst(%arg10 : memref<2x80xi32, #tpu.memory_space<vmem>>)
      %dma_start3A_214 = arith.constant 0 : i32
      %dma_start3A_215 = arith.constant 0 : i32
      %dma_start3A_216 = tpu.memref_slice %arg10[%dma_start3A_214, %dma_start3A_215] : memref<2x80xi32, #tpu.memory_space<vmem>> -> memref<1x80xi32, #tpu.memory_space<vmem>>
      %dma_start3A_217 = tpu.memref_squeeze %dma_start3A_216 : memref<1x80xi32, #tpu.memory_space<vmem>> -> memref<80xi32, #tpu.memory_space<vmem>>
      %dma_start3A_218 = arith.constant 0 : i32
      %dma_start3A_219 = arith.constant 0 : i32
      %dma_start3A_220 = tpu.memref_slice %arg2[%dma_start3A_218, %dma_start3A_219] : memref<10000x128xf32, #tpu.memory_space<hbm>> -> memref<10000x128xf32, #tpu.memory_space<hbm>>
      tpu.enqueue_indirect_dma source(%dma_start3A_220 : memref<10000x128xf32, #tpu.memory_space<hbm>>) target(%arg14 : memref<80x128xf32, #tpu.memory_space<vmem>>) offsets(%dma_start3A_217 : memref<80xi32, #tpu.memory_space<vmem>>) semaphore(%arg22 : memref<!tpu.dma_semaphore, #tpu.memory_space<semaphore_mem>>)
      %dma_wait3A_221 = arith.constant 0 : i32
      %dma_wait3A_222 = arith.constant 0 : i32
      %dma_wait3A_223 = tpu.memref_slice %arg9[%dma_wait3A_221, %dma_wait3A_222] : memref<2x80xi32, #tpu.memory_space<vmem>> -> memref<1x80xi32, #tpu.memory_space<vmem>>
      %dma_wait3A_224 = tpu.memref_squeeze %dma_wait3A_223 : memref<1x80xi32, #tpu.memory_space<vmem>> -> memref<80xi32, #tpu.memory_space<vmem>>
      %dma_wait3A_225 = arith.constant 0 : i32
      %dma_wait3A_226 = arith.constant 0 : i32
      %dma_wait3A_227 = tpu.memref_slice %arg2[%dma_wait3A_225, %dma_wait3A_226] : memref<10000x128xf32, #tpu.memory_space<hbm>> -> memref<10000x128xf32, #tpu.memory_space<hbm>>
      tpu.wait_indirect_dma semaphore(%arg21 : memref<!tpu.dma_semaphore, #tpu.memory_space<semaphore_mem>>) src(%dma_wait3A_227 : memref<10000x128xf32, #tpu.memory_space<hbm>>) dst(%arg13 : memref<80x128xf32, #tpu.memory_space<vmem>>)
      %ge3A_228 = arith.constant 1 : i32
      %ge3A_229 = arith.cmpi sge, %add3A_203, %ge3A_228 : i32
      %convert_element_type3A_230 = arith.extui %ge3A_229 : i1 to i32
      %cond3A_231 = arith.constant 0 : i32
      %cond3A_232 = arith.cmpi ne, %convert_element_type3A_230, %cond3A_231 : i32
      scf.if %cond3A_232 {
        %dma_wait3A_294 = arith.constant 1 : i32
        %dma_wait3A_295 = arith.constant 0 : i32
        %dma_wait3A_296 = tpu.memref_slice %arg8[%dma_wait3A_294, %dma_wait3A_295] : memref<2x80xi32, #tpu.memory_space<vmem>> -> memref<1x80xi32, #tpu.memory_space<vmem>>
        %dma_wait3A_297 = tpu.memref_squeeze %dma_wait3A_296 : memref<1x80xi32, #tpu.memory_space<vmem>> -> memref<80xi32, #tpu.memory_space<vmem>>
        %dma_wait3A_298 = arith.constant 0 : i32
        %dma_wait3A_299 = arith.constant 0 : i32
        %dma_wait3A_300 = tpu.memref_slice %arg6[%dma_wait3A_298, %dma_wait3A_299] : memref<10008x128xf32, #tpu.memory_space<vmem_shared>> -> memref<10008x128xf32, #tpu.memory_space<vmem_shared>>
        tpu.wait_indirect_dma semaphore(%arg24 : memref<!tpu.dma_semaphore, #tpu.memory_space<semaphore_mem>>) src(%arg12 : memref<80x128xf32, #tpu.memory_space<vmem>>) dst(%dma_wait3A_300 : memref<10008x128xf32, #tpu.memory_space<vmem_shared>>)
      } else {
      }
      %dma_start3A_233 = arith.constant 1 : i32
      %dma_start3A_234 = arith.constant 0 : i32
      %dma_start3A_235 = tpu.memref_slice %arg9[%dma_start3A_233, %dma_start3A_234] : memref<2x80xi32, #tpu.memory_space<vmem>> -> memref<1x80xi32, #tpu.memory_space<vmem>>
      %dma_start3A_236 = tpu.memref_squeeze %dma_start3A_235 : memref<1x80xi32, #tpu.memory_space<vmem>> -> memref<80xi32, #tpu.memory_space<vmem>>
      %dma_start3A_237 = arith.constant 0 : i32
      %dma_start3A_238 = arith.constant 0 : i32
      %dma_start3A_239 = tpu.memref_slice %arg6[%dma_start3A_237, %dma_start3A_238] : memref<10008x128xf32, #tpu.memory_space<vmem_shared>> -> memref<10008x128xf32, #tpu.memory_space<vmem_shared>>
      tpu.enqueue_indirect_dma source(%arg13 : memref<80x128xf32, #tpu.memory_space<vmem>>) target(%dma_start3A_239 : memref<10008x128xf32, #tpu.memory_space<vmem_shared>>) offsets(%dma_start3A_236 : memref<80xi32, #tpu.memory_space<vmem>>) semaphore(%arg25 : memref<!tpu.dma_semaphore, #tpu.memory_space<semaphore_mem>>) {add = true}
      %add3A_240 = arith.constant 2 : i32
      %add3A_241 = arith.addi %add3A_203, %add3A_240 : i32
      %lt3A_242 = arith.constant 125 : i32
      %lt3A_243 = arith.cmpi slt, %add3A_241, %lt3A_242 : i32
      %convert_element_type3A_244 = arith.extui %lt3A_243 : i1 to i32
      %cond3A_245 = arith.constant 0 : i32
      %cond3A_246 = arith.cmpi ne, %convert_element_type3A_244, %cond3A_245 : i32
      scf.if %cond3A_246 {
        %add3A_294 = arith.constant 2 : i32
        %add3A_295 = arith.addi %add3A_203, %add3A_294 : i32
        %dma_start3A_296 = arith.constant 0 : i32
        %dma_start3A_297 = arith.constant 0 : i32
        %dma_start3A_298 = tpu.memref_slice %arg4[%add3A, %add3A_295, %dma_start3A_296, %dma_start3A_297] : memref<32x125x2x80xi32, #tpu.memory_space<hbm>> -> memref<1x1x2x80xi32, #tpu.memory_space<hbm>>
        %dma_start3A_299 = tpu.memref_squeeze %dma_start3A_298 : memref<1x1x2x80xi32, #tpu.memory_space<hbm>> -> memref<2x80xi32, #tpu.memory_space<hbm>>
        %dma_start3A_300 = arith.constant 0 : i32
        %dma_start3A_301 = arith.constant 0 : i32
        %dma_start3A_302 = tpu.memref_slice %arg4[%add3A, %add3A_295, %dma_start3A_300, %dma_start3A_301] : memref<32x125x2x80xi32, #tpu.memory_space<hbm>> -> memref<1x1x2x80xi32, #tpu.memory_space<hbm>>
        %dma_start3A_303 = tpu.memref_squeeze %dma_start3A_302 : memref<1x1x2x80xi32, #tpu.memory_space<hbm>> -> memref<2x80xi32, #tpu.memory_space<hbm>>
        tpu.enqueue_dma source(%dma_start3A_303 : memref<2x80xi32, #tpu.memory_space<hbm>>) target(%arg7 : memref<2x80xi32, #tpu.memory_space<vmem>>) target_semaphore(%arg15 : memref<!tpu.dma_semaphore, #tpu.memory_space<semaphore_mem>>)
      } else {
      }
      %mul3A_247 = arith.constant 4 : i32
      %mul3A_248 = arith.muli %mul3A_247, %scan3A_106 : i32
      %add3A_249 = arith.constant 3 : i32
      %add3A_250 = arith.addi %mul3A_248, %add3A_249 : i32
      %add3A_251 = arith.constant 1 : i32
      %add3A_252 = arith.addi %add3A_250, %add3A_251 : i32
      %dma_wait3A_253 = arith.constant 0 : i32
      %dma_wait3A_254 = arith.constant 0 : i32
      %dma_wait3A_255 = tpu.memref_slice %arg4[%add3A, %add3A_252, %dma_wait3A_253, %dma_wait3A_254] : memref<32x125x2x80xi32, #tpu.memory_space<hbm>> -> memref<1x1x2x80xi32, #tpu.memory_space<hbm>>
      %dma_wait3A_256 = tpu.memref_squeeze %dma_wait3A_255 : memref<1x1x2x80xi32, #tpu.memory_space<hbm>> -> memref<2x80xi32, #tpu.memory_space<hbm>>
      %dma_wait3A_257 = arith.constant 0 : i32
      %dma_wait3A_258 = arith.constant 0 : i32
      %dma_wait3A_259 = tpu.memref_slice %arg4[%add3A, %add3A_252, %dma_wait3A_257, %dma_wait3A_258] : memref<32x125x2x80xi32, #tpu.memory_space<hbm>> -> memref<1x1x2x80xi32, #tpu.memory_space<hbm>>
      %dma_wait3A_260 = tpu.memref_squeeze %dma_wait3A_259 : memref<1x1x2x80xi32, #tpu.memory_space<hbm>> -> memref<2x80xi32, #tpu.memory_space<hbm>>
      tpu.wait_dma2 semaphore(%arg15 : memref<!tpu.dma_semaphore, #tpu.memory_space<semaphore_mem>>) src(%dma_wait3A_260 : memref<2x80xi32, #tpu.memory_space<hbm>>) dst(%arg7 : memref<2x80xi32, #tpu.memory_space<vmem>>)
      %dma_start3A_261 = arith.constant 0 : i32
      %dma_start3A_262 = arith.constant 0 : i32
      %dma_start3A_263 = tpu.memref_slice %arg7[%dma_start3A_261, %dma_start3A_262] : memref<2x80xi32, #tpu.memory_space<vmem>> -> memref<1x80xi32, #tpu.memory_space<vmem>>
      %dma_start3A_264 = tpu.memref_squeeze %dma_start3A_263 : memref<1x80xi32, #tpu.memory_space<vmem>> -> memref<80xi32, #tpu.memory_space<vmem>>
      %dma_start3A_265 = arith.constant 0 : i32
      %dma_start3A_266 = arith.constant 0 : i32
      %dma_start3A_267 = tpu.memref_slice %arg2[%dma_start3A_265, %dma_start3A_266] : memref<10000x128xf32, #tpu.memory_space<hbm>> -> memref<10000x128xf32, #tpu.memory_space<hbm>>
      tpu.enqueue_indirect_dma source(%dma_start3A_267 : memref<10000x128xf32, #tpu.memory_space<hbm>>) target(%arg11 : memref<80x128xf32, #tpu.memory_space<vmem>>) offsets(%dma_start3A_264 : memref<80xi32, #tpu.memory_space<vmem>>) semaphore(%arg19 : memref<!tpu.dma_semaphore, #tpu.memory_space<semaphore_mem>>)
      %dma_wait3A_268 = arith.constant 0 : i32
      %dma_wait3A_269 = arith.constant 0 : i32
      %dma_wait3A_270 = tpu.memref_slice %arg10[%dma_wait3A_268, %dma_wait3A_269] : memref<2x80xi32, #tpu.memory_space<vmem>> -> memref<1x80xi32, #tpu.memory_space<vmem>>
      %dma_wait3A_271 = tpu.memref_squeeze %dma_wait3A_270 : memref<1x80xi32, #tpu.memory_space<vmem>> -> memref<80xi32, #tpu.memory_space<vmem>>
      %dma_wait3A_272 = arith.constant 0 : i32
      %dma_wait3A_273 = arith.constant 0 : i32
      %dma_wait3A_274 = tpu.memref_slice %arg2[%dma_wait3A_272, %dma_wait3A_273] : memref<10000x128xf32, #tpu.memory_space<hbm>> -> memref<10000x128xf32, #tpu.memory_space<hbm>>
      tpu.wait_indirect_dma semaphore(%arg22 : memref<!tpu.dma_semaphore, #tpu.memory_space<semaphore_mem>>) src(%dma_wait3A_274 : memref<10000x128xf32, #tpu.memory_space<hbm>>) dst(%arg14 : memref<80x128xf32, #tpu.memory_space<vmem>>)
      %ge3A_275 = arith.constant 1 : i32
      %ge3A_276 = arith.cmpi sge, %add3A_250, %ge3A_275 : i32
      %convert_element_type3A_277 = arith.extui %ge3A_276 : i1 to i32
      %cond3A_278 = arith.constant 0 : i32
      %cond3A_279 = arith.cmpi ne, %convert_element_type3A_277, %cond3A_278 : i32
      scf.if %cond3A_279 {
        %dma_wait3A_294 = arith.constant 1 : i32
        %dma_wait3A_295 = arith.constant 0 : i32
        %dma_wait3A_296 = tpu.memref_slice %arg9[%dma_wait3A_294, %dma_wait3A_295] : memref<2x80xi32, #tpu.memory_space<vmem>> -> memref<1x80xi32, #tpu.memory_space<vmem>>
        %dma_wait3A_297 = tpu.memref_squeeze %dma_wait3A_296 : memref<1x80xi32, #tpu.memory_space<vmem>> -> memref<80xi32, #tpu.memory_space<vmem>>
        %dma_wait3A_298 = arith.constant 0 : i32
        %dma_wait3A_299 = arith.constant 0 : i32
        %dma_wait3A_300 = tpu.memref_slice %arg6[%dma_wait3A_298, %dma_wait3A_299] : memref<10008x128xf32, #tpu.memory_space<vmem_shared>> -> memref<10008x128xf32, #tpu.memory_space<vmem_shared>>
        tpu.wait_indirect_dma semaphore(%arg25 : memref<!tpu.dma_semaphore, #tpu.memory_space<semaphore_mem>>) src(%arg13 : memref<80x128xf32, #tpu.memory_space<vmem>>) dst(%dma_wait3A_300 : memref<10008x128xf32, #tpu.memory_space<vmem_shared>>)
      } else {
      }
      %dma_start3A_280 = arith.constant 1 : i32
      %dma_start3A_281 = arith.constant 0 : i32
      %dma_start3A_282 = tpu.memref_slice %arg10[%dma_start3A_280, %dma_start3A_281] : memref<2x80xi32, #tpu.memory_space<vmem>> -> memref<1x80xi32, #tpu.memory_space<vmem>>
      %dma_start3A_283 = tpu.memref_squeeze %dma_start3A_282 : memref<1x80xi32, #tpu.memory_space<vmem>> -> memref<80xi32, #tpu.memory_space<vmem>>
      %dma_start3A_284 = arith.constant 0 : i32
      %dma_start3A_285 = arith.constant 0 : i32
      %dma_start3A_286 = tpu.memref_slice %arg6[%dma_start3A_284, %dma_start3A_285] : memref<10008x128xf32, #tpu.memory_space<vmem_shared>> -> memref<10008x128xf32, #tpu.memory_space<vmem_shared>>
      tpu.enqueue_indirect_dma source(%arg14 : memref<80x128xf32, #tpu.memory_space<vmem>>) target(%dma_start3A_286 : memref<10008x128xf32, #tpu.memory_space<vmem_shared>>) offsets(%dma_start3A_283 : memref<80xi32, #tpu.memory_space<vmem>>) semaphore(%arg26 : memref<!tpu.dma_semaphore, #tpu.memory_space<semaphore_mem>>) {add = true}
      %add3A_287 = arith.constant 2 : i32
      %add3A_288 = arith.addi %add3A_250, %add3A_287 : i32
      %lt3A_289 = arith.constant 125 : i32
      %lt3A_290 = arith.cmpi slt, %add3A_288, %lt3A_289 : i32
      %convert_element_type3A_291 = arith.extui %lt3A_290 : i1 to i32
      %cond3A_292 = arith.constant 0 : i32
      %cond3A_293 = arith.cmpi ne, %convert_element_type3A_291, %cond3A_292 : i32
      scf.if %cond3A_293 {
        %add3A_294 = arith.constant 2 : i32
        %add3A_295 = arith.addi %add3A_250, %add3A_294 : i32
        %dma_start3A_296 = arith.constant 0 : i32
        %dma_start3A_297 = arith.constant 0 : i32
        %dma_start3A_298 = tpu.memref_slice %arg4[%add3A, %add3A_295, %dma_start3A_296, %dma_start3A_297] : memref<32x125x2x80xi32, #tpu.memory_space<hbm>> -> memref<1x1x2x80xi32, #tpu.memory_space<hbm>>
        %dma_start3A_299 = tpu.memref_squeeze %dma_start3A_298 : memref<1x1x2x80xi32, #tpu.memory_space<hbm>> -> memref<2x80xi32, #tpu.memory_space<hbm>>
        %dma_start3A_300 = arith.constant 0 : i32
        %dma_start3A_301 = arith.constant 0 : i32
        %dma_start3A_302 = tpu.memref_slice %arg4[%add3A, %add3A_295, %dma_start3A_300, %dma_start3A_301] : memref<32x125x2x80xi32, #tpu.memory_space<hbm>> -> memref<1x1x2x80xi32, #tpu.memory_space<hbm>>
        %dma_start3A_303 = tpu.memref_squeeze %dma_start3A_302 : memref<1x1x2x80xi32, #tpu.memory_space<hbm>> -> memref<2x80xi32, #tpu.memory_space<hbm>>
        tpu.enqueue_dma source(%dma_start3A_303 : memref<2x80xi32, #tpu.memory_space<hbm>>) target(%arg8 : memref<2x80xi32, #tpu.memory_space<vmem>>) target_semaphore(%arg16 : memref<!tpu.dma_semaphore, #tpu.memory_space<semaphore_mem>>)
      } else {
      }
    }
    %scan3A_66 = arith.constant 31 : i32
    %dma_wait3A_67 = arith.constant 0 : i32
    %dma_wait3A_68 = arith.constant 0 : i32
    %dma_wait3A_69 = tpu.memref_slice %arg7[%dma_wait3A_67, %dma_wait3A_68] : memref<2x80xi32, #tpu.memory_space<vmem>> -> memref<1x80xi32, #tpu.memory_space<vmem>>
    %dma_wait3A_70 = tpu.memref_squeeze %dma_wait3A_69 : memref<1x80xi32, #tpu.memory_space<vmem>> -> memref<80xi32, #tpu.memory_space<vmem>>
    %dma_wait3A_71 = arith.constant 0 : i32
    %dma_wait3A_72 = arith.constant 0 : i32
    %dma_wait3A_73 = tpu.memref_slice %arg2[%dma_wait3A_71, %dma_wait3A_72] : memref<10000x128xf32, #tpu.memory_space<hbm>> -> memref<10000x128xf32, #tpu.memory_space<hbm>>
    tpu.wait_indirect_dma semaphore(%arg19 : memref<!tpu.dma_semaphore, #tpu.memory_space<semaphore_mem>>) src(%dma_wait3A_73 : memref<10000x128xf32, #tpu.memory_space<hbm>>) dst(%arg11 : memref<80x128xf32, #tpu.memory_space<vmem>>)
    %dma_wait3A_74 = arith.constant 1 : i32
    %dma_wait3A_75 = arith.constant 0 : i32
    %dma_wait3A_76 = tpu.memref_slice %arg10[%dma_wait3A_74, %dma_wait3A_75] : memref<2x80xi32, #tpu.memory_space<vmem>> -> memref<1x80xi32, #tpu.memory_space<vmem>>
    %dma_wait3A_77 = tpu.memref_squeeze %dma_wait3A_76 : memref<1x80xi32, #tpu.memory_space<vmem>> -> memref<80xi32, #tpu.memory_space<vmem>>
    %dma_wait3A_78 = arith.constant 0 : i32
    %dma_wait3A_79 = arith.constant 0 : i32
    %dma_wait3A_80 = tpu.memref_slice %arg6[%dma_wait3A_78, %dma_wait3A_79] : memref<10008x128xf32, #tpu.memory_space<vmem_shared>> -> memref<10008x128xf32, #tpu.memory_space<vmem_shared>>
    tpu.wait_indirect_dma semaphore(%arg26 : memref<!tpu.dma_semaphore, #tpu.memory_space<semaphore_mem>>) src(%arg14 : memref<80x128xf32, #tpu.memory_space<vmem>>) dst(%dma_wait3A_80 : memref<10008x128xf32, #tpu.memory_space<vmem_shared>>)
    %dma_start3A_81 = arith.constant 1 : i32
    %dma_start3A_82 = arith.constant 0 : i32
    %dma_start3A_83 = tpu.memref_slice %arg7[%dma_start3A_81, %dma_start3A_82] : memref<2x80xi32, #tpu.memory_space<vmem>> -> memref<1x80xi32, #tpu.memory_space<vmem>>
    %dma_start3A_84 = tpu.memref_squeeze %dma_start3A_83 : memref<1x80xi32, #tpu.memory_space<vmem>> -> memref<80xi32, #tpu.memory_space<vmem>>
    %dma_start3A_85 = arith.constant 0 : i32
    %dma_start3A_86 = arith.constant 0 : i32
    %dma_start3A_87 = tpu.memref_slice %arg6[%dma_start3A_85, %dma_start3A_86] : memref<10008x128xf32, #tpu.memory_space<vmem_shared>> -> memref<10008x128xf32, #tpu.memory_space<vmem_shared>>
    tpu.enqueue_indirect_dma source(%arg11 : memref<80x128xf32, #tpu.memory_space<vmem>>) target(%dma_start3A_87 : memref<10008x128xf32, #tpu.memory_space<vmem_shared>>) offsets(%dma_start3A_84 : memref<80xi32, #tpu.memory_space<vmem>>) semaphore(%arg23 : memref<!tpu.dma_semaphore, #tpu.memory_space<semaphore_mem>>) {add = true}
    %dma_wait3A_88 = arith.constant 1 : i32
    %dma_wait3A_89 = arith.constant 0 : i32
    %dma_wait3A_90 = tpu.memref_slice %arg7[%dma_wait3A_88, %dma_wait3A_89] : memref<2x80xi32, #tpu.memory_space<vmem>> -> memref<1x80xi32, #tpu.memory_space<vmem>>
    %dma_wait3A_91 = tpu.memref_squeeze %dma_wait3A_90 : memref<1x80xi32, #tpu.memory_space<vmem>> -> memref<80xi32, #tpu.memory_space<vmem>>
    %dma_wait3A_92 = arith.constant 0 : i32
    %dma_wait3A_93 = arith.constant 0 : i32
    %dma_wait3A_94 = tpu.memref_slice %arg6[%dma_wait3A_92, %dma_wait3A_93] : memref<10008x128xf32, #tpu.memory_space<vmem_shared>> -> memref<10008x128xf32, #tpu.memory_space<vmem_shared>>
    tpu.wait_indirect_dma semaphore(%arg23 : memref<!tpu.dma_semaphore, #tpu.memory_space<semaphore_mem>>) src(%arg11 : memref<80x128xf32, #tpu.memory_space<vmem>>) dst(%dma_wait3A_94 : memref<10008x128xf32, #tpu.memory_space<vmem_shared>>)
    %barrier3A_95 = arith.constant 0 : index
    tpu.barrier barrier_id(%barrier3A_95)
    %lt3A_96 = arith.constant 15 : i32
    %lt3A_97 = arith.cmpi slt, %arg1, %lt3A_96 : i32
    %convert_element_type3A_98 = arith.extui %lt3A_97 : i1 to i32
    %cond3A_99 = arith.constant 0 : i32
    %cond3A_100 = arith.cmpi ne, %convert_element_type3A_98, %cond3A_99 : i32
    scf.if %cond3A_100 {
      "tpu.region"() ({
        %run_scoped3A = tpu.sem_alloc : memref<!tpu.dma_semaphore, #tpu.memory_space<semaphore_mem>>
        %dma_start3A_106 = arith.constant 0 : i32
        %dma_start3A_107 = tpu.memref_slice %arg5[%arg0, %multiple_of3A, %dma_start3A_106] : memref<2x10000x128xf32, #tpu.memory_space<hbm>> -> memref<1x624x128xf32, #tpu.memory_space<hbm>>
        %dma_start3A_108 = tpu.memref_squeeze %dma_start3A_107 : memref<1x624x128xf32, #tpu.memory_space<hbm>> -> memref<624x128xf32, #tpu.memory_space<hbm>>
        %dma_start3A_109 = arith.constant 0 : i32
        %dma_start3A_110 = tpu.memref_slice %arg6[%multiple_of3A, %dma_start3A_109] : memref<10008x128xf32, #tpu.memory_space<vmem_shared>> -> memref<624x128xf32, #tpu.memory_space<vmem_shared>>
        tpu.enqueue_dma source(%dma_start3A_110 : memref<624x128xf32, #tpu.memory_space<vmem_shared>>) target(%dma_start3A_108 : memref<624x128xf32, #tpu.memory_space<hbm>>) target_semaphore(%run_scoped3A : memref<!tpu.dma_semaphore, #tpu.memory_space<semaphore_mem>>)
        %dma_wait3A_111 = arith.constant 0 : i32
        %dma_wait3A_112 = tpu.memref_slice %arg5[%arg0, %multiple_of3A, %dma_wait3A_111] : memref<2x10000x128xf32, #tpu.memory_space<hbm>> -> memref<1x624x128xf32, #tpu.memory_space<hbm>>
        %dma_wait3A_113 = tpu.memref_squeeze %dma_wait3A_112 : memref<1x624x128xf32, #tpu.memory_space<hbm>> -> memref<624x128xf32, #tpu.memory_space<hbm>>
        %dma_wait3A_114 = arith.constant 0 : i32
        %dma_wait3A_115 = tpu.memref_slice %arg6[%multiple_of3A, %dma_wait3A_114] : memref<10008x128xf32, #tpu.memory_space<vmem_shared>> -> memref<624x128xf32, #tpu.memory_space<vmem_shared>>
        tpu.wait_dma2 semaphore(%run_scoped3A : memref<!tpu.dma_semaphore, #tpu.memory_space<semaphore_mem>>) src(%dma_wait3A_115 : memref<624x128xf32, #tpu.memory_space<vmem_shared>>) dst(%dma_wait3A_113 : memref<624x128xf32, #tpu.memory_space<hbm>>)
        tpu.yield
      }) : () -> ()
    } else {
    }
    %eq3A_101 = arith.constant 15 : i32
    %eq3A_102 = arith.cmpi eq, %arg1, %eq3A_101 : i32
    %convert_element_type3A_103 = arith.extui %eq3A_102 : i1 to i32
    %cond3A_104 = arith.constant 0 : i32
    %cond3A_105 = arith.cmpi ne, %convert_element_type3A_103, %cond3A_104 : i32
    scf.if %cond3A_105 {
      "tpu.region"() ({
        %run_scoped3A = tpu.sem_alloc : memref<!tpu.dma_semaphore, #tpu.memory_space<semaphore_mem>>
        %dma_start3A_106 = arith.constant 9360 : i32
        %dma_start3A_107 = arith.constant 0 : i32
        %dma_start3A_108 = tpu.memref_slice %arg5[%arg0, %dma_start3A_106, %dma_start3A_107] : memref<2x10000x128xf32, #tpu.memory_space<hbm>> -> memref<1x640x128xf32, #tpu.memory_space<hbm>>
        %dma_start3A_109 = tpu.memref_squeeze %dma_start3A_108 : memref<1x640x128xf32, #tpu.memory_space<hbm>> -> memref<640x128xf32, #tpu.memory_space<hbm>>
        %dma_start3A_110 = arith.constant 9360 : i32
        %dma_start3A_111 = arith.constant 0 : i32
        %dma_start3A_112 = tpu.memref_slice %arg6[%dma_start3A_110, %dma_start3A_111] : memref<10008x128xf32, #tpu.memory_space<vmem_shared>> -> memref<640x128xf32, #tpu.memory_space<vmem_shared>>
        tpu.enqueue_dma source(%dma_start3A_112 : memref<640x128xf32, #tpu.memory_space<vmem_shared>>) target(%dma_start3A_109 : memref<640x128xf32, #tpu.memory_space<hbm>>) target_semaphore(%run_scoped3A : memref<!tpu.dma_semaphore, #tpu.memory_space<semaphore_mem>>)
        %dma_wait3A_113 = arith.constant 9360 : i32
        %dma_wait3A_114 = arith.constant 0 : i32
        %dma_wait3A_115 = tpu.memref_slice %arg5[%arg0, %dma_wait3A_113, %dma_wait3A_114] : memref<2x10000x128xf32, #tpu.memory_space<hbm>> -> memref<1x640x128xf32, #tpu.memory_space<hbm>>
        %dma_wait3A_116 = tpu.memref_squeeze %dma_wait3A_115 : memref<1x640x128xf32, #tpu.memory_space<hbm>> -> memref<640x128xf32, #tpu.memory_space<hbm>>
        %dma_wait3A_117 = arith.constant 9360 : i32
        %dma_wait3A_118 = arith.constant 0 : i32
        %dma_wait3A_119 = tpu.memref_slice %arg6[%dma_wait3A_117, %dma_wait3A_118] : memref<10008x128xf32, #tpu.memory_space<vmem_shared>> -> memref<640x128xf32, #tpu.memory_space<vmem_shared>>
        tpu.wait_dma2 semaphore(%run_scoped3A : memref<!tpu.dma_semaphore, #tpu.memory_space<semaphore_mem>>) src(%dma_wait3A_119 : memref<640x128xf32, #tpu.memory_space<vmem_shared>>) dst(%dma_wait3A_116 : memref<640x128xf32, #tpu.memory_space<hbm>>)
        tpu.yield
      }) : () -> ()
    } else {
    }
    return
  }
}

#map = affine_map<(d0, d1) -> (0, 0)>
#map1 = affine_map<(d0, d1) -> (0, 0, 0, 0)>
#map2 = affine_map<(d0, d1) -> (0, 0, 0)>
module attributes {stable_mosaic.version = 14 : i64} {
  func.func @edge_kernel(%arg0: i32, %arg1: i32, %arg2: memref<10000x128xf32, #tpu.memory_space<hbm>>, %arg3: memref<10000x128xf32, #tpu.memory_space<hbm>>, %arg4: memref<32x125x2x80xi32, #tpu.memory_space<hbm>>, %arg5: memref<2x10000x128xf32, #tpu.memory_space<hbm>>, %arg6: memref<10008x128xf32, #tpu.memory_space<vmem_shared>>, %arg7: memref<2x80xi32, #tpu.memory_space<vmem>>, %arg8: memref<2x80xi32, #tpu.memory_space<vmem>>, %arg9: memref<2x80xi32, #tpu.memory_space<vmem>>, %arg10: memref<2x80xi32, #tpu.memory_space<vmem>>, %arg11: memref<80x128xf32, #tpu.memory_space<vmem>>, %arg12: memref<80x128xf32, #tpu.memory_space<vmem>>, %arg13: memref<80x128xf32, #tpu.memory_space<vmem>>, %arg14: memref<80x128xf32, #tpu.memory_space<vmem>>, %arg15: memref<!tpu.dma_semaphore, #tpu.memory_space<semaphore_mem>>, %arg16: memref<!tpu.dma_semaphore, #tpu.memory_space<semaphore_mem>>, %arg17: memref<!tpu.dma_semaphore, #tpu.memory_space<semaphore_mem>>, %arg18: memref<!tpu.dma_semaphore, #tpu.memory_space<semaphore_mem>>, %arg19: memref<!tpu.dma_semaphore, #tpu.memory_space<semaphore_mem>>, %arg20: memref<!tpu.dma_semaphore, #tpu.memory_space<semaphore_mem>>, %arg21: memref<!tpu.dma_semaphore, #tpu.memory_space<semaphore_mem>>, %arg22: memref<!tpu.dma_semaphore, #tpu.memory_space<semaphore_mem>>, %arg23: memref<!tpu.dma_semaphore, #tpu.memory_space<semaphore_mem>>, %arg24: memref<!tpu.dma_semaphore, #tpu.memory_space<semaphore_mem>>, %arg25: memref<!tpu.dma_semaphore, #tpu.memory_space<semaphore_mem>>, %arg26: memref<!tpu.dma_semaphore, #tpu.memory_space<semaphore_mem>>) attributes {dimension_semantics = [#tpu.dimension_semantics<core_parallel>, #tpu.dimension_semantics<subcore_parallel>], iteration_bounds = array<i64: 2, 16>, scalar_prefetch = 0 : i64, scratch_operands = 21 : i64, tpu.core_type = #tpu.core_type<sc_vector_subcore>, window_params = [{transform_indices = #map}, {transform_indices = #map}, {transform_indices = #map1}, {transform_indices = #map2}]} {
    %mul3A = arith.constant 16 : i32
    %mul3A_0 = arith.muli %arg0, %mul3A : i32
    %add3A = arith.addi %mul3A_0, %arg1 : i32
    %mul3A_1 = arith.constant 624 : i32
    %mul3A_2 = arith.muli %arg1, %mul3A_1 : i32
    %multiple_of3A = tpu.assume_multiple %mul3A_2, 8 : i32
    %eq3A = arith.constant 0 : i32
    %eq3A_3 = arith.cmpi eq, %arg0, %eq3A : i32
    %lt3A = arith.constant 15 : i32
    %lt3A_4 = arith.cmpi slt, %arg1, %lt3A : i32
    %and3A = arith.andi %eq3A_3, %lt3A_4 : i1
    %convert_element_type3A = arith.extui %and3A : i1 to i32
    %cond3A = arith.constant 0 : i32
    %cond3A_5 = arith.cmpi ne, %convert_element_type3A, %cond3A : i32
    scf.if %cond3A_5 {
      "tpu.region"() ({
        %run_scoped3A = tpu.sem_alloc : memref<!tpu.dma_semaphore, #tpu.memory_space<semaphore_mem>>
        %dma_start3A_106 = arith.constant 0 : i32
        %dma_start3A_107 = tpu.memref_slice %arg6[%multiple_of3A, %dma_start3A_106] : memref<10008x128xf32, #tpu.memory_space<vmem_shared>> -> memref<624x128xf32, #tpu.memory_space<vmem_shared>>
        %dma_start3A_108 = arith.constant 0 : i32
        %dma_start3A_109 = tpu.memref_slice %arg2[%multiple_of3A, %dma_start3A_108] : memref<10000x128xf32, #tpu.memory_space<hbm>> -> memref<624x128xf32, #tpu.memory_space<hbm>>
        tpu.enqueue_dma source(%dma_start3A_109 : memref<624x128xf32, #tpu.memory_space<hbm>>) target(%dma_start3A_107 : memref<624x128xf32, #tpu.memory_space<vmem_shared>>) target_semaphore(%run_scoped3A : memref<!tpu.dma_semaphore, #tpu.memory_space<semaphore_mem>>)
        %dma_wait3A_110 = arith.constant 0 : i32
        %dma_wait3A_111 = tpu.memref_slice %arg6[%multiple_of3A, %dma_wait3A_110] : memref<10008x128xf32, #tpu.memory_space<vmem_shared>> -> memref<624x128xf32, #tpu.memory_space<vmem_shared>>
        %dma_wait3A_112 = arith.constant 0 : i32
        %dma_wait3A_113 = tpu.memref_slice %arg2[%multiple_of3A, %dma_wait3A_112] : memref<10000x128xf32, #tpu.memory_space<hbm>> -> memref<624x128xf32, #tpu.memory_space<hbm>>
        tpu.wait_dma2 semaphore(%run_scoped3A : memref<!tpu.dma_semaphore, #tpu.memory_space<semaphore_mem>>) src(%dma_wait3A_113 : memref<624x128xf32, #tpu.memory_space<hbm>>) dst(%dma_wait3A_111 : memref<624x128xf32, #tpu.memory_space<vmem_shared>>)
        tpu.yield
      }) : () -> ()
    } else {
    }
    %eq3A_6 = arith.constant 0 : i32
    %eq3A_7 = arith.cmpi eq, %arg0, %eq3A_6 : i32
    %eq3A_8 = arith.constant 15 : i32
    %eq3A_9 = arith.cmpi eq, %arg1, %eq3A_8 : i32
    %and3A_10 = arith.andi %eq3A_7, %eq3A_9 : i1
    %convert_element_type3A_11 = arith.extui %and3A_10 : i1 to i32
    %cond3A_12 = arith.constant 0 : i32
    %cond3A_13 = arith.cmpi ne, %convert_element_type3A_11, %cond3A_12 : i32
    scf.if %cond3A_13 {
      "tpu.region"() ({
        %run_scoped3A = tpu.sem_alloc : memref<!tpu.dma_semaphore, #tpu.memory_space<semaphore_mem>>
        %dma_start3A_106 = arith.constant 9360 : i32
        %dma_start3A_107 = arith.constant 0 : i32
        %dma_start3A_108 = tpu.memref_slice %arg6[%dma_start3A_106, %dma_start3A_107] : memref<10008x128xf32, #tpu.memory_space<vmem_shared>> -> memref<640x128xf32, #tpu.memory_space<vmem_shared>>
        %dma_start3A_109 = arith.constant 9360 : i32
        %dma_start3A_110 = arith.constant 0 : i32
        %dma_start3A_111 = tpu.memref_slice %arg2[%dma_start3A_109, %dma_start3A_110] : memref<10000x128xf32, #tpu.memory_space<hbm>> -> memref<640x128xf32, #tpu.memory_space<hbm>>
        tpu.enqueue_dma source(%dma_start3A_111 : memref<640x128xf32, #tpu.memory_space<hbm>>) target(%dma_start3A_108 : memref<640x128xf32, #tpu.memory_space<vmem_shared>>) target_semaphore(%run_scoped3A : memref<!tpu.dma_semaphore, #tpu.memory_space<semaphore_mem>>)
        %dma_wait3A_112 = arith.constant 9360 : i32
        %dma_wait3A_113 = arith.constant 0 : i32
        %dma_wait3A_114 = tpu.memref_slice %arg6[%dma_wait3A_112, %dma_wait3A_113] : memref<10008x128xf32, #tpu.memory_space<vmem_shared>> -> memref<640x128xf32, #tpu.memory_space<vmem_shared>>
        %dma_wait3A_115 = arith.constant 9360 : i32
        %dma_wait3A_116 = arith.constant 0 : i32
        %dma_wait3A_117 = tpu.memref_slice %arg2[%dma_wait3A_115, %dma_wait3A_116] : memref<10000x128xf32, #tpu.memory_space<hbm>> -> memref<640x128xf32, #tpu.memory_space<hbm>>
        tpu.wait_dma2 semaphore(%run_scoped3A : memref<!tpu.dma_semaphore, #tpu.memory_space<semaphore_mem>>) src(%dma_wait3A_117 : memref<640x128xf32, #tpu.memory_space<hbm>>) dst(%dma_wait3A_114 : memref<640x128xf32, #tpu.memory_space<vmem_shared>>)
        tpu.yield
      }) : () -> ()
    } else {
    }
    %eq3A_14 = arith.constant 1 : i32
    %eq3A_15 = arith.cmpi eq, %arg0, %eq3A_14 : i32
    %lt3A_16 = arith.constant 15 : i32
    %lt3A_17 = arith.cmpi slt, %arg1, %lt3A_16 : i32
    %and3A_18 = arith.andi %eq3A_15, %lt3A_17 : i1
    %convert_element_type3A_19 = arith.extui %and3A_18 : i1 to i32
    %cond3A_20 = arith.constant 0 : i32
    %cond3A_21 = arith.cmpi ne, %convert_element_type3A_19, %cond3A_20 : i32
    scf.if %cond3A_21 {
      "tpu.region"() ({
        %run_scoped3A = tpu.sem_alloc : memref<!tpu.dma_semaphore, #tpu.memory_space<semaphore_mem>>
        %dma_start3A_106 = arith.constant 0 : i32
        %dma_start3A_107 = tpu.memref_slice %arg6[%multiple_of3A, %dma_start3A_106] : memref<10008x128xf32, #tpu.memory_space<vmem_shared>> -> memref<624x128xf32, #tpu.memory_space<vmem_shared>>
        %dma_start3A_108 = arith.constant 0 : i32
        %dma_start3A_109 = tpu.memref_slice %arg3[%multiple_of3A, %dma_start3A_108] : memref<10000x128xf32, #tpu.memory_space<hbm>> -> memref<624x128xf32, #tpu.memory_space<hbm>>
        tpu.enqueue_dma source(%dma_start3A_109 : memref<624x128xf32, #tpu.memory_space<hbm>>) target(%dma_start3A_107 : memref<624x128xf32, #tpu.memory_space<vmem_shared>>) target_semaphore(%run_scoped3A : memref<!tpu.dma_semaphore, #tpu.memory_space<semaphore_mem>>)
        %dma_wait3A_110 = arith.constant 0 : i32
        %dma_wait3A_111 = tpu.memref_slice %arg6[%multiple_of3A, %dma_wait3A_110] : memref<10008x128xf32, #tpu.memory_space<vmem_shared>> -> memref<624x128xf32, #tpu.memory_space<vmem_shared>>
        %dma_wait3A_112 = arith.constant 0 : i32
        %dma_wait3A_113 = tpu.memref_slice %arg3[%multiple_of3A, %dma_wait3A_112] : memref<10000x128xf32, #tpu.memory_space<hbm>> -> memref<624x128xf32, #tpu.memory_space<hbm>>
        tpu.wait_dma2 semaphore(%run_scoped3A : memref<!tpu.dma_semaphore, #tpu.memory_space<semaphore_mem>>) src(%dma_wait3A_113 : memref<624x128xf32, #tpu.memory_space<hbm>>) dst(%dma_wait3A_111 : memref<624x128xf32, #tpu.memory_space<vmem_shared>>)
        tpu.yield
      }) : () -> ()
    } else {
    }
    %eq3A_22 = arith.constant 1 : i32
    %eq3A_23 = arith.cmpi eq, %arg0, %eq3A_22 : i32
    %eq3A_24 = arith.constant 15 : i32
    %eq3A_25 = arith.cmpi eq, %arg1, %eq3A_24 : i32
    %and3A_26 = arith.andi %eq3A_23, %eq3A_25 : i1
    %convert_element_type3A_27 = arith.extui %and3A_26 : i1 to i32
    %cond3A_28 = arith.constant 0 : i32
    %cond3A_29 = arith.cmpi ne, %convert_element_type3A_27, %cond3A_28 : i32
    scf.if %cond3A_29 {
      "tpu.region"() ({
        %run_scoped3A = tpu.sem_alloc : memref<!tpu.dma_semaphore, #tpu.memory_space<semaphore_mem>>
        %dma_start3A_106 = arith.constant 9360 : i32
        %dma_start3A_107 = arith.constant 0 : i32
        %dma_start3A_108 = tpu.memref_slice %arg6[%dma_start3A_106, %dma_start3A_107] : memref<10008x128xf32, #tpu.memory_space<vmem_shared>> -> memref<640x128xf32, #tpu.memory_space<vmem_shared>>
        %dma_start3A_109 = arith.constant 9360 : i32
        %dma_start3A_110 = arith.constant 0 : i32
        %dma_start3A_111 = tpu.memref_slice %arg3[%dma_start3A_109, %dma_start3A_110] : memref<10000x128xf32, #tpu.memory_space<hbm>> -> memref<640x128xf32, #tpu.memory_space<hbm>>
        tpu.enqueue_dma source(%dma_start3A_111 : memref<640x128xf32, #tpu.memory_space<hbm>>) target(%dma_start3A_108 : memref<640x128xf32, #tpu.memory_space<vmem_shared>>) target_semaphore(%run_scoped3A : memref<!tpu.dma_semaphore, #tpu.memory_space<semaphore_mem>>)
        %dma_wait3A_112 = arith.constant 9360 : i32
        %dma_wait3A_113 = arith.constant 0 : i32
        %dma_wait3A_114 = tpu.memref_slice %arg6[%dma_wait3A_112, %dma_wait3A_113] : memref<10008x128xf32, #tpu.memory_space<vmem_shared>> -> memref<640x128xf32, #tpu.memory_space<vmem_shared>>
        %dma_wait3A_115 = arith.constant 9360 : i32
        %dma_wait3A_116 = arith.constant 0 : i32
        %dma_wait3A_117 = tpu.memref_slice %arg3[%dma_wait3A_115, %dma_wait3A_116] : memref<10000x128xf32, #tpu.memory_space<hbm>> -> memref<640x128xf32, #tpu.memory_space<hbm>>
        tpu.wait_dma2 semaphore(%run_scoped3A : memref<!tpu.dma_semaphore, #tpu.memory_space<semaphore_mem>>) src(%dma_wait3A_117 : memref<640x128xf32, #tpu.memory_space<hbm>>) dst(%dma_wait3A_114 : memref<640x128xf32, #tpu.memory_space<vmem_shared>>)
        tpu.yield
      }) : () -> ()
    } else {
    }
    %barrier3A = arith.constant 0 : index
    tpu.barrier barrier_id(%barrier3A)
    %dma_start3A = arith.constant 0 : i32
    %dma_start3A_30 = arith.constant 0 : i32
    %dma_start3A_31 = arith.constant 0 : i32
    %dma_start3A_32 = tpu.memref_slice %arg4[%add3A, %dma_start3A, %dma_start3A_30, %dma_start3A_31] : memref<32x125x2x80xi32, #tpu.memory_space<hbm>> -> memref<1x1x2x80xi32, #tpu.memory_space<hbm>>
    %dma_start3A_33 = tpu.memref_squeeze %dma_start3A_32 : memref<1x1x2x80xi32, #tpu.memory_space<hbm>> -> memref<2x80xi32, #tpu.memory_space<hbm>>
    %dma_start3A_34 = arith.constant 0 : i32
    %dma_start3A_35 = arith.constant 0 : i32
    %dma_start3A_36 = tpu.memref_slice %arg4[%add3A, %dma_start3A, %dma_start3A_34, %dma_start3A_35] : memref<32x125x2x80xi32, #tpu.memory_space<hbm>> -> memref<1x1x2x80xi32, #tpu.memory_space<hbm>>
    %dma_start3A_37 = tpu.memref_squeeze %dma_start3A_36 : memref<1x1x2x80xi32, #tpu.memory_space<hbm>> -> memref<2x80xi32, #tpu.memory_space<hbm>>
    tpu.enqueue_dma source(%dma_start3A_37 : memref<2x80xi32, #tpu.memory_space<hbm>>) target(%arg7 : memref<2x80xi32, #tpu.memory_space<vmem>>) target_semaphore(%arg15 : memref<!tpu.dma_semaphore, #tpu.memory_space<semaphore_mem>>)
    %dma_start3A_38 = arith.constant 1 : i32
    %dma_start3A_39 = arith.constant 0 : i32
    %dma_start3A_40 = arith.constant 0 : i32
    %dma_start3A_41 = tpu.memref_slice %arg4[%add3A, %dma_start3A_38, %dma_start3A_39, %dma_start3A_40] : memref<32x125x2x80xi32, #tpu.memory_space<hbm>> -> memref<1x1x2x80xi32, #tpu.memory_space<hbm>>
    %dma_start3A_42 = tpu.memref_squeeze %dma_start3A_41 : memref<1x1x2x80xi32, #tpu.memory_space<hbm>> -> memref<2x80xi32, #tpu.memory_space<hbm>>
    %dma_start3A_43 = arith.constant 0 : i32
    %dma_start3A_44 = arith.constant 0 : i32
    %dma_start3A_45 = tpu.memref_slice %arg4[%add3A, %dma_start3A_38, %dma_start3A_43, %dma_start3A_44] : memref<32x125x2x80xi32, #tpu.memory_space<hbm>> -> memref<1x1x2x80xi32, #tpu.memory_space<hbm>>
    %dma_start3A_46 = tpu.memref_squeeze %dma_start3A_45 : memref<1x1x2x80xi32, #tpu.memory_space<hbm>> -> memref<2x80xi32, #tpu.memory_space<hbm>>
    tpu.enqueue_dma source(%dma_start3A_46 : memref<2x80xi32, #tpu.memory_space<hbm>>) target(%arg8 : memref<2x80xi32, #tpu.memory_space<vmem>>) target_semaphore(%arg16 : memref<!tpu.dma_semaphore, #tpu.memory_space<semaphore_mem>>)
    %dma_wait3A = arith.constant 0 : i32
    %dma_wait3A_47 = arith.constant 0 : i32
    %dma_wait3A_48 = arith.constant 0 : i32
    %dma_wait3A_49 = tpu.memref_slice %arg4[%add3A, %dma_wait3A, %dma_wait3A_47, %dma_wait3A_48] : memref<32x125x2x80xi32, #tpu.memory_space<hbm>> -> memref<1x1x2x80xi32, #tpu.memory_space<hbm>>
    %dma_wait3A_50 = tpu.memref_squeeze %dma_wait3A_49 : memref<1x1x2x80xi32, #tpu.memory_space<hbm>> -> memref<2x80xi32, #tpu.memory_space<hbm>>
    %dma_wait3A_51 = arith.constant 0 : i32
    %dma_wait3A_52 = arith.constant 0 : i32
    %dma_wait3A_53 = tpu.memref_slice %arg4[%add3A, %dma_wait3A, %dma_wait3A_51, %dma_wait3A_52] : memref<32x125x2x80xi32, #tpu.memory_space<hbm>> -> memref<1x1x2x80xi32, #tpu.memory_space<hbm>>
    %dma_wait3A_54 = tpu.memref_squeeze %dma_wait3A_53 : memref<1x1x2x80xi32, #tpu.memory_space<hbm>> -> memref<2x80xi32, #tpu.memory_space<hbm>>
    tpu.wait_dma2 semaphore(%arg15 : memref<!tpu.dma_semaphore, #tpu.memory_space<semaphore_mem>>) src(%dma_wait3A_54 : memref<2x80xi32, #tpu.memory_space<hbm>>) dst(%arg7 : memref<2x80xi32, #tpu.memory_space<vmem>>)
    %dma_start3A_55 = arith.constant 0 : i32
    %dma_start3A_56 = arith.constant 0 : i32
    %dma_start3A_57 = tpu.memref_slice %arg7[%dma_start3A_55, %dma_start3A_56] : memref<2x80xi32, #tpu.memory_space<vmem>> -> memref<1x80xi32, #tpu.memory_space<vmem>>
    %dma_start3A_58 = tpu.memref_squeeze %dma_start3A_57 : memref<1x80xi32, #tpu.memory_space<vmem>> -> memref<80xi32, #tpu.memory_space<vmem>>
    %dma_start3A_59 = arith.constant 0 : i32
    %dma_start3A_60 = arith.constant 0 : i32
    %dma_start3A_61 = tpu.memref_slice %arg2[%dma_start3A_59, %dma_start3A_60] : memref<10000x128xf32, #tpu.memory_space<hbm>> -> memref<10000x128xf32, #tpu.memory_space<hbm>>
    tpu.enqueue_indirect_dma source(%dma_start3A_61 : memref<10000x128xf32, #tpu.memory_space<hbm>>) target(%arg11 : memref<80x128xf32, #tpu.memory_space<vmem>>) offsets(%dma_start3A_58 : memref<80xi32, #tpu.memory_space<vmem>>) semaphore(%arg19 : memref<!tpu.dma_semaphore, #tpu.memory_space<semaphore_mem>>)
    %scan3A = arith.constant 0 : i32
    %scan3A_62 = arith.constant 0 : i32
    %scan3A_63 = arith.constant 31 : i32
    %scan3A_64 = arith.addi %scan3A_62, %scan3A_63 : i32
    %scan3A_65 = arith.constant 1 : i32
    scf.for %scan3A_106 = %scan3A_62 to %scan3A_64 step %scan3A_65  : i32 {
      %mul3A_107 = arith.constant 4 : i32
      %mul3A_108 = arith.muli %mul3A_107, %scan3A_106 : i32
      %add3A_109 = arith.constant 0 : i32
      %add3A_110 = arith.addi %mul3A_108, %add3A_109 : i32
      %add3A_111 = arith.constant 1 : i32
      %add3A_112 = arith.addi %add3A_110, %add3A_111 : i32
      %dma_wait3A_113 = arith.constant 0 : i32
      %dma_wait3A_114 = arith.constant 0 : i32
      %dma_wait3A_115 = tpu.memref_slice %arg4[%add3A, %add3A_112, %dma_wait3A_113, %dma_wait3A_114] : memref<32x125x2x80xi32, #tpu.memory_space<hbm>> -> memref<1x1x2x80xi32, #tpu.memory_space<hbm>>
      %dma_wait3A_116 = tpu.memref_squeeze %dma_wait3A_115 : memref<1x1x2x80xi32, #tpu.memory_space<hbm>> -> memref<2x80xi32, #tpu.memory_space<hbm>>
      %dma_wait3A_117 = arith.constant 0 : i32
      %dma_wait3A_118 = arith.constant 0 : i32
      %dma_wait3A_119 = tpu.memref_slice %arg4[%add3A, %add3A_112, %dma_wait3A_117, %dma_wait3A_118] : memref<32x125x2x80xi32, #tpu.memory_space<hbm>> -> memref<1x1x2x80xi32, #tpu.memory_space<hbm>>
      %dma_wait3A_120 = tpu.memref_squeeze %dma_wait3A_119 : memref<1x1x2x80xi32, #tpu.memory_space<hbm>> -> memref<2x80xi32, #tpu.memory_space<hbm>>
      tpu.wait_dma2 semaphore(%arg16 : memref<!tpu.dma_semaphore, #tpu.memory_space<semaphore_mem>>) src(%dma_wait3A_120 : memref<2x80xi32, #tpu.memory_space<hbm>>) dst(%arg8 : memref<2x80xi32, #tpu.memory_space<vmem>>)
      %dma_start3A_121 = arith.constant 0 : i32
      %dma_start3A_122 = arith.constant 0 : i32
      %dma_start3A_123 = tpu.memref_slice %arg8[%dma_start3A_121, %dma_start3A_122] : memref<2x80xi32, #tpu.memory_space<vmem>> -> memref<1x80xi32, #tpu.memory_space<vmem>>
      %dma_start3A_124 = tpu.memref_squeeze %dma_start3A_123 : memref<1x80xi32, #tpu.memory_space<vmem>> -> memref<80xi32, #tpu.memory_space<vmem>>
      %dma_start3A_125 = arith.constant 0 : i32
      %dma_start3A_126 = arith.constant 0 : i32
      %dma_start3A_127 = tpu.memref_slice %arg2[%dma_start3A_125, %dma_start3A_126] : memref<10000x128xf32, #tpu.memory_space<hbm>> -> memref<10000x128xf32, #tpu.memory_space<hbm>>
      tpu.enqueue_indirect_dma source(%dma_start3A_127 : memref<10000x128xf32, #tpu.memory_space<hbm>>) target(%arg12 : memref<80x128xf32, #tpu.memory_space<vmem>>) offsets(%dma_start3A_124 : memref<80xi32, #tpu.memory_space<vmem>>) semaphore(%arg20 : memref<!tpu.dma_semaphore, #tpu.memory_space<semaphore_mem>>)
      %dma_wait3A_128 = arith.constant 0 : i32
      %dma_wait3A_129 = arith.constant 0 : i32
      %dma_wait3A_130 = tpu.memref_slice %arg7[%dma_wait3A_128, %dma_wait3A_129] : memref<2x80xi32, #tpu.memory_space<vmem>> -> memref<1x80xi32, #tpu.memory_space<vmem>>
      %dma_wait3A_131 = tpu.memref_squeeze %dma_wait3A_130 : memref<1x80xi32, #tpu.memory_space<vmem>> -> memref<80xi32, #tpu.memory_space<vmem>>
      %dma_wait3A_132 = arith.constant 0 : i32
      %dma_wait3A_133 = arith.constant 0 : i32
      %dma_wait3A_134 = tpu.memref_slice %arg2[%dma_wait3A_132, %dma_wait3A_133] : memref<10000x128xf32, #tpu.memory_space<hbm>> -> memref<10000x128xf32, #tpu.memory_space<hbm>>
      tpu.wait_indirect_dma semaphore(%arg19 : memref<!tpu.dma_semaphore, #tpu.memory_space<semaphore_mem>>) src(%dma_wait3A_134 : memref<10000x128xf32, #tpu.memory_space<hbm>>) dst(%arg11 : memref<80x128xf32, #tpu.memory_space<vmem>>)
      %ge3A = arith.constant 1 : i32
      %ge3A_135 = arith.cmpi sge, %add3A_110, %ge3A : i32
      %convert_element_type3A_136 = arith.extui %ge3A_135 : i1 to i32
      %cond3A_137 = arith.constant 0 : i32
      %cond3A_138 = arith.cmpi ne, %convert_element_type3A_136, %cond3A_137 : i32
      scf.if %cond3A_138 {
        %dma_wait3A_294 = arith.constant 1 : i32
        %dma_wait3A_295 = arith.constant 0 : i32
        %dma_wait3A_296 = tpu.memref_slice %arg10[%dma_wait3A_294, %dma_wait3A_295] : memref<2x80xi32, #tpu.memory_space<vmem>> -> memref<1x80xi32, #tpu.memory_space<vmem>>
        %dma_wait3A_297 = tpu.memref_squeeze %dma_wait3A_296 : memref<1x80xi32, #tpu.memory_space<vmem>> -> memref<80xi32, #tpu.memory_space<vmem>>
        %dma_wait3A_298 = arith.constant 0 : i32
        %dma_wait3A_299 = arith.constant 0 : i32
        %dma_wait3A_300 = tpu.memref_slice %arg6[%dma_wait3A_298, %dma_wait3A_299] : memref<10008x128xf32, #tpu.memory_space<vmem_shared>> -> memref<10008x128xf32, #tpu.memory_space<vmem_shared>>
        tpu.wait_indirect_dma semaphore(%arg26 : memref<!tpu.dma_semaphore, #tpu.memory_space<semaphore_mem>>) src(%arg14 : memref<80x128xf32, #tpu.memory_space<vmem>>) dst(%dma_wait3A_300 : memref<10008x128xf32, #tpu.memory_space<vmem_shared>>)
      } else {
      }
      %dma_start3A_139 = arith.constant 1 : i32
      %dma_start3A_140 = arith.constant 0 : i32
      %dma_start3A_141 = tpu.memref_slice %arg7[%dma_start3A_139, %dma_start3A_140] : memref<2x80xi32, #tpu.memory_space<vmem>> -> memref<1x80xi32, #tpu.memory_space<vmem>>
      %dma_start3A_142 = tpu.memref_squeeze %dma_start3A_141 : memref<1x80xi32, #tpu.memory_space<vmem>> -> memref<80xi32, #tpu.memory_space<vmem>>
      %dma_start3A_143 = arith.constant 0 : i32
      %dma_start3A_144 = arith.constant 0 : i32
      %dma_start3A_145 = tpu.memref_slice %arg6[%dma_start3A_143, %dma_start3A_144] : memref<10008x128xf32, #tpu.memory_space<vmem_shared>> -> memref<10008x128xf32, #tpu.memory_space<vmem_shared>>
      tpu.enqueue_indirect_dma source(%arg11 : memref<80x128xf32, #tpu.memory_space<vmem>>) target(%dma_start3A_145 : memref<10008x128xf32, #tpu.memory_space<vmem_shared>>) offsets(%dma_start3A_142 : memref<80xi32, #tpu.memory_space<vmem>>) semaphore(%arg23 : memref<!tpu.dma_semaphore, #tpu.memory_space<semaphore_mem>>) {add = true}
      %add3A_146 = arith.constant 2 : i32
      %add3A_147 = arith.addi %add3A_110, %add3A_146 : i32
      %lt3A_148 = arith.constant 125 : i32
      %lt3A_149 = arith.cmpi slt, %add3A_147, %lt3A_148 : i32
      %convert_element_type3A_150 = arith.extui %lt3A_149 : i1 to i32
      %cond3A_151 = arith.constant 0 : i32
      %cond3A_152 = arith.cmpi ne, %convert_element_type3A_150, %cond3A_151 : i32
      scf.if %cond3A_152 {
        %add3A_294 = arith.constant 2 : i32
        %add3A_295 = arith.addi %add3A_110, %add3A_294 : i32
        %dma_start3A_296 = arith.constant 0 : i32
        %dma_start3A_297 = arith.constant 0 : i32
        %dma_start3A_298 = tpu.memref_slice %arg4[%add3A, %add3A_295, %dma_start3A_296, %dma_start3A_297] : memref<32x125x2x80xi32, #tpu.memory_space<hbm>> -> memref<1x1x2x80xi32, #tpu.memory_space<hbm>>
        %dma_start3A_299 = tpu.memref_squeeze %dma_start3A_298 : memref<1x1x2x80xi32, #tpu.memory_space<hbm>> -> memref<2x80xi32, #tpu.memory_space<hbm>>
        %dma_start3A_300 = arith.constant 0 : i32
        %dma_start3A_301 = arith.constant 0 : i32
        %dma_start3A_302 = tpu.memref_slice %arg4[%add3A, %add3A_295, %dma_start3A_300, %dma_start3A_301] : memref<32x125x2x80xi32, #tpu.memory_space<hbm>> -> memref<1x1x2x80xi32, #tpu.memory_space<hbm>>
        %dma_start3A_303 = tpu.memref_squeeze %dma_start3A_302 : memref<1x1x2x80xi32, #tpu.memory_space<hbm>> -> memref<2x80xi32, #tpu.memory_space<hbm>>
        tpu.enqueue_dma source(%dma_start3A_303 : memref<2x80xi32, #tpu.memory_space<hbm>>) target(%arg9 : memref<2x80xi32, #tpu.memory_space<vmem>>) target_semaphore(%arg17 : memref<!tpu.dma_semaphore, #tpu.memory_space<semaphore_mem>>)
      } else {
      }
      %mul3A_153 = arith.constant 4 : i32
      %mul3A_154 = arith.muli %mul3A_153, %scan3A_106 : i32
      %add3A_155 = arith.constant 1 : i32
      %add3A_156 = arith.addi %mul3A_154, %add3A_155 : i32
      %add3A_157 = arith.constant 1 : i32
      %add3A_158 = arith.addi %add3A_156, %add3A_157 : i32
      %dma_wait3A_159 = arith.constant 0 : i32
      %dma_wait3A_160 = arith.constant 0 : i32
      %dma_wait3A_161 = tpu.memref_slice %arg4[%add3A, %add3A_158, %dma_wait3A_159, %dma_wait3A_160] : memref<32x125x2x80xi32, #tpu.memory_space<hbm>> -> memref<1x1x2x80xi32, #tpu.memory_space<hbm>>
      %dma_wait3A_162 = tpu.memref_squeeze %dma_wait3A_161 : memref<1x1x2x80xi32, #tpu.memory_space<hbm>> -> memref<2x80xi32, #tpu.memory_space<hbm>>
      %dma_wait3A_163 = arith.constant 0 : i32
      %dma_wait3A_164 = arith.constant 0 : i32
      %dma_wait3A_165 = tpu.memref_slice %arg4[%add3A, %add3A_158, %dma_wait3A_163, %dma_wait3A_164] : memref<32x125x2x80xi32, #tpu.memory_space<hbm>> -> memref<1x1x2x80xi32, #tpu.memory_space<hbm>>
      %dma_wait3A_166 = tpu.memref_squeeze %dma_wait3A_165 : memref<1x1x2x80xi32, #tpu.memory_space<hbm>> -> memref<2x80xi32, #tpu.memory_space<hbm>>
      tpu.wait_dma2 semaphore(%arg17 : memref<!tpu.dma_semaphore, #tpu.memory_space<semaphore_mem>>) src(%dma_wait3A_166 : memref<2x80xi32, #tpu.memory_space<hbm>>) dst(%arg9 : memref<2x80xi32, #tpu.memory_space<vmem>>)
      %dma_start3A_167 = arith.constant 0 : i32
      %dma_start3A_168 = arith.constant 0 : i32
      %dma_start3A_169 = tpu.memref_slice %arg9[%dma_start3A_167, %dma_start3A_168] : memref<2x80xi32, #tpu.memory_space<vmem>> -> memref<1x80xi32, #tpu.memory_space<vmem>>
      %dma_start3A_170 = tpu.memref_squeeze %dma_start3A_169 : memref<1x80xi32, #tpu.memory_space<vmem>> -> memref<80xi32, #tpu.memory_space<vmem>>
      %dma_start3A_171 = arith.constant 0 : i32
      %dma_start3A_172 = arith.constant 0 : i32
      %dma_start3A_173 = tpu.memref_slice %arg2[%dma_start3A_171, %dma_start3A_172] : memref<10000x128xf32, #tpu.memory_space<hbm>> -> memref<10000x128xf32, #tpu.memory_space<hbm>>
      tpu.enqueue_indirect_dma source(%dma_start3A_173 : memref<10000x128xf32, #tpu.memory_space<hbm>>) target(%arg13 : memref<80x128xf32, #tpu.memory_space<vmem>>) offsets(%dma_start3A_170 : memref<80xi32, #tpu.memory_space<vmem>>) semaphore(%arg21 : memref<!tpu.dma_semaphore, #tpu.memory_space<semaphore_mem>>)
      %dma_wait3A_174 = arith.constant 0 : i32
      %dma_wait3A_175 = arith.constant 0 : i32
      %dma_wait3A_176 = tpu.memref_slice %arg8[%dma_wait3A_174, %dma_wait3A_175] : memref<2x80xi32, #tpu.memory_space<vmem>> -> memref<1x80xi32, #tpu.memory_space<vmem>>
      %dma_wait3A_177 = tpu.memref_squeeze %dma_wait3A_176 : memref<1x80xi32, #tpu.memory_space<vmem>> -> memref<80xi32, #tpu.memory_space<vmem>>
      %dma_wait3A_178 = arith.constant 0 : i32
      %dma_wait3A_179 = arith.constant 0 : i32
      %dma_wait3A_180 = tpu.memref_slice %arg2[%dma_wait3A_178, %dma_wait3A_179] : memref<10000x128xf32, #tpu.memory_space<hbm>> -> memref<10000x128xf32, #tpu.memory_space<hbm>>
      tpu.wait_indirect_dma semaphore(%arg20 : memref<!tpu.dma_semaphore, #tpu.memory_space<semaphore_mem>>) src(%dma_wait3A_180 : memref<10000x128xf32, #tpu.memory_space<hbm>>) dst(%arg12 : memref<80x128xf32, #tpu.memory_space<vmem>>)
      %ge3A_181 = arith.constant 1 : i32
      %ge3A_182 = arith.cmpi sge, %add3A_156, %ge3A_181 : i32
      %convert_element_type3A_183 = arith.extui %ge3A_182 : i1 to i32
      %cond3A_184 = arith.constant 0 : i32
      %cond3A_185 = arith.cmpi ne, %convert_element_type3A_183, %cond3A_184 : i32
      scf.if %cond3A_185 {
        %dma_wait3A_294 = arith.constant 1 : i32
        %dma_wait3A_295 = arith.constant 0 : i32
        %dma_wait3A_296 = tpu.memref_slice %arg7[%dma_wait3A_294, %dma_wait3A_295] : memref<2x80xi32, #tpu.memory_space<vmem>> -> memref<1x80xi32, #tpu.memory_space<vmem>>
        %dma_wait3A_297 = tpu.memref_squeeze %dma_wait3A_296 : memref<1x80xi32, #tpu.memory_space<vmem>> -> memref<80xi32, #tpu.memory_space<vmem>>
        %dma_wait3A_298 = arith.constant 0 : i32
        %dma_wait3A_299 = arith.constant 0 : i32
        %dma_wait3A_300 = tpu.memref_slice %arg6[%dma_wait3A_298, %dma_wait3A_299] : memref<10008x128xf32, #tpu.memory_space<vmem_shared>> -> memref<10008x128xf32, #tpu.memory_space<vmem_shared>>
        tpu.wait_indirect_dma semaphore(%arg23 : memref<!tpu.dma_semaphore, #tpu.memory_space<semaphore_mem>>) src(%arg11 : memref<80x128xf32, #tpu.memory_space<vmem>>) dst(%dma_wait3A_300 : memref<10008x128xf32, #tpu.memory_space<vmem_shared>>)
      } else {
      }
      %dma_start3A_186 = arith.constant 1 : i32
      %dma_start3A_187 = arith.constant 0 : i32
      %dma_start3A_188 = tpu.memref_slice %arg8[%dma_start3A_186, %dma_start3A_187] : memref<2x80xi32, #tpu.memory_space<vmem>> -> memref<1x80xi32, #tpu.memory_space<vmem>>
      %dma_start3A_189 = tpu.memref_squeeze %dma_start3A_188 : memref<1x80xi32, #tpu.memory_space<vmem>> -> memref<80xi32, #tpu.memory_space<vmem>>
      %dma_start3A_190 = arith.constant 0 : i32
      %dma_start3A_191 = arith.constant 0 : i32
      %dma_start3A_192 = tpu.memref_slice %arg6[%dma_start3A_190, %dma_start3A_191] : memref<10008x128xf32, #tpu.memory_space<vmem_shared>> -> memref<10008x128xf32, #tpu.memory_space<vmem_shared>>
      tpu.enqueue_indirect_dma source(%arg12 : memref<80x128xf32, #tpu.memory_space<vmem>>) target(%dma_start3A_192 : memref<10008x128xf32, #tpu.memory_space<vmem_shared>>) offsets(%dma_start3A_189 : memref<80xi32, #tpu.memory_space<vmem>>) semaphore(%arg24 : memref<!tpu.dma_semaphore, #tpu.memory_space<semaphore_mem>>) {add = true}
      %add3A_193 = arith.constant 2 : i32
      %add3A_194 = arith.addi %add3A_156, %add3A_193 : i32
      %lt3A_195 = arith.constant 125 : i32
      %lt3A_196 = arith.cmpi slt, %add3A_194, %lt3A_195 : i32
      %convert_element_type3A_197 = arith.extui %lt3A_196 : i1 to i32
      %cond3A_198 = arith.constant 0 : i32
      %cond3A_199 = arith.cmpi ne, %convert_element_type3A_197, %cond3A_198 : i32
      scf.if %cond3A_199 {
        %add3A_294 = arith.constant 2 : i32
        %add3A_295 = arith.addi %add3A_156, %add3A_294 : i32
        %dma_start3A_296 = arith.constant 0 : i32
        %dma_start3A_297 = arith.constant 0 : i32
        %dma_start3A_298 = tpu.memref_slice %arg4[%add3A, %add3A_295, %dma_start3A_296, %dma_start3A_297] : memref<32x125x2x80xi32, #tpu.memory_space<hbm>> -> memref<1x1x2x80xi32, #tpu.memory_space<hbm>>
        %dma_start3A_299 = tpu.memref_squeeze %dma_start3A_298 : memref<1x1x2x80xi32, #tpu.memory_space<hbm>> -> memref<2x80xi32, #tpu.memory_space<hbm>>
        %dma_start3A_300 = arith.constant 0 : i32
        %dma_start3A_301 = arith.constant 0 : i32
        %dma_start3A_302 = tpu.memref_slice %arg4[%add3A, %add3A_295, %dma_start3A_300, %dma_start3A_301] : memref<32x125x2x80xi32, #tpu.memory_space<hbm>> -> memref<1x1x2x80xi32, #tpu.memory_space<hbm>>
        %dma_start3A_303 = tpu.memref_squeeze %dma_start3A_302 : memref<1x1x2x80xi32, #tpu.memory_space<hbm>> -> memref<2x80xi32, #tpu.memory_space<hbm>>
        tpu.enqueue_dma source(%dma_start3A_303 : memref<2x80xi32, #tpu.memory_space<hbm>>) target(%arg10 : memref<2x80xi32, #tpu.memory_space<vmem>>) target_semaphore(%arg18 : memref<!tpu.dma_semaphore, #tpu.memory_space<semaphore_mem>>)
      } else {
      }
      %mul3A_200 = arith.constant 4 : i32
      %mul3A_201 = arith.muli %mul3A_200, %scan3A_106 : i32
      %add3A_202 = arith.constant 2 : i32
      %add3A_203 = arith.addi %mul3A_201, %add3A_202 : i32
      %add3A_204 = arith.constant 1 : i32
      %add3A_205 = arith.addi %add3A_203, %add3A_204 : i32
      %dma_wait3A_206 = arith.constant 0 : i32
      %dma_wait3A_207 = arith.constant 0 : i32
      %dma_wait3A_208 = tpu.memref_slice %arg4[%add3A, %add3A_205, %dma_wait3A_206, %dma_wait3A_207] : memref<32x125x2x80xi32, #tpu.memory_space<hbm>> -> memref<1x1x2x80xi32, #tpu.memory_space<hbm>>
      %dma_wait3A_209 = tpu.memref_squeeze %dma_wait3A_208 : memref<1x1x2x80xi32, #tpu.memory_space<hbm>> -> memref<2x80xi32, #tpu.memory_space<hbm>>
      %dma_wait3A_210 = arith.constant 0 : i32
      %dma_wait3A_211 = arith.constant 0 : i32
      %dma_wait3A_212 = tpu.memref_slice %arg4[%add3A, %add3A_205, %dma_wait3A_210, %dma_wait3A_211] : memref<32x125x2x80xi32, #tpu.memory_space<hbm>> -> memref<1x1x2x80xi32, #tpu.memory_space<hbm>>
      %dma_wait3A_213 = tpu.memref_squeeze %dma_wait3A_212 : memref<1x1x2x80xi32, #tpu.memory_space<hbm>> -> memref<2x80xi32, #tpu.memory_space<hbm>>
      tpu.wait_dma2 semaphore(%arg18 : memref<!tpu.dma_semaphore, #tpu.memory_space<semaphore_mem>>) src(%dma_wait3A_213 : memref<2x80xi32, #tpu.memory_space<hbm>>) dst(%arg10 : memref<2x80xi32, #tpu.memory_space<vmem>>)
      %dma_start3A_214 = arith.constant 0 : i32
      %dma_start3A_215 = arith.constant 0 : i32
      %dma_start3A_216 = tpu.memref_slice %arg10[%dma_start3A_214, %dma_start3A_215] : memref<2x80xi32, #tpu.memory_space<vmem>> -> memref<1x80xi32, #tpu.memory_space<vmem>>
      %dma_start3A_217 = tpu.memref_squeeze %dma_start3A_216 : memref<1x80xi32, #tpu.memory_space<vmem>> -> memref<80xi32, #tpu.memory_space<vmem>>
      %dma_start3A_218 = arith.constant 0 : i32
      %dma_start3A_219 = arith.constant 0 : i32
      %dma_start3A_220 = tpu.memref_slice %arg2[%dma_start3A_218, %dma_start3A_219] : memref<10000x128xf32, #tpu.memory_space<hbm>> -> memref<10000x128xf32, #tpu.memory_space<hbm>>
      tpu.enqueue_indirect_dma source(%dma_start3A_220 : memref<10000x128xf32, #tpu.memory_space<hbm>>) target(%arg14 : memref<80x128xf32, #tpu.memory_space<vmem>>) offsets(%dma_start3A_217 : memref<80xi32, #tpu.memory_space<vmem>>) semaphore(%arg22 : memref<!tpu.dma_semaphore, #tpu.memory_space<semaphore_mem>>)
      %dma_wait3A_221 = arith.constant 0 : i32
      %dma_wait3A_222 = arith.constant 0 : i32
      %dma_wait3A_223 = tpu.memref_slice %arg9[%dma_wait3A_221, %dma_wait3A_222] : memref<2x80xi32, #tpu.memory_space<vmem>> -> memref<1x80xi32, #tpu.memory_space<vmem>>
      %dma_wait3A_224 = tpu.memref_squeeze %dma_wait3A_223 : memref<1x80xi32, #tpu.memory_space<vmem>> -> memref<80xi32, #tpu.memory_space<vmem>>
      %dma_wait3A_225 = arith.constant 0 : i32
      %dma_wait3A_226 = arith.constant 0 : i32
      %dma_wait3A_227 = tpu.memref_slice %arg2[%dma_wait3A_225, %dma_wait3A_226] : memref<10000x128xf32, #tpu.memory_space<hbm>> -> memref<10000x128xf32, #tpu.memory_space<hbm>>
      tpu.wait_indirect_dma semaphore(%arg21 : memref<!tpu.dma_semaphore, #tpu.memory_space<semaphore_mem>>) src(%dma_wait3A_227 : memref<10000x128xf32, #tpu.memory_space<hbm>>) dst(%arg13 : memref<80x128xf32, #tpu.memory_space<vmem>>)
      %ge3A_228 = arith.constant 1 : i32
      %ge3A_229 = arith.cmpi sge, %add3A_203, %ge3A_228 : i32
      %convert_element_type3A_230 = arith.extui %ge3A_229 : i1 to i32
      %cond3A_231 = arith.constant 0 : i32
      %cond3A_232 = arith.cmpi ne, %convert_element_type3A_230, %cond3A_231 : i32
      scf.if %cond3A_232 {
        %dma_wait3A_294 = arith.constant 1 : i32
        %dma_wait3A_295 = arith.constant 0 : i32
        %dma_wait3A_296 = tpu.memref_slice %arg8[%dma_wait3A_294, %dma_wait3A_295] : memref<2x80xi32, #tpu.memory_space<vmem>> -> memref<1x80xi32, #tpu.memory_space<vmem>>
        %dma_wait3A_297 = tpu.memref_squeeze %dma_wait3A_296 : memref<1x80xi32, #tpu.memory_space<vmem>> -> memref<80xi32, #tpu.memory_space<vmem>>
        %dma_wait3A_298 = arith.constant 0 : i32
        %dma_wait3A_299 = arith.constant 0 : i32
        %dma_wait3A_300 = tpu.memref_slice %arg6[%dma_wait3A_298, %dma_wait3A_299] : memref<10008x128xf32, #tpu.memory_space<vmem_shared>> -> memref<10008x128xf32, #tpu.memory_space<vmem_shared>>
        tpu.wait_indirect_dma semaphore(%arg24 : memref<!tpu.dma_semaphore, #tpu.memory_space<semaphore_mem>>) src(%arg12 : memref<80x128xf32, #tpu.memory_space<vmem>>) dst(%dma_wait3A_300 : memref<10008x128xf32, #tpu.memory_space<vmem_shared>>)
      } else {
      }
      %dma_start3A_233 = arith.constant 1 : i32
      %dma_start3A_234 = arith.constant 0 : i32
      %dma_start3A_235 = tpu.memref_slice %arg9[%dma_start3A_233, %dma_start3A_234] : memref<2x80xi32, #tpu.memory_space<vmem>> -> memref<1x80xi32, #tpu.memory_space<vmem>>
      %dma_start3A_236 = tpu.memref_squeeze %dma_start3A_235 : memref<1x80xi32, #tpu.memory_space<vmem>> -> memref<80xi32, #tpu.memory_space<vmem>>
      %dma_start3A_237 = arith.constant 0 : i32
      %dma_start3A_238 = arith.constant 0 : i32
      %dma_start3A_239 = tpu.memref_slice %arg6[%dma_start3A_237, %dma_start3A_238] : memref<10008x128xf32, #tpu.memory_space<vmem_shared>> -> memref<10008x128xf32, #tpu.memory_space<vmem_shared>>
      tpu.enqueue_indirect_dma source(%arg13 : memref<80x128xf32, #tpu.memory_space<vmem>>) target(%dma_start3A_239 : memref<10008x128xf32, #tpu.memory_space<vmem_shared>>) offsets(%dma_start3A_236 : memref<80xi32, #tpu.memory_space<vmem>>) semaphore(%arg25 : memref<!tpu.dma_semaphore, #tpu.memory_space<semaphore_mem>>) {add = true}
      %add3A_240 = arith.constant 2 : i32
      %add3A_241 = arith.addi %add3A_203, %add3A_240 : i32
      %lt3A_242 = arith.constant 125 : i32
      %lt3A_243 = arith.cmpi slt, %add3A_241, %lt3A_242 : i32
      %convert_element_type3A_244 = arith.extui %lt3A_243 : i1 to i32
      %cond3A_245 = arith.constant 0 : i32
      %cond3A_246 = arith.cmpi ne, %convert_element_type3A_244, %cond3A_245 : i32
      scf.if %cond3A_246 {
        %add3A_294 = arith.constant 2 : i32
        %add3A_295 = arith.addi %add3A_203, %add3A_294 : i32
        %dma_start3A_296 = arith.constant 0 : i32
        %dma_start3A_297 = arith.constant 0 : i32
        %dma_start3A_298 = tpu.memref_slice %arg4[%add3A, %add3A_295, %dma_start3A_296, %dma_start3A_297] : memref<32x125x2x80xi32, #tpu.memory_space<hbm>> -> memref<1x1x2x80xi32, #tpu.memory_space<hbm>>
        %dma_start3A_299 = tpu.memref_squeeze %dma_start3A_298 : memref<1x1x2x80xi32, #tpu.memory_space<hbm>> -> memref<2x80xi32, #tpu.memory_space<hbm>>
        %dma_start3A_300 = arith.constant 0 : i32
        %dma_start3A_301 = arith.constant 0 : i32
        %dma_start3A_302 = tpu.memref_slice %arg4[%add3A, %add3A_295, %dma_start3A_300, %dma_start3A_301] : memref<32x125x2x80xi32, #tpu.memory_space<hbm>> -> memref<1x1x2x80xi32, #tpu.memory_space<hbm>>
        %dma_start3A_303 = tpu.memref_squeeze %dma_start3A_302 : memref<1x1x2x80xi32, #tpu.memory_space<hbm>> -> memref<2x80xi32, #tpu.memory_space<hbm>>
        tpu.enqueue_dma source(%dma_start3A_303 : memref<2x80xi32, #tpu.memory_space<hbm>>) target(%arg7 : memref<2x80xi32, #tpu.memory_space<vmem>>) target_semaphore(%arg15 : memref<!tpu.dma_semaphore, #tpu.memory_space<semaphore_mem>>)
      } else {
      }
      %mul3A_247 = arith.constant 4 : i32
      %mul3A_248 = arith.muli %mul3A_247, %scan3A_106 : i32
      %add3A_249 = arith.constant 3 : i32
      %add3A_250 = arith.addi %mul3A_248, %add3A_249 : i32
      %add3A_251 = arith.constant 1 : i32
      %add3A_252 = arith.addi %add3A_250, %add3A_251 : i32
      %dma_wait3A_253 = arith.constant 0 : i32
      %dma_wait3A_254 = arith.constant 0 : i32
      %dma_wait3A_255 = tpu.memref_slice %arg4[%add3A, %add3A_252, %dma_wait3A_253, %dma_wait3A_254] : memref<32x125x2x80xi32, #tpu.memory_space<hbm>> -> memref<1x1x2x80xi32, #tpu.memory_space<hbm>>
      %dma_wait3A_256 = tpu.memref_squeeze %dma_wait3A_255 : memref<1x1x2x80xi32, #tpu.memory_space<hbm>> -> memref<2x80xi32, #tpu.memory_space<hbm>>
      %dma_wait3A_257 = arith.constant 0 : i32
      %dma_wait3A_258 = arith.constant 0 : i32
      %dma_wait3A_259 = tpu.memref_slice %arg4[%add3A, %add3A_252, %dma_wait3A_257, %dma_wait3A_258] : memref<32x125x2x80xi32, #tpu.memory_space<hbm>> -> memref<1x1x2x80xi32, #tpu.memory_space<hbm>>
      %dma_wait3A_260 = tpu.memref_squeeze %dma_wait3A_259 : memref<1x1x2x80xi32, #tpu.memory_space<hbm>> -> memref<2x80xi32, #tpu.memory_space<hbm>>
      tpu.wait_dma2 semaphore(%arg15 : memref<!tpu.dma_semaphore, #tpu.memory_space<semaphore_mem>>) src(%dma_wait3A_260 : memref<2x80xi32, #tpu.memory_space<hbm>>) dst(%arg7 : memref<2x80xi32, #tpu.memory_space<vmem>>)
      %dma_start3A_261 = arith.constant 0 : i32
      %dma_start3A_262 = arith.constant 0 : i32
      %dma_start3A_263 = tpu.memref_slice %arg7[%dma_start3A_261, %dma_start3A_262] : memref<2x80xi32, #tpu.memory_space<vmem>> -> memref<1x80xi32, #tpu.memory_space<vmem>>
      %dma_start3A_264 = tpu.memref_squeeze %dma_start3A_263 : memref<1x80xi32, #tpu.memory_space<vmem>> -> memref<80xi32, #tpu.memory_space<vmem>>
      %dma_start3A_265 = arith.constant 0 : i32
      %dma_start3A_266 = arith.constant 0 : i32
      %dma_start3A_267 = tpu.memref_slice %arg2[%dma_start3A_265, %dma_start3A_266] : memref<10000x128xf32, #tpu.memory_space<hbm>> -> memref<10000x128xf32, #tpu.memory_space<hbm>>
      tpu.enqueue_indirect_dma source(%dma_start3A_267 : memref<10000x128xf32, #tpu.memory_space<hbm>>) target(%arg11 : memref<80x128xf32, #tpu.memory_space<vmem>>) offsets(%dma_start3A_264 : memref<80xi32, #tpu.memory_space<vmem>>) semaphore(%arg19 : memref<!tpu.dma_semaphore, #tpu.memory_space<semaphore_mem>>)
      %dma_wait3A_268 = arith.constant 0 : i32
      %dma_wait3A_269 = arith.constant 0 : i32
      %dma_wait3A_270 = tpu.memref_slice %arg10[%dma_wait3A_268, %dma_wait3A_269] : memref<2x80xi32, #tpu.memory_space<vmem>> -> memref<1x80xi32, #tpu.memory_space<vmem>>
      %dma_wait3A_271 = tpu.memref_squeeze %dma_wait3A_270 : memref<1x80xi32, #tpu.memory_space<vmem>> -> memref<80xi32, #tpu.memory_space<vmem>>
      %dma_wait3A_272 = arith.constant 0 : i32
      %dma_wait3A_273 = arith.constant 0 : i32
      %dma_wait3A_274 = tpu.memref_slice %arg2[%dma_wait3A_272, %dma_wait3A_273] : memref<10000x128xf32, #tpu.memory_space<hbm>> -> memref<10000x128xf32, #tpu.memory_space<hbm>>
      tpu.wait_indirect_dma semaphore(%arg22 : memref<!tpu.dma_semaphore, #tpu.memory_space<semaphore_mem>>) src(%dma_wait3A_274 : memref<10000x128xf32, #tpu.memory_space<hbm>>) dst(%arg14 : memref<80x128xf32, #tpu.memory_space<vmem>>)
      %ge3A_275 = arith.constant 1 : i32
      %ge3A_276 = arith.cmpi sge, %add3A_250, %ge3A_275 : i32
      %convert_element_type3A_277 = arith.extui %ge3A_276 : i1 to i32
      %cond3A_278 = arith.constant 0 : i32
      %cond3A_279 = arith.cmpi ne, %convert_element_type3A_277, %cond3A_278 : i32
      scf.if %cond3A_279 {
        %dma_wait3A_294 = arith.constant 1 : i32
        %dma_wait3A_295 = arith.constant 0 : i32
        %dma_wait3A_296 = tpu.memref_slice %arg9[%dma_wait3A_294, %dma_wait3A_295] : memref<2x80xi32, #tpu.memory_space<vmem>> -> memref<1x80xi32, #tpu.memory_space<vmem>>
        %dma_wait3A_297 = tpu.memref_squeeze %dma_wait3A_296 : memref<1x80xi32, #tpu.memory_space<vmem>> -> memref<80xi32, #tpu.memory_space<vmem>>
        %dma_wait3A_298 = arith.constant 0 : i32
        %dma_wait3A_299 = arith.constant 0 : i32
        %dma_wait3A_300 = tpu.memref_slice %arg6[%dma_wait3A_298, %dma_wait3A_299] : memref<10008x128xf32, #tpu.memory_space<vmem_shared>> -> memref<10008x128xf32, #tpu.memory_space<vmem_shared>>
        tpu.wait_indirect_dma semaphore(%arg25 : memref<!tpu.dma_semaphore, #tpu.memory_space<semaphore_mem>>) src(%arg13 : memref<80x128xf32, #tpu.memory_space<vmem>>) dst(%dma_wait3A_300 : memref<10008x128xf32, #tpu.memory_space<vmem_shared>>)
      } else {
      }
      %dma_start3A_280 = arith.constant 1 : i32
      %dma_start3A_281 = arith.constant 0 : i32
      %dma_start3A_282 = tpu.memref_slice %arg10[%dma_start3A_280, %dma_start3A_281] : memref<2x80xi32, #tpu.memory_space<vmem>> -> memref<1x80xi32, #tpu.memory_space<vmem>>
      %dma_start3A_283 = tpu.memref_squeeze %dma_start3A_282 : memref<1x80xi32, #tpu.memory_space<vmem>> -> memref<80xi32, #tpu.memory_space<vmem>>
      %dma_start3A_284 = arith.constant 0 : i32
      %dma_start3A_285 = arith.constant 0 : i32
      %dma_start3A_286 = tpu.memref_slice %arg6[%dma_start3A_284, %dma_start3A_285] : memref<10008x128xf32, #tpu.memory_space<vmem_shared>> -> memref<10008x128xf32, #tpu.memory_space<vmem_shared>>
      tpu.enqueue_indirect_dma source(%arg14 : memref<80x128xf32, #tpu.memory_space<vmem>>) target(%dma_start3A_286 : memref<10008x128xf32, #tpu.memory_space<vmem_shared>>) offsets(%dma_start3A_283 : memref<80xi32, #tpu.memory_space<vmem>>) semaphore(%arg26 : memref<!tpu.dma_semaphore, #tpu.memory_space<semaphore_mem>>) {add = true}
      %add3A_287 = arith.constant 2 : i32
      %add3A_288 = arith.addi %add3A_250, %add3A_287 : i32
      %lt3A_289 = arith.constant 125 : i32
      %lt3A_290 = arith.cmpi slt, %add3A_288, %lt3A_289 : i32
      %convert_element_type3A_291 = arith.extui %lt3A_290 : i1 to i32
      %cond3A_292 = arith.constant 0 : i32
      %cond3A_293 = arith.cmpi ne, %convert_element_type3A_291, %cond3A_292 : i32
      scf.if %cond3A_293 {
        %add3A_294 = arith.constant 2 : i32
        %add3A_295 = arith.addi %add3A_250, %add3A_294 : i32
        %dma_start3A_296 = arith.constant 0 : i32
        %dma_start3A_297 = arith.constant 0 : i32
        %dma_start3A_298 = tpu.memref_slice %arg4[%add3A, %add3A_295, %dma_start3A_296, %dma_start3A_297] : memref<32x125x2x80xi32, #tpu.memory_space<hbm>> -> memref<1x1x2x80xi32, #tpu.memory_space<hbm>>
        %dma_start3A_299 = tpu.memref_squeeze %dma_start3A_298 : memref<1x1x2x80xi32, #tpu.memory_space<hbm>> -> memref<2x80xi32, #tpu.memory_space<hbm>>
        %dma_start3A_300 = arith.constant 0 : i32
        %dma_start3A_301 = arith.constant 0 : i32
        %dma_start3A_302 = tpu.memref_slice %arg4[%add3A, %add3A_295, %dma_start3A_300, %dma_start3A_301] : memref<32x125x2x80xi32, #tpu.memory_space<hbm>> -> memref<1x1x2x80xi32, #tpu.memory_space<hbm>>
        %dma_start3A_303 = tpu.memref_squeeze %dma_start3A_302 : memref<1x1x2x80xi32, #tpu.memory_space<hbm>> -> memref<2x80xi32, #tpu.memory_space<hbm>>
        tpu.enqueue_dma source(%dma_start3A_303 : memref<2x80xi32, #tpu.memory_space<hbm>>) target(%arg8 : memref<2x80xi32, #tpu.memory_space<vmem>>) target_semaphore(%arg16 : memref<!tpu.dma_semaphore, #tpu.memory_space<semaphore_mem>>)
      } else {
      }
    }
    %scan3A_66 = arith.constant 31 : i32
    %dma_wait3A_67 = arith.constant 0 : i32
    %dma_wait3A_68 = arith.constant 0 : i32
    %dma_wait3A_69 = tpu.memref_slice %arg7[%dma_wait3A_67, %dma_wait3A_68] : memref<2x80xi32, #tpu.memory_space<vmem>> -> memref<1x80xi32, #tpu.memory_space<vmem>>
    %dma_wait3A_70 = tpu.memref_squeeze %dma_wait3A_69 : memref<1x80xi32, #tpu.memory_space<vmem>> -> memref<80xi32, #tpu.memory_space<vmem>>
    %dma_wait3A_71 = arith.constant 0 : i32
    %dma_wait3A_72 = arith.constant 0 : i32
    %dma_wait3A_73 = tpu.memref_slice %arg2[%dma_wait3A_71, %dma_wait3A_72] : memref<10000x128xf32, #tpu.memory_space<hbm>> -> memref<10000x128xf32, #tpu.memory_space<hbm>>
    tpu.wait_indirect_dma semaphore(%arg19 : memref<!tpu.dma_semaphore, #tpu.memory_space<semaphore_mem>>) src(%dma_wait3A_73 : memref<10000x128xf32, #tpu.memory_space<hbm>>) dst(%arg11 : memref<80x128xf32, #tpu.memory_space<vmem>>)
    %dma_wait3A_74 = arith.constant 1 : i32
    %dma_wait3A_75 = arith.constant 0 : i32
    %dma_wait3A_76 = tpu.memref_slice %arg10[%dma_wait3A_74, %dma_wait3A_75] : memref<2x80xi32, #tpu.memory_space<vmem>> -> memref<1x80xi32, #tpu.memory_space<vmem>>
    %dma_wait3A_77 = tpu.memref_squeeze %dma_wait3A_76 : memref<1x80xi32, #tpu.memory_space<vmem>> -> memref<80xi32, #tpu.memory_space<vmem>>
    %dma_wait3A_78 = arith.constant 0 : i32
    %dma_wait3A_79 = arith.constant 0 : i32
    %dma_wait3A_80 = tpu.memref_slice %arg6[%dma_wait3A_78, %dma_wait3A_79] : memref<10008x128xf32, #tpu.memory_space<vmem_shared>> -> memref<10008x128xf32, #tpu.memory_space<vmem_shared>>
    tpu.wait_indirect_dma semaphore(%arg26 : memref<!tpu.dma_semaphore, #tpu.memory_space<semaphore_mem>>) src(%arg14 : memref<80x128xf32, #tpu.memory_space<vmem>>) dst(%dma_wait3A_80 : memref<10008x128xf32, #tpu.memory_space<vmem_shared>>)
    %dma_start3A_81 = arith.constant 1 : i32
    %dma_start3A_82 = arith.constant 0 : i32
    %dma_start3A_83 = tpu.memref_slice %arg7[%dma_start3A_81, %dma_start3A_82] : memref<2x80xi32, #tpu.memory_space<vmem>> -> memref<1x80xi32, #tpu.memory_space<vmem>>
    %dma_start3A_84 = tpu.memref_squeeze %dma_start3A_83 : memref<1x80xi32, #tpu.memory_space<vmem>> -> memref<80xi32, #tpu.memory_space<vmem>>
    %dma_start3A_85 = arith.constant 0 : i32
    %dma_start3A_86 = arith.constant 0 : i32
    %dma_start3A_87 = tpu.memref_slice %arg6[%dma_start3A_85, %dma_start3A_86] : memref<10008x128xf32, #tpu.memory_space<vmem_shared>> -> memref<10008x128xf32, #tpu.memory_space<vmem_shared>>
    tpu.enqueue_indirect_dma source(%arg11 : memref<80x128xf32, #tpu.memory_space<vmem>>) target(%dma_start3A_87 : memref<10008x128xf32, #tpu.memory_space<vmem_shared>>) offsets(%dma_start3A_84 : memref<80xi32, #tpu.memory_space<vmem>>) semaphore(%arg23 : memref<!tpu.dma_semaphore, #tpu.memory_space<semaphore_mem>>) {add = true}
    %dma_wait3A_88 = arith.constant 1 : i32
    %dma_wait3A_89 = arith.constant 0 : i32
    %dma_wait3A_90 = tpu.memref_slice %arg7[%dma_wait3A_88, %dma_wait3A_89] : memref<2x80xi32, #tpu.memory_space<vmem>> -> memref<1x80xi32, #tpu.memory_space<vmem>>
    %dma_wait3A_91 = tpu.memref_squeeze %dma_wait3A_90 : memref<1x80xi32, #tpu.memory_space<vmem>> -> memref<80xi32, #tpu.memory_space<vmem>>
    %dma_wait3A_92 = arith.constant 0 : i32
    %dma_wait3A_93 = arith.constant 0 : i32
    %dma_wait3A_94 = tpu.memref_slice %arg6[%dma_wait3A_92, %dma_wait3A_93] : memref<10008x128xf32, #tpu.memory_space<vmem_shared>> -> memref<10008x128xf32, #tpu.memory_space<vmem_shared>>
    tpu.wait_indirect_dma semaphore(%arg23 : memref<!tpu.dma_semaphore, #tpu.memory_space<semaphore_mem>>) src(%arg11 : memref<80x128xf32, #tpu.memory_space<vmem>>) dst(%dma_wait3A_94 : memref<10008x128xf32, #tpu.memory_space<vmem_shared>>)
    %barrier3A_95 = arith.constant 0 : index
    tpu.barrier barrier_id(%barrier3A_95)
    %lt3A_96 = arith.constant 15 : i32
    %lt3A_97 = arith.cmpi slt, %arg1, %lt3A_96 : i32
    %convert_element_type3A_98 = arith.extui %lt3A_97 : i1 to i32
    %cond3A_99 = arith.constant 0 : i32
    %cond3A_100 = arith.cmpi ne, %convert_element_type3A_98, %cond3A_99 : i32
    scf.if %cond3A_100 {
      "tpu.region"() ({
        %run_scoped3A = tpu.sem_alloc : memref<!tpu.dma_semaphore, #tpu.memory_space<semaphore_mem>>
        %dma_start3A_106 = arith.constant 0 : i32
        %dma_start3A_107 = tpu.memref_slice %arg5[%arg0, %multiple_of3A, %dma_start3A_106] : memref<2x10000x128xf32, #tpu.memory_space<hbm>> -> memref<1x624x128xf32, #tpu.memory_space<hbm>>
        %dma_start3A_108 = tpu.memref_squeeze %dma_start3A_107 : memref<1x624x128xf32, #tpu.memory_space<hbm>> -> memref<624x128xf32, #tpu.memory_space<hbm>>
        %dma_start3A_109 = arith.constant 0 : i32
        %dma_start3A_110 = tpu.memref_slice %arg6[%multiple_of3A, %dma_start3A_109] : memref<10008x128xf32, #tpu.memory_space<vmem_shared>> -> memref<624x128xf32, #tpu.memory_space<vmem_shared>>
        tpu.enqueue_dma source(%dma_start3A_110 : memref<624x128xf32, #tpu.memory_space<vmem_shared>>) target(%dma_start3A_108 : memref<624x128xf32, #tpu.memory_space<hbm>>) target_semaphore(%run_scoped3A : memref<!tpu.dma_semaphore, #tpu.memory_space<semaphore_mem>>)
        %dma_wait3A_111 = arith.constant 0 : i32
        %dma_wait3A_112 = tpu.memref_slice %arg5[%arg0, %multiple_of3A, %dma_wait3A_111] : memref<2x10000x128xf32, #tpu.memory_space<hbm>> -> memref<1x624x128xf32, #tpu.memory_space<hbm>>
        %dma_wait3A_113 = tpu.memref_squeeze %dma_wait3A_112 : memref<1x624x128xf32, #tpu.memory_space<hbm>> -> memref<624x128xf32, #tpu.memory_space<hbm>>
        %dma_wait3A_114 = arith.constant 0 : i32
        %dma_wait3A_115 = tpu.memref_slice %arg6[%multiple_of3A, %dma_wait3A_114] : memref<10008x128xf32, #tpu.memory_space<vmem_shared>> -> memref<624x128xf32, #tpu.memory_space<vmem_shared>>
        tpu.wait_dma2 semaphore(%run_scoped3A : memref<!tpu.dma_semaphore, #tpu.memory_space<semaphore_mem>>) src(%dma_wait3A_115 : memref<624x128xf32, #tpu.memory_space<vmem_shared>>) dst(%dma_wait3A_113 : memref<624x128xf32, #tpu.memory_space<hbm>>)
        tpu.yield
      }) : () -> ()
    } else {
    }
    %eq3A_101 = arith.constant 15 : i32
    %eq3A_102 = arith.cmpi eq, %arg1, %eq3A_101 : i32
    %convert_element_type3A_103 = arith.extui %eq3A_102 : i1 to i32
    %cond3A_104 = arith.constant 0 : i32
    %cond3A_105 = arith.cmpi ne, %convert_element_type3A_103, %cond3A_104 : i32
    scf.if %cond3A_105 {
      "tpu.region"() ({
        %run_scoped3A = tpu.sem_alloc : memref<!tpu.dma_semaphore, #tpu.memory_space<semaphore_mem>>
        %dma_start3A_106 = arith.constant 9360 : i32
        %dma_start3A_107 = arith.constant 0 : i32
        %dma_start3A_108 = tpu.memref_slice %arg5[%arg0, %dma_start3A_106, %dma_start3A_107] : memref<2x10000x128xf32, #tpu.memory_space<hbm>> -> memref<1x640x128xf32, #tpu.memory_space<hbm>>
        %dma_start3A_109 = tpu.memref_squeeze %dma_start3A_108 : memref<1x640x128xf32, #tpu.memory_space<hbm>> -> memref<640x128xf32, #tpu.memory_space<hbm>>
        %dma_start3A_110 = arith.constant 9360 : i32
        %dma_start3A_111 = arith.constant 0 : i32
        %dma_start3A_112 = tpu.memref_slice %arg6[%dma_start3A_110, %dma_start3A_111] : memref<10008x128xf32, #tpu.memory_space<vmem_shared>> -> memref<640x128xf32, #tpu.memory_space<vmem_shared>>
        tpu.enqueue_dma source(%dma_start3A_112 : memref<640x128xf32, #tpu.memory_space<vmem_shared>>) target(%dma_start3A_109 : memref<640x128xf32, #tpu.memory_space<hbm>>) target_semaphore(%run_scoped3A : memref<!tpu.dma_semaphore, #tpu.memory_space<semaphore_mem>>)
        %dma_wait3A_113 = arith.constant 9360 : i32
        %dma_wait3A_114 = arith.constant 0 : i32
        %dma_wait3A_115 = tpu.memref_slice %arg5[%arg0, %dma_wait3A_113, %dma_wait3A_114] : memref<2x10000x128xf32, #tpu.memory_space<hbm>> -> memref<1x640x128xf32, #tpu.memory_space<hbm>>
        %dma_wait3A_116 = tpu.memref_squeeze %dma_wait3A_115 : memref<1x640x128xf32, #tpu.memory_space<hbm>> -> memref<640x128xf32, #tpu.memory_space<hbm>>
        %dma_wait3A_117 = arith.constant 9360 : i32
        %dma_wait3A_118 = arith.constant 0 : i32
        %dma_wait3A_119 = tpu.memref_slice %arg6[%dma_wait3A_117, %dma_wait3A_118] : memref<10008x128xf32, #tpu.memory_space<vmem_shared>> -> memref<640x128xf32, #tpu.memory_space<vmem_shared>>
        tpu.wait_dma2 semaphore(%run_scoped3A : memref<!tpu.dma_semaphore, #tpu.memory_space<semaphore_mem>>) src(%dma_wait3A_119 : memref<640x128xf32, #tpu.memory_space<vmem_shared>>) dst(%dma_wait3A_116 : memref<640x128xf32, #tpu.memory_space<hbm>>)
        tpu.yield
      }) : () -> ()
    } else {
    }
    return
  }
}

module attributes {stable_mosaic.version = 14 : i64} {
  func.func @kern(%arg0: i32, %arg1: memref<2000x128xf32, #tpu.memory_space<vmem>>, %arg2: memref<128x128xf32, #tpu.memory_space<vmem>>, %arg3: memref<2000x1xf32, #tpu.memory_space<vmem>>, %arg4: memref<2000x1xf32, #tpu.memory_space<vmem>>, %arg5: memref<2000x128xf32, #tpu.memory_space<vmem>>, %arg6: memref<2000x1xf32, #tpu.memory_space<vmem>>) attributes {dimension_semantics = [#tpu.dimension_semantics<arbitrary>], iteration_bounds = array<i64: 5>, scalar_prefetch = 0 : i64, scratch_operands = 0 : i64, tpu.core_type = #tpu.core_type<tc>, window_params = [{transform_indices = @transform_0, window_bounds = array<i64: 2000, 128>}, {pipeline_mode = #tpu.pipeline_mode<synchronous>, transform_indices = @transform_1, window_bounds = array<i64: 128, 128>}, {transform_indices = @transform_2, window_bounds = array<i64: 2000, 1>}, {transform_indices = @transform_3, window_bounds = array<i64: 2000, 1>}, {transform_indices = @transform_4, window_bounds = array<i64: 2000, 128>}, {transform_indices = @transform_5, window_bounds = array<i64: 2000, 1>}]} {
    %get3A = arith.constant 0 : index
    %get3A_0 = arith.constant 0 : index
    %get3A_1 = vector.load %arg3[%get3A, %get3A_0] : memref<2000x1xf32, #tpu.memory_space<vmem>>, vector<2000x1xf32>
    %get3A_2 = arith.constant 0 : index
    %get3A_3 = arith.constant 0 : index
    %get3A_4 = vector.load %arg4[%get3A_2, %get3A_3] : memref<2000x1xf32, #tpu.memory_space<vmem>>, vector<2000x1xf32>
    %add3A = arith.addf %get3A_1, %get3A_4 : vector<2000x1xf32>
    %sub3A = arith.constant 1.000000e+00 : f32
    %sub3A_5 = vector.broadcast %sub3A : f32 to vector<2000x1xf32>
    %sub3A_6 = arith.subf %add3A, %sub3A_5 : vector<2000x1xf32>
    %rsqrt3A = math.rsqrt %sub3A_6 : vector<2000x1xf32>
    %get3A_7 = arith.constant 0 : index
    %get3A_8 = arith.constant 0 : index
    %get3A_9 = vector.load %arg1[%get3A_7, %get3A_8] : memref<2000x128xf32, #tpu.memory_space<vmem>>, vector<2000x128xf32>
    %get3A_10 = arith.constant 0 : index
    %get3A_11 = arith.constant 0 : index
    %get3A_12 = vector.load %arg2[%get3A_10, %get3A_11] : memref<128x128xf32, #tpu.memory_space<vmem>>, vector<128x128xf32>
    %dot_general3A = arith.constant dense<0.000000e+00> : vector<2000x128xf32>
    %dot_general3A_13 = tpu.matmul %get3A_9, %get3A_12, %dot_general3A {dimension_numbers = #tpu.dot_dimension_numbers<[1], [0], [0], [1], [0, 0, 1, 1], [], []>, transpose_lhs_hint = false} : vector<2000x128xf32>, vector<128x128xf32>, vector<2000x128xf32> -> vector<2000x128xf32>
    %mul3A = vector.broadcast %rsqrt3A : vector<2000x1xf32> to vector<2000x128xf32>
    %mul3A_14 = arith.mulf %dot_general3A_13, %mul3A : vector<2000x128xf32>
    %swap3A = arith.constant 0 : index
    %swap3A_15 = arith.constant 0 : index
    %swap3A_16 = vector.load %arg5[%swap3A, %swap3A_15] : memref<2000x128xf32, #tpu.memory_space<vmem>>, vector<2000x128xf32>
    tpu.vector_store %arg5[%swap3A, %swap3A_15], %mul3A_14 {strides = array<i32>} : memref<2000x128xf32, #tpu.memory_space<vmem>>, vector<2000x128xf32>,
    %swap3A_17 = arith.constant 0 : index
    %swap3A_18 = arith.constant 0 : index
    %swap3A_19 = vector.load %arg6[%swap3A_17, %swap3A_18] : memref<2000x1xf32, #tpu.memory_space<vmem>>, vector<2000x1xf32>
    tpu.vector_store %arg6[%swap3A_17, %swap3A_18], %rsqrt3A {strides = array<i32>} : memref<2000x1xf32, #tpu.memory_space<vmem>>, vector<2000x1xf32>,
    return
  }
  func.func @transform_0(%arg0: i32) -> (i32, i32) {
    %c0_i32 = arith.constant 0 : i32
    %c0_i32_0 = arith.constant 0 : i32
    return %arg0, %c0_i32 : i32, i32
  }
  func.func @transform_1(%arg0: i32) -> (i32, i32) {
    %c0_i32 = arith.constant 0 : i32
    %c0_i32_0 = arith.constant 0 : i32
    %c0_i32_1 = arith.constant 0 : i32
    return %c0_i32, %c0_i32_0 : i32, i32
  }
  func.func @transform_2(%arg0: i32) -> (i32, i32) {
    %c0_i32 = arith.constant 0 : i32
    %c0_i32_0 = arith.constant 0 : i32
    return %arg0, %c0_i32 : i32, i32
  }
  func.func @transform_3(%arg0: i32) -> (i32, i32) {
    %c0_i32 = arith.constant 0 : i32
    %c0_i32_0 = arith.constant 0 : i32
    return %arg0, %c0_i32 : i32, i32
  }
  func.func @transform_4(%arg0: i32) -> (i32, i32) {
    %c0_i32 = arith.constant 0 : i32
    %c0_i32_0 = arith.constant 0 : i32
    return %arg0, %c0_i32 : i32, i32
  }
  func.func @transform_5(%arg0: i32) -> (i32, i32) {
    %c0_i32 = arith.constant 0 : i32
    %c0_i32_0 = arith.constant 0 : i32
    return %arg0, %c0_i32 : i32, i32
  }
}

module attributes {stable_mosaic.version = 14 : i64} {
  func.func @kern(%arg0: i32, %arg1: memref<2000x128xf32, #tpu.memory_space<vmem>>, %arg2: memref<2000x128xf32, #tpu.memory_space<vmem>>, %arg3: memref<2000x1xf32, #tpu.memory_space<vmem>>, %arg4: memref<1x128xf32, #tpu.memory_space<vmem>>, %arg5: memref<128x128xf32, #tpu.memory_space<vmem>>, %arg6: memref<2000x128xf32, #tpu.memory_space<vmem>>) attributes {dimension_semantics = [#tpu.dimension_semantics<arbitrary>], iteration_bounds = array<i64: 5>, scalar_prefetch = 0 : i64, scratch_operands = 0 : i64, tpu.core_type = #tpu.core_type<tc>, window_params = [{transform_indices = @transform_0, window_bounds = array<i64: 2000, 128>}, {transform_indices = @transform_1, window_bounds = array<i64: 2000, 128>}, {transform_indices = @transform_2, window_bounds = array<i64: 2000, 1>}, {pipeline_mode = #tpu.pipeline_mode<synchronous>, transform_indices = @transform_3, window_bounds = array<i64: 1, 128>}, {pipeline_mode = #tpu.pipeline_mode<synchronous>, transform_indices = @transform_4, window_bounds = array<i64: 128, 128>}, {transform_indices = @transform_5, window_bounds = array<i64: 2000, 128>}]} {
    %get3A = arith.constant 0 : index
    %get3A_0 = arith.constant 0 : index
    %get3A_1 = vector.load %arg3[%get3A, %get3A_0] : memref<2000x1xf32, #tpu.memory_space<vmem>>, vector<2000x1xf32>
    %get3A_2 = arith.constant 0 : index
    %get3A_3 = arith.constant 0 : index
    %get3A_4 = vector.load %arg1[%get3A_2, %get3A_3] : memref<2000x128xf32, #tpu.memory_space<vmem>>, vector<2000x128xf32>
    %get3A_5 = arith.constant 0 : index
    %get3A_6 = arith.constant 0 : index
    %get3A_7 = vector.load %arg2[%get3A_5, %get3A_6] : memref<2000x128xf32, #tpu.memory_space<vmem>>, vector<2000x128xf32>
    %add3A = arith.addf %get3A_4, %get3A_7 : vector<2000x128xf32>
    %mul3A = vector.broadcast %get3A_1 : vector<2000x1xf32> to vector<2000x128xf32>
    %mul3A_8 = arith.mulf %add3A, %mul3A : vector<2000x128xf32>
    %get3A_9 = arith.constant 0 : index
    %get3A_10 = arith.constant 0 : index
    %get3A_11 = vector.load %arg4[%get3A_9, %get3A_10] : memref<1x128xf32, #tpu.memory_space<vmem>>, vector<1x128xf32>
    %add3A_12 = vector.broadcast %get3A_11 : vector<1x128xf32> to vector<2000x128xf32>
    %add3A_13 = arith.addf %mul3A_8, %add3A_12 : vector<2000x128xf32>
    %max3A = arith.constant 0.000000e+00 : f32
    %max3A_14 = vector.broadcast %max3A : f32 to vector<2000x128xf32>
    %max3A_15 = arith.maximumf %add3A_13, %max3A_14 : vector<2000x128xf32>
    %get3A_16 = arith.constant 0 : index
    %get3A_17 = arith.constant 0 : index
    %get3A_18 = vector.load %arg5[%get3A_16, %get3A_17] : memref<128x128xf32, #tpu.memory_space<vmem>>, vector<128x128xf32>
    %dot_general3A = arith.constant dense<0.000000e+00> : vector<2000x128xf32>
    %dot_general3A_19 = tpu.matmul %max3A_15, %get3A_18, %dot_general3A {dimension_numbers = #tpu.dot_dimension_numbers<[1], [0], [0], [1], [0, 0, 1, 1], [], []>, transpose_lhs_hint = false} : vector<2000x128xf32>, vector<128x128xf32>, vector<2000x128xf32> -> vector<2000x128xf32>
    %mul3A_20 = vector.broadcast %get3A_1 : vector<2000x1xf32> to vector<2000x128xf32>
    %mul3A_21 = arith.mulf %dot_general3A_19, %mul3A_20 : vector<2000x128xf32>
    %swap3A = arith.constant 0 : index
    %swap3A_22 = arith.constant 0 : index
    %swap3A_23 = vector.load %arg6[%swap3A, %swap3A_22] : memref<2000x128xf32, #tpu.memory_space<vmem>>, vector<2000x128xf32>
    tpu.vector_store %arg6[%swap3A, %swap3A_22], %mul3A_21 {strides = array<i32>} : memref<2000x128xf32, #tpu.memory_space<vmem>>, vector<2000x128xf32>,
    return
  }
  func.func @transform_0(%arg0: i32) -> (i32, i32) {
    %c0_i32 = arith.constant 0 : i32
    %c0_i32_0 = arith.constant 0 : i32
    return %arg0, %c0_i32 : i32, i32
  }
  func.func @transform_1(%arg0: i32) -> (i32, i32) {
    %c0_i32 = arith.constant 0 : i32
    %c0_i32_0 = arith.constant 0 : i32
    return %arg0, %c0_i32 : i32, i32
  }
  func.func @transform_2(%arg0: i32) -> (i32, i32) {
    %c0_i32 = arith.constant 0 : i32
    %c0_i32_0 = arith.constant 0 : i32
    return %arg0, %c0_i32 : i32, i32
  }
  func.func @transform_3(%arg0: i32) -> (i32, i32) {
    %c0_i32 = arith.constant 0 : i32
    %c0_i32_0 = arith.constant 0 : i32
    %c0_i32_1 = arith.constant 0 : i32
    return %c0_i32, %c0_i32_0 : i32, i32
  }
  func.func @transform_4(%arg0: i32) -> (i32, i32) {
    %c0_i32 = arith.constant 0 : i32
    %c0_i32_0 = arith.constant 0 : i32
    %c0_i32_1 = arith.constant 0 : i32
    return %c0_i32, %c0_i32_0 : i32, i32
  }
  func.func @transform_5(%arg0: i32) -> (i32, i32) {
    %c0_i32 = arith.constant 0 : i32
    %c0_i32_0 = arith.constant 0 : i32
    return %arg0, %c0_i32 : i32, i32
  }
}

module attributes {stable_mosaic.version = 14 : i64} {
  func.func @kern(%arg0: i32, %arg1: memref<2000x128xf32, #tpu.memory_space<vmem>>, %arg2: memref<2000x128xf32, #tpu.memory_space<vmem>>, %arg3: memref<2000x1xf32, #tpu.memory_space<vmem>>, %arg4: memref<1x128xf32, #tpu.memory_space<vmem>>, %arg5: memref<128x1xf32, #tpu.memory_space<vmem>>, %arg6: memref<1x1xf32, #tpu.memory_space<vmem>>, %arg7: memref<1x1x2000xi32, #tpu.memory_space<vmem>>, %arg8: memref<64x1xf32, #tpu.memory_space<vmem>>) attributes {dimension_semantics = [#tpu.dimension_semantics<arbitrary>], iteration_bounds = array<i64: 5>, scalar_prefetch = 0 : i64, scratch_operands = 0 : i64, tpu.core_type = #tpu.core_type<tc>, window_params = [{transform_indices = @transform_0, window_bounds = array<i64: 2000, 128>}, {transform_indices = @transform_1, window_bounds = array<i64: 2000, 128>}, {transform_indices = @transform_2, window_bounds = array<i64: 2000, 1>}, {pipeline_mode = #tpu.pipeline_mode<synchronous>, transform_indices = @transform_3, window_bounds = array<i64: 1, 128>}, {pipeline_mode = #tpu.pipeline_mode<synchronous>, transform_indices = @transform_4, window_bounds = array<i64: 128, 1>}, {pipeline_mode = #tpu.pipeline_mode<synchronous>, transform_indices = @transform_5, window_bounds = array<i64: 1, 1>}, {transform_indices = @transform_6, window_bounds = array<i64: 1, 1, 2000>}, {pipeline_mode = #tpu.pipeline_mode<synchronous>, transform_indices = @transform_7, window_bounds = array<i64: 64, 1>}]} {
    %get3A = arith.constant 0 : index
    %get3A_0 = arith.constant 0 : index
    %get3A_1 = vector.load %arg1[%get3A, %get3A_0] : memref<2000x128xf32, #tpu.memory_space<vmem>>, vector<2000x128xf32>
    %get3A_2 = arith.constant 0 : index
    %get3A_3 = arith.constant 0 : index
    %get3A_4 = vector.load %arg2[%get3A_2, %get3A_3] : memref<2000x128xf32, #tpu.memory_space<vmem>>, vector<2000x128xf32>
    %add3A = arith.addf %get3A_1, %get3A_4 : vector<2000x128xf32>
    %get3A_5 = arith.constant 0 : index
    %get3A_6 = arith.constant 0 : index
    %get3A_7 = vector.load %arg3[%get3A_5, %get3A_6] : memref<2000x1xf32, #tpu.memory_space<vmem>>, vector<2000x1xf32>
    %mul3A = vector.broadcast %get3A_7 : vector<2000x1xf32> to vector<2000x128xf32>
    %mul3A_8 = arith.mulf %add3A, %mul3A : vector<2000x128xf32>
    %get3A_9 = arith.constant 0 : index
    %get3A_10 = arith.constant 0 : index
    %get3A_11 = vector.load %arg4[%get3A_9, %get3A_10] : memref<1x128xf32, #tpu.memory_space<vmem>>, vector<1x128xf32>
    %add3A_12 = vector.broadcast %get3A_11 : vector<1x128xf32> to vector<2000x128xf32>
    %add3A_13 = arith.addf %mul3A_8, %add3A_12 : vector<2000x128xf32>
    %max3A = arith.constant 0.000000e+00 : f32
    %max3A_14 = vector.broadcast %max3A : f32 to vector<2000x128xf32>
    %max3A_15 = arith.maximumf %add3A_13, %max3A_14 : vector<2000x128xf32>
    %get3A_16 = arith.constant 0 : index
    %get3A_17 = arith.constant 0 : index
    %get3A_18 = vector.load %arg5[%get3A_16, %get3A_17] : memref<128x1xf32, #tpu.memory_space<vmem>>, vector<128x1xf32>
    %dot_general3A = arith.constant dense<0.000000e+00> : vector<2000x1xf32>
    %dot_general3A_19 = tpu.matmul %max3A_15, %get3A_18, %dot_general3A {dimension_numbers = #tpu.dot_dimension_numbers<[1], [0], [0], [1], [0, 0, 1, 1], [], []>, transpose_lhs_hint = false} : vector<2000x128xf32>, vector<128x1xf32>, vector<2000x1xf32> -> vector<2000x1xf32>
    %get3A_20 = arith.constant 0 : index
    %get3A_21 = arith.constant 0 : index
    %get3A_22 = arith.constant 0 : index
    %get3A_23 = vector.load %arg7[%get3A_20, %get3A_21, %get3A_22] : memref<1x1x2000xi32, #tpu.memory_space<vmem>>, vector<1x1x2000xi32>
    %get3A_24 = vector.shape_cast %get3A_23 : vector<1x1x2000xi32> to vector<2000xi32>
    %iota3A = tpu.iota {dimensions = array<i32: 1>} : vector<2000x64xi32>
    %broadcast_in_dim3A = vector.shape_cast %get3A_24 : vector<2000xi32> to vector<2000x1xi32>
    %eq3A = vector.broadcast %broadcast_in_dim3A : vector<2000x1xi32> to vector<2000x64xi32>
    %eq3A_25 = arith.cmpi eq, %eq3A, %iota3A : vector<2000x64xi32>
    %convert_element_type3A = arith.extui %eq3A_25 : vector<2000x64xi1> to vector<2000x64xi32>
    %convert_element_type3A_26 = arith.sitofp %convert_element_type3A : vector<2000x64xi32> to vector<2000x64xf32>
    %dot_general3A_27 = arith.constant dense<0.000000e+00> : vector<64x1xf32>
    %dot_general3A_28 = tpu.matmul %convert_element_type3A_26, %dot_general3A_19, %dot_general3A_27 {dimension_numbers = #tpu.dot_dimension_numbers<[0], [0], [1], [1], [0, 1, 1, 1], [], []>, transpose_lhs_hint = false} : vector<2000x64xf32>, vector<2000x1xf32>, vector<64x1xf32> -> vector<64x1xf32>
    %eq3A_29 = arith.constant 0 : i32
    %eq3A_30 = arith.cmpi eq, %arg0, %eq3A_29 : i32
    %convert_element_type3A_31 = arith.extui %eq3A_30 : i1 to i32
    %cond3A = arith.constant 0 : i32
    %cond3A_32 = arith.cmpi ne, %convert_element_type3A_31, %cond3A : i32
    scf.if %cond3A_32 {
      %get3A_39 = arith.constant 0 : index
      %get3A_40 = arith.constant 0 : index
      %get3A_41 = vector.load %arg6[%get3A_39, %get3A_40] : memref<1x1xf32, #tpu.memory_space<vmem>>, vector<1x1xf32>
      %broadcast_in_dim3A_42 = vector.shape_cast %get3A_41 : vector<1x1xf32> to vector<1x1xf32>
      %broadcast_in_dim3A_43 = vector.broadcast %broadcast_in_dim3A_42 : vector<1x1xf32> to vector<64x1xf32>
      %swap3A_44 = arith.constant 0 : index
      %swap3A_45 = arith.constant 0 : index
      %swap3A_46 = vector.load %arg8[%swap3A_44, %swap3A_45] : memref<64x1xf32, #tpu.memory_space<vmem>>, vector<64x1xf32>
      tpu.vector_store %arg8[%swap3A_44, %swap3A_45], %broadcast_in_dim3A_43 {strides = array<i32>} : memref<64x1xf32, #tpu.memory_space<vmem>>, vector<64x1xf32>,
    } else {
    }
    %get3A_33 = arith.constant 0 : index
    %get3A_34 = arith.constant 0 : index
    %get3A_35 = vector.load %arg8[%get3A_33, %get3A_34] : memref<64x1xf32, #tpu.memory_space<vmem>>, vector<64x1xf32>
    %add3A_36 = arith.addf %get3A_35, %dot_general3A_28 : vector<64x1xf32>
    %swap3A = arith.constant 0 : index
    %swap3A_37 = arith.constant 0 : index
    %swap3A_38 = vector.load %arg8[%swap3A, %swap3A_37] : memref<64x1xf32, #tpu.memory_space<vmem>>, vector<64x1xf32>
    tpu.vector_store %arg8[%swap3A, %swap3A_37], %add3A_36 {strides = array<i32>} : memref<64x1xf32, #tpu.memory_space<vmem>>, vector<64x1xf32>,
    return
  }
  func.func @transform_0(%arg0: i32) -> (i32, i32) {
    %c0_i32 = arith.constant 0 : i32
    %c0_i32_0 = arith.constant 0 : i32
    return %arg0, %c0_i32 : i32, i32
  }
  func.func @transform_1(%arg0: i32) -> (i32, i32) {
    %c0_i32 = arith.constant 0 : i32
    %c0_i32_0 = arith.constant 0 : i32
    return %arg0, %c0_i32 : i32, i32
  }
  func.func @transform_2(%arg0: i32) -> (i32, i32) {
    %c0_i32 = arith.constant 0 : i32
    %c0_i32_0 = arith.constant 0 : i32
    return %arg0, %c0_i32 : i32, i32
  }
  func.func @transform_3(%arg0: i32) -> (i32, i32) {
    %c0_i32 = arith.constant 0 : i32
    %c0_i32_0 = arith.constant 0 : i32
    %c0_i32_1 = arith.constant 0 : i32
    return %c0_i32, %c0_i32_0 : i32, i32
  }
  func.func @transform_4(%arg0: i32) -> (i32, i32) {
    %c0_i32 = arith.constant 0 : i32
    %c0_i32_0 = arith.constant 0 : i32
    %c0_i32_1 = arith.constant 0 : i32
    return %c0_i32, %c0_i32_0 : i32, i32
  }
  func.func @transform_5(%arg0: i32) -> (i32, i32) {
    %c0_i32 = arith.constant 0 : i32
    %c0_i32_0 = arith.constant 0 : i32
    %c0_i32_1 = arith.constant 0 : i32
    return %c0_i32, %c0_i32_0 : i32, i32
  }
  func.func @transform_6(%arg0: i32) -> (i32, i32, i32) {
    %c0_i32 = arith.constant 0 : i32
    %c0_i32_0 = arith.constant 0 : i32
    %c0_i32_1 = arith.constant 0 : i32
    return %arg0, %c0_i32, %c0_i32_0 : i32, i32, i32
  }
  func.func @transform_7(%arg0: i32) -> (i32, i32) {
    %c0_i32 = arith.constant 0 : i32
    %c0_i32_0 = arith.constant 0 : i32
    %c0_i32_1 = arith.constant 0 : i32
    return %c0_i32, %c0_i32_0 : i32, i32
  }
}

</mosaic_0001>

<sc_bundles>
// kernel: kernel.10.cloned.1.call-start
scs
__scs_entry_jumppad:
0x0: {  	(pc) =	sbr.rel $0x88, $3  }
0x1: {  	(tag) =	ssettag $0x0;
	lr =	simm.s32 $0x1  }
0x2: {  	[smem:$0x3F96] =	sst lr;
	_ =	strace $0xD0000000  }
0x3: {  	_ = 	snop  }
0x4: {  	_ = 	snop  }
0x5: {  	_ = 	snop  }
0x6: {  	_ = 	snop  }
0x7: {  	_ = 	snop  }
__scs_overlays_trampoline_lowered:
0x8: {  	[smem:$0x3FA5] =	sst s0  }
0x9: {  	[smem:$0x3FA6] =	sst s1  }
0xa: {  	[smem:$0x3FA7] =	sst s2  }
0xb: {  	[smem:$0x3FA8] =	sst s3  }
0xc: {  	[smem:$0x3FA9] =	sst s4  }
0xd: {  	[smem:$0x3FAA] =	sst s5  }
0xe: {  	[smem:$0x3FAB] =	sst s6  }
0xf: {  	[smem:$0x3FAC] =	sst s7  }
0x10: {  	[smem:$0x3FAD] =	sst s8  }
0x11: {  	[smem:$0x3FAE] =	sst s9;
	s0 =	simm.s32 @!p0 $0x0  }
0x12: {  	s1 =	sld [smem:$0x3F94];
	s0 =	simm.s32 @p0 $0x1  }
0x13: {  	[smem:$0x3FAF] =	sst s0;
	s0 =	simm.s32 @!p1 $0x0  }
0x14: {  	s2 =	sld [smem:$0x3F93];
	s0 =	simm.s32 @p1 $0x1  }
0x15: {  	[smem:$0x3FB0] =	sst s0;
	s0 =	simm.s32 @!p2 $0x0  }
0x16: {  	s3 =	sld [smem:$0x3FDB];
	s0 =	simm.s32 @p2 $0x1  }
0x17: {  	s4 =	simm.s32 $0x1BF5;
	[smem:$0x3FB2] =	sst s0  }
0x18: {  	s0 =	sld [smem:$0x3F95];
	_ =	swait.ge [sflag:s4], $0x0  }
0x19: {  	s7 =	sld [smem:$0x3F96]  }
0x1a: {  	s8 =	sadd.s32 $0xFFFFE003, lr  }
0x1b: {  	s9 =	sadd.s32 $0xFFFFFEF7, lr;
	s5 =	simm.s32 $0xFFFFFFFF;
	p2 =	slt.u32 s8, $0xFFFFF086  }
0x1c: {  	p1 =	slt.u32 s9, $0xF7A;
	s5 =	simm.s32 @!p2 $0x0  }
0x1d: {  	s5 =	simm.s32 @p1 $0x1;
	p0 =	seq.s32 s7, s2  }
0x1e: {  	s7 =	smul.u32 @!p0 $0xF7A, s2;
	p2 =	seq.s32 @!p0 s5, $0x0  }
0x1f: {  	s9 =	smul.u32 $0xF7A, s1;
	s8 =	simm.s32 @!p0 $0x1BF5;
	p2 =	por !p2, p0  }
0x20: {  	[sflag:s8] =	ssyncset.s32 @!p0 $0xFFFFF086;
	s6 =	sadd.s32 @!p0 s3, s7;
	s7 =	simm.s32 @!p0 $0x108  }
0x21: {  	s3 =	sadd.s32 s3, s9;
	s6 =	sadd.s32 @!p0 $0x88, s6;
	s7 =	simm.s32 @p2 $0x1082  }
0x22: {  	[simem:s7], [sflag:s8] =	dma.local @!p0 [hbm:s6], $0xF7A  }
0x23: {  	s9 =	sor.u32 $0xD0000000, s2;
	s6 =	simm.s32 $0x108;
	_ =	swait.ge @!p0 [sflag:s8], $0x0  }
0x24: {  	s3 =	sadd.s32 $0x88, s3;
	s6 =	simm.s32 @!p1 $0x1082;
	[sflag:s4] =	ssyncset.s32 $0xFFFFF086  }
0x25: {  	[simem:s6], [sflag:s4] =	dma.local [hbm:s3], $0xF7A  }
0x26: {  	[smem:$0x3F96] =	sst s1;
	(tag) =	ssettag s2;
	_ =	strace s9  }
0x27: {  	s1 =	sld [smem:$0x3FA6]  }
0x28: {  	s2 =	sld [smem:$0x3FA7]  }
0x29: {  	s4 =	sld [smem:$0x3FA9]  }
0x2a: {  	p0 =	seq.s32 s5, $0x0;
	s5 =	sld [smem:$0x3FAA]  }
0x2b: {  	s6 =	sld [smem:$0x3FAB]  }
0x2c: {  	s7 =	sld [smem:$0x3FAC]  }
0x2d: {  	s3 =	simm.s32 $0x108;
	s8 =	sld [smem:$0x3FAD]  }
0x2e: {  	s3 =	simm.s32 @!p0 $0x1082;
	s9 =	sld [smem:$0x3FAE]  }
0x2f: {  	lr =	sadd.s32 s0, s3;
	s0 =	sld [smem:$0x3FA5]  }
0x30: {  	s3 =	sld [smem:$0x3FA8]  }
0x31: {  	[smem:$0x3FB1] =	sst s10  }
0x32: {  	s10 =	sld [smem:$0x3FAF];
	_ =	sdelay $0x3  }
0x33: {  	p0 =	seq.s32 s10, $0x1;
	s10 =	sld [smem:$0x3FB1];
	_ =	sdelay $0x3  }
0x34: {  	[smem:$0x3FB1] =	sst s10  }
0x35: {  	s10 =	sld [smem:$0x3FB0];
	_ =	sdelay $0x3  }
0x36: {  	p1 =	seq.s32 s10, $0x1;
	s10 =	sld [smem:$0x3FB1];
	_ =	sdelay $0x3  }
0x37: {  	[smem:$0x3FB1] =	sst s10  }
0x38: {  	s10 =	sld [smem:$0x3FB2]  }
0x39: {  	_ = 	snop;
	(pc) =	sbr.ind lr, $3  }
0x3a: {  	_ = 	snop  }
0x3b: {  	_ = 	snop  }
0x3c: {  	p2 =	seq.s32 s10, $0x1;
	s10 =	sld [smem:$0x3FB1]  }
0x3d: {  	_ =	shalt  }
0x3e: {  	_ =	shalt  }
0x3f: {  	_ =	shalt  }
0x40: {  	_ =	shalt  }
0x41: {  	_ =	shalt  }
0x42: {  	_ =	shalt  }
0x43: {  	_ =	shalt  }
0x44: {  	_ =	shalt  }
0x45: {  	_ =	shalt  }
0x46: {  	_ =	shalt  }
0x47: {  	_ =	shalt  }
0x48: {  	_ =	shalt  }
0x49: {  	_ =	shalt  }
0x4a: {  	_ =	shalt  }
0x4b: {  	_ =	shalt  }
0x4c: {  	_ =	shalt  }
0x4d: {  	_ =	shalt  }
0x4e: {  	_ =	shalt  }
0x4f: {  	_ =	shalt  }
0x50: {  	_ =	shalt  }
0x51: {  	_ =	shalt  }
0x52: {  	_ =	shalt  }
0x53: {  	_ =	shalt  }
0x54: {  	_ =	shalt  }
0x55: {  	_ =	shalt  }
0x56: {  	_ =	shalt  }
0x57: {  	_ =	shalt  }
0x58: {  	_ =	shalt  }
0x59: {  	_ =	shalt  }
0x5a: {  	_ =	shalt  }
0x5b: {  	_ =	shalt  }
0x5c: {  	_ =	shalt  }
0x5d: {  	_ =	shalt  }
0x5e: {  	_ =	shalt  }
0x5f: {  	_ =	shalt  }
0x60: {  	_ =	shalt  }
0x61: {  	_ =	shalt  }
0x62: {  	_ =	shalt  }
0x63: {  	_ =	shalt  }
0x64: {  	_ =	shalt  }
0x65: {  	_ =	shalt  }
0x66: {  	_ =	shalt  }
0x67: {  	_ =	shalt  }
0x68: {  	_ =	shalt  }
0x69: {  	_ =	shalt  }
0x6a: {  	_ =	shalt  }
0x6b: {  	_ =	shalt  }
0x6c: {  	_ =	shalt  }
0x6d: {  	_ =	shalt  }
0x6e: {  	_ =	shalt  }
0x6f: {  	_ =	shalt  }
0x70: {  	_ =	shalt  }
0x71: {  	_ =	shalt  }
0x72: {  	_ =	shalt  }
0x73: {  	_ =	shalt  }
0x74: {  	_ =	shalt  }
0x75: {  	_ =	shalt  }
0x76: {  	_ =	shalt  }
0x77: {  	_ =	shalt  }
0x78: {  	_ =	shalt  }
0x79: {  	_ =	shalt  }
0x7a: {  	_ =	shalt  }
0x7b: {  	_ =	shalt  }
0x7c: {  	_ =	shalt  }
0x7d: {  	_ =	shalt  }
0x7e: {  	_ =	shalt  }
0x7f: {  	_ =	shalt  }
0x80: {  	_ =	shalt  }
0x81: {  	_ =	shalt  }
0x82: {  	_ =	shalt  }
0x83: {  	_ =	shalt  }
0x84: {  	_ =	shalt  }
0x85: {  	_ =	shalt  }
0x86: {  	_ =	shalt  }
0x87: {  	_ =	shalt  }
.Lfunc_end0:
.L_simem_size_0:
called_computation_lowered:
.L_overlay_start_0:
0x88: {  	s2 =	sld [smem:$0x3FD9]  }
0x89: {  	s3 =	sld [smem:$0x3FFE];
	_ =	sdelay $0x1  }
0x8a: {  	s1 =	srdreg.scid  }
0x8b: {  	s0 =	sand.u32 $0x1, s1  }
0x8c: {  	s16 =	sshll.u32 s0, $0xA;
	s2 =	sadd.s32 s3, s2  }
0x8d: {  	s2 =	sadd.s32 s2, s16  }
0x8e: {  	[smem:$0x3FBD] =	sst s2  }
0x8f: {  	_ = 	snop  }
0x90: {  	(tm) =	ssettm $0x1  }
0x91: {  	s17 =	sld [smem:$0x3FFB];
	_ =	sdelay $0x3  }
0x92: {  	_ =	strace s17  }
0x93: {  	s2 =	sld [smem:$0x3FFC];
	_ =	sdelay $0x3  }
0x94: {  	_ =	strace s2  }
0x95: {  	s2 =	sld [smem:$0x3FFD];
	_ =	sdelay $0x3  }
0x96: {  	_ =	strace s2  }
0x97: {  	_ =	strace $0x8FFFFFFF  }
0x98: {  	s18 =	sld [smem:$0x3FDB];
	_ =	sdelay $0x1  }
0x99: {  	s19 =	simm.s32 $_scs_section_size  }
0x9a: {  	s4 =	simm.s32 $_size__tile_overlayer_lowered;
	s5 =	simm.s32 $_tile_overlayer_lowered  }
0x9b: {  	s22 =	simm.s32 $0x1BFF;
	s21 =	sshll.u32 s5, $0x1;
	s2 =	sadd.s32 s19, s18  }
0x9c: {  	s6 =	simm.s32 $0x0;
	s20 =	sshll.u32 s4, $0x1;
	s4 =	sadd.s32 s21, s2  }
0x9d: {  	[timem:s6], [sflag:s22] =	dma.local [hbm:s4], s20  }
0x9e: {  	_ =	swait.ge [sflag:s22], s20  }
0x9f: {  	s3 =	ssub.s32 $0x0, s20;
	[sflag:s22] =	ssyncset.done $0x0  }
0xa0: {  	[sflag:s22] =	ssyncadd.s32 s3;
	_ =	sdelay $0x1  }
0xa1: {  	s23 =	simm.s32 $0x1B8B  }
0xa2: {  	_ =	swait.ge [sflag:s23], $0x1  }
0xa3: {  	[sflag:s23] =	ssyncset.done $0x0  }
0xa4: {  	s25 =	simm.s32 $0x1B8E;
	s24 =	sld [smem:$0x3FFE];
	[sflag:s23] =	ssyncadd.s32 $0xFFFFFFFF  }
0xa5: {  	s26 =	simm.s32 $execute0_lowered;
	[smem:$0x3FD2] =	sst s25  }
0xa6: {  	s4 =	sshll.u32 s26, $0x1;
	_ =	strace $0x80000046;
	[dreg:$0x1] =	wrdreg $0xFFFFFFFF  }
0xa7: {  	s28 =	simm.s32 $_size_execute0_lowered;
	s2 =	sadd.s32 s2, s4;
	[dreg:$0x0] =	wrdreg $0x0  }
0xa8: {  	s4 =	sshll.u32 s28, $0x1;
	[dreg:$0x2] =	wrdreg s2  }
0xa9: {  	[dreg:$0x3] =	wrdreg s4  }
0xaa: {  	[dreg:$0x4] =	wrdreg $0xC0  }
0xab: {  	_ =	task [dreg:s6], $0x5FFFF  }
0xac: {  	[dreg:$0x1] =	wrdreg $0xFFFFFFFF  }
0xad: {  	[dreg:$0x0] =	wrdreg $0x60  }
0xae: {  	[dreg:$0x2] =	wrdreg s24  }
0xaf: {  	[dreg:$0x3] =	wrdreg $0x0  }
0xb0: {  	[dreg:$0x4] =	wrdreg $0x9  }
0xb1: {  	_ =	task.clear_ibuf [dreg:s6], $0x5FFFF;
	_ =	strace $0x90000046  }
0xb2: {  	s29 =	simm.s32 $0x9;
	_ =	strace $0x80000048  }
0xb3: {  	_ =	swait.ge [sflag:s29], $0x1  }
0xb4: {  	[sflag:s29] =	ssyncadd.s32 $0xFFFFFFFF  }
0xb5: {  	_ =	strace $0x90000048  }
0xb6: {  	_ =	sfence  }
0xb7: {  	s30 =	sld [smem:$0x0];
	_ =	sdelay $0x2  }
0xb8: {  	s31 =	sshll.u32 s1, $0xD;
	s1 =	sshrl.u32 s1, $0x2  }
0xb9: {  	s3 =	sand.u32 $0x4000, s31;
	s1 =	sadd.s32 s1, s30  }
0xba: {  	s0 =	sor.u32 s3, s0;
	s1 =	sshll.u32 s1, $0x11  }
0xbb: {  	s0 =	sor.u32 s1, s0  }
0xbc: {  	s0 =	sadd.s32 $0x8F2B, s0  }
0xbd: {  	[sflag:s0] =	ssyncadd.remote.s32 $0x1  }
0xbe: {  	_ =	sfence.sel $0xFFFF  }
0xbf: {  	[dreg:$0x0] =	wrdreg $0xFFFFFFFF;
	(pc) =	sbr.abs _section_cstart, $3  }
0xc0: {  	[dreg:$0x1] =	wrdreg $0xFFFFFFFF  }
0xc1: {  	_ =	task.clear_ibuf [dreg:s6], $0x2FFFF;
	_ =	strace $0x9FFFFFFF  }
0xc2: {  	(tm) =	ssettm $0x7FFFFFFF  }
0xc3: {  	_ =	shalt  }
tec
execute0_lowered:
.L_overlay_start_1:
0x0: {  	(tag) =	ssettag $0x1  }
0x1: {  	s5 =	rddreg [dreg:$0x0]  }
0x2: {  	s2 =	rddreg [dreg:$0x1]  }
0x3: {  	s0 =	rddreg [dreg:$0x2]  }
0x4: {  	s1 =	stileid.u32;
	s4 =	srdreg.scid  }
0x5: {  	s3 =	simm.s32 $0x0;
	s12 =	simm.s32 $0x280;
	s13 =	simm.s32 $0x4280  }
0x6: {  	s14 =	simm.s32 $0x50;
	s15 =	simm.s32 $0x1;
	s16 =	simm.s32 $0x2  }
0x7: {  	s17 =	simm.s32 $0x0;
	s6 =	sand.u32 $0x1, s4;
	s7 =	smul.u32 $0x280, s1  }
0x8: {  	[smem:$0x7FF] =	sst s3;
	s8 =	sshll.u32 s1, $0xB;
	s31 =	sshll.u32 s1, $0x6  }
0x9: {  	s4 =	smul.u32 $0x2800, s6;
	_ =	strace $0x80000047;
	s9 =	ssub.s32 $0x2, s6  }
0xa: {  	s8 =	sadd.s32 s8, s5;
	s6 =	sshll.u32 s6, $0xF;
	s11 =	sshrl.u32 s9, $0x1  }
0xb: {  	s29 =	sadd.s32 s7, s2;
	s30 =	sshrl.u32 s7, $0x3;
	s8 =	sadd.s32 s6, s8  }
0xc: {  	s6 =	sor.u32 $0x1C03, s31;
	s4 =	sadd.s32 s7, s4;
	s9 =	ssub.s32 s9, s11  }
0xd: {  	s7 =	sadd.s32 $0x3000, s8;
	s11 =	simm.s32 $0x3;
	s10 =	sshrl.u32 s4, $0x3  }
0xe: {  	s4 =	sadd.s32 $0x13000, s5;
	s9 =	smax.u32 s9, $0x1;
	s10 =	sadd.s32 s10, s5  }
0xf: {  	s5 =	sadd.s32 s4, s30;
	s8 =	sadd.s32 $0x13600, s10;
	s10 =	sshrl.u32 s29, $0x3  }
.LBB2_1:
0x10: {  	[spmem:s10], [sflag:s6] =	dma.local [hbm:s5], $0x50  }
0x11: {  	_ =	swait.ge [sflag:s11], $0x50  }
0x12: {  	[sflag:s11] =	ssyncset.done $0x0  }
0x13: {  	[sflag:s11] =	ssyncadd.s32 $0xFFFFFFB0  }
0x14: {  	[tilespmem:s12], [sflag:$0x3] =	stream.linear.gather [hbm4b:s7+s3], $0x3E80, $0x38;
	[tilespmem:$0x4300] =	vst v63  }
0x15: {  	_ =	swait.ge [sflag:s11], $0x3E80  }
0x16: {  	[sflag:s11] =	ssyncset.done $0x0  }
0x17: {  	[sflag:s11] =	ssyncadd.s32 $0xFFFFC180  }
0x18: {  	[tilespmem:s13], [sflag:$0x3] =	stream.linear.gather [hbm4b:s4+s3], $0x50, $0x38;
	[tilespmem:$0x4300] =	vst v63  }
0x19: {  	_ =	swait.ge [sflag:s11], $0x50  }
0x1a: {  	[sflag:s11] =	ssyncset.done $0x0  }
0x1b: {  	[sflag:s11] =	ssyncadd.s32 $0xFFFFFFB0  }
0x1c: {  	[bflag:$0x0] =	sbarrier.arrive $0xFFFF  }
0x1d: {  	[spmem:s2] =	stream.indirect.scatter.add.f32 [tilespmem:s13], [sflag:$0x1], $0x1, s12, s14, $0xb8;
	[tilespmem:$0x4300] =	vst v63  }
0x1e: {  	_ =	swait.ge [sflag:s15], $0x50  }
0x1f: {  	[sflag:s15] =	ssyncset.done $0x0  }
0x20: {  	s18 =	simm.s32 $0x300;
	[sflag:s15] =	ssyncadd.s32 $0xFFFFFFB0  }
0x21: {  	[spmem:s2] =	stream.indirect.scatter.add.f32 [tilespmem:s13], [sflag:$0x2], $0x1, s18, s14, $0xb8;
	[tilespmem:$0x4300] =	vst v63  }
0x22: {  	_ =	swait.ge [sflag:s16], $0x50  }
0x23: {  	[sflag:s16] =	ssyncset.done $0x0  }
0x24: {  	s19 =	simm.s32 $0x380;
	s18 =	simm.s32 $0xFFFF0C00;
	[sflag:s16] =	ssyncadd.s32 $0xFFFFFFB0  }
.LBB2_2:
0x25: {  	[spmem:s2] =	stream.indirect.scatter.add.f32 [tilespmem:s13], [sflag:$0x1], $0x1, s19, s14, $0xb8;
	[tilespmem:$0x4300] =	vst v63  }
0x26: {  	s19 =	smov.u32 s18  }
0x27: {  	p0 =	sne.s32 s18, $0xFFFFFC00;
	s18 =	sadd.s32 $0x400, s18;
	_ =	swait.ge [sflag:s15], $0x50  }
0x28: {  	s19 =	sshra.s32 s19, $0x2;
	[sflag:s15] =	ssyncset.done $0x0  }
.Ltmp0:
0x29: {  	s20 =	sadd.s32 $0x4100, s19;
	[sflag:s15] =	ssyncadd.s32 $0xFFFFFFB0;
	(pc) =	sbr.rel @p0 .LBB2_2-.Ltmp0, $4  }
0x2a: {  	[spmem:s2] =	stream.indirect.scatter.add.f32 [tilespmem:s13], [sflag:$0x2], $0x1, s20, s14, $0xb8;
	[tilespmem:$0x4300] =	vst v63  }
0x2b: {  	_ =	swait.ge [sflag:s16], $0x50  }
0x2c: {  	[sflag:s16] =	ssyncset.done $0x0  }
0x2d: {  	s19 =	sadd.s32 $0x4180, s19;
	[sflag:s16] =	ssyncadd.s32 $0xFFFFFFB0  }
0x2e: {  	[spmem:s2] =	stream.indirect.scatter.add.f32 [tilespmem:s13], [sflag:$0x1], $0x1, s19, s14, $0xb8;
	[tilespmem:$0x4300] =	vst v63  }
0x2f: {  	_ =	swait.ge [sflag:s15], $0x50  }
0x30: {  	s17 =	sadd.s32 $0x1, s17;
	[sflag:s15] =	ssyncset.done $0x0  }
0x31: {  	p0 =	sne.s32 s17, s9;
	[sflag:s15] =	ssyncadd.s32 $0xFFFFFFB0  }
.Ltmp1:
0x32: {  	[bflag:$0x0] =	sbarrier.arrive $0xFFFF;
	(pc) =	sbr.rel @p0 .LBB2_1-.Ltmp1, $4  }
0x33: {  	[hbm:s8], [sflag:s6] =	dma.local [spmem:s10], $0x50  }
0x34: {  	_ =	swait.ge [sflag:s11], $0x50  }
0x35: {  	[sflag:s11] =	ssyncset.done $0x0  }
0x36: {  	[sflag:s11] =	ssyncadd.s32 $0xFFFFFFB0  }
0x37: {  	_ =	sfence.sel $0x180000  }
0x38: {  	[bflag:$0x0] =	sbarrier.arrive $0xFFFF  }
0x39: {  	p0 =	sne.s32 s1, $0x0;
	_ =	strace $0x90000047  }
0x3a: {  	s0 =	sadd.s32 @!p0 $0x100000, s0;
	[bflag:$0x2] =	sbarrier.arrive $0xFFFF  }
0x3b: {  	[sflag:s0] =	ssyncadd.tile.s32 @!p0 $0x1;
	_ =	shalt  }
.Lfunc_end2:
_tile_overlayer_lowered:
.L_overlay_start_2:
0x3c: {  	(tag) =	ssettag $0x2  }
0x3d: {  	s0 =	rddreg [dreg:$0x0];
	s2 =	stileid.u32  }
0x3e: {  	s1 =	rddreg [dreg:$0x1];
	p0 =	sne.s32 s2, $0x0  }
0x3f: {  	s3 =	rddreg [dreg:$0x2];
	[bflag:$0x3] =	sbarrier.arrive $0xFFFF;
	s2 =	simm.s32 @!p0 $0x1C03  }
0x40: {  	[timem:s3], [sflag:s2] =	dma.local @!p0 [hbm:s0], s1  }
0x41: {  	s0 =	simm.s32 @!p0 $0x3  }
0x42: {  	_ =	swait.ge @!p0 [sflag:s0], s1  }
0x43: {  	s1 =	ssub.s32 @!p0 $0x0, s1;
	[sflag:s0] =	ssyncset.done @!p0 $0x0  }
0x44: {  	[sflag:s0] =	ssyncadd.s32 @!p0 s1  }
0x45: {  	[bflag:$0x3] =	sbarrier.arrive $0xFFFF  }
0x46: {  	_ =	shalt  }

// kernel: kernel.13.cloned.1.call-start
scs
__scs_entry_jumppad:
0x0: {  	(pc) =	sbr.rel $0x88, $3  }
0x1: {  	(tag) =	ssettag $0x0;
	lr =	simm.s32 $0x1  }
0x2: {  	[smem:$0x3F96] =	sst lr;
	_ =	strace $0xD0000000  }
0x3: {  	_ = 	snop  }
0x4: {  	_ = 	snop  }
0x5: {  	_ = 	snop  }
0x6: {  	_ = 	snop  }
0x7: {  	_ = 	snop  }
__scs_overlays_trampoline_lowered:
0x8: {  	[smem:$0x3FA5] =	sst s0  }
0x9: {  	[smem:$0x3FA6] =	sst s1  }
0xa: {  	[smem:$0x3FA7] =	sst s2  }
0xb: {  	[smem:$0x3FA8] =	sst s3  }
0xc: {  	[smem:$0x3FA9] =	sst s4  }
0xd: {  	[smem:$0x3FAA] =	sst s5  }
0xe: {  	[smem:$0x3FAB] =	sst s6  }
0xf: {  	[smem:$0x3FAC] =	sst s7  }
0x10: {  	[smem:$0x3FAD] =	sst s8  }
0x11: {  	[smem:$0x3FAE] =	sst s9;
	s0 =	simm.s32 @!p0 $0x0  }
0x12: {  	s1 =	sld [smem:$0x3F94];
	s0 =	simm.s32 @p0 $0x1  }
0x13: {  	[smem:$0x3FAF] =	sst s0;
	s0 =	simm.s32 @!p1 $0x0  }
0x14: {  	s2 =	sld [smem:$0x3F93];
	s0 =	simm.s32 @p1 $0x1  }
0x15: {  	[smem:$0x3FB0] =	sst s0;
	s0 =	simm.s32 @!p2 $0x0  }
0x16: {  	s3 =	sld [smem:$0x3FDB];
	s0 =	simm.s32 @p2 $0x1  }
0x17: {  	s4 =	simm.s32 $0x1BF5;
	[smem:$0x3FB2] =	sst s0  }
0x18: {  	s0 =	sld [smem:$0x3F95];
	_ =	swait.ge [sflag:s4], $0x0  }
0x19: {  	s7 =	sld [smem:$0x3F96]  }
0x1a: {  	s8 =	sadd.s32 $0xFFFFE003, lr  }
0x1b: {  	s9 =	sadd.s32 $0xFFFFFEF7, lr;
	s5 =	simm.s32 $0xFFFFFFFF;
	p2 =	slt.u32 s8, $0xFFFFF086  }
0x1c: {  	p1 =	slt.u32 s9, $0xF7A;
	s5 =	simm.s32 @!p2 $0x0  }
0x1d: {  	s5 =	simm.s32 @p1 $0x1;
	p0 =	seq.s32 s7, s2  }
0x1e: {  	s7 =	smul.u32 @!p0 $0xF7A, s2;
	p2 =	seq.s32 @!p0 s5, $0x0  }
0x1f: {  	s9 =	smul.u32 $0xF7A, s1;
	s8 =	simm.s32 @!p0 $0x1BF5;
	p2 =	por !p2, p0  }
0x20: {  	[sflag:s8] =	ssyncset.s32 @!p0 $0xFFFFF086;
	s6 =	sadd.s32 @!p0 s3, s7;
	s7 =	simm.s32 @!p0 $0x108  }
0x21: {  	s3 =	sadd.s32 s3, s9;
	s6 =	sadd.s32 @!p0 $0x88, s6;
	s7 =	simm.s32 @p2 $0x1082  }
0x22: {  	[simem:s7], [sflag:s8] =	dma.local @!p0 [hbm:s6], $0xF7A  }
0x23: {  	s9 =	sor.u32 $0xD0000000, s2;
	s6 =	simm.s32 $0x108;
	_ =	swait.ge @!p0 [sflag:s8], $0x0  }
0x24: {  	s3 =	sadd.s32 $0x88, s3;
	s6 =	simm.s32 @!p1 $0x1082;
	[sflag:s4] =	ssyncset.s32 $0xFFFFF086  }
0x25: {  	[simem:s6], [sflag:s4] =	dma.local [hbm:s3], $0xF7A  }
0x26: {  	[smem:$0x3F96] =	sst s1;
	(tag) =	ssettag s2;
	_ =	strace s9  }
0x27: {  	s1 =	sld [smem:$0x3FA6]  }
0x28: {  	s2 =	sld [smem:$0x3FA7]  }
0x29: {  	s4 =	sld [smem:$0x3FA9]  }
0x2a: {  	p0 =	seq.s32 s5, $0x0;
	s5 =	sld [smem:$0x3FAA]  }
0x2b: {  	s6 =	sld [smem:$0x3FAB]  }
0x2c: {  	s7 =	sld [smem:$0x3FAC]  }
0x2d: {  	s3 =	simm.s32 $0x108;
	s8 =	sld [smem:$0x3FAD]  }
0x2e: {  	s3 =	simm.s32 @!p0 $0x1082;
	s9 =	sld [smem:$0x3FAE]  }
0x2f: {  	lr =	sadd.s32 s0, s3;
	s0 =	sld [smem:$0x3FA5]  }
0x30: {  	s3 =	sld [smem:$0x3FA8]  }
0x31: {  	[smem:$0x3FB1] =	sst s10  }
0x32: {  	s10 =	sld [smem:$0x3FAF];
	_ =	sdelay $0x3  }
0x33: {  	p0 =	seq.s32 s10, $0x1;
	s10 =	sld [smem:$0x3FB1];
	_ =	sdelay $0x3  }
0x34: {  	[smem:$0x3FB1] =	sst s10  }
0x35: {  	s10 =	sld [smem:$0x3FB0];
	_ =	sdelay $0x3  }
0x36: {  	p1 =	seq.s32 s10, $0x1;
	s10 =	sld [smem:$0x3FB1];
	_ =	sdelay $0x3  }
0x37: {  	[smem:$0x3FB1] =	sst s10  }
0x38: {  	s10 =	sld [smem:$0x3FB2]  }
0x39: {  	_ = 	snop;
	(pc) =	sbr.ind lr, $3  }
0x3a: {  	_ = 	snop  }
0x3b: {  	_ = 	snop  }
0x3c: {  	p2 =	seq.s32 s10, $0x1;
	s10 =	sld [smem:$0x3FB1]  }
0x3d: {  	_ =	shalt  }
0x3e: {  	_ =	shalt  }
0x3f: {  	_ =	shalt  }
0x40: {  	_ =	shalt  }
0x41: {  	_ =	shalt  }
0x42: {  	_ =	shalt  }
0x43: {  	_ =	shalt  }
0x44: {  	_ =	shalt  }
0x45: {  	_ =	shalt  }
0x46: {  	_ =	shalt  }
0x47: {  	_ =	shalt  }
0x48: {  	_ =	shalt  }
0x49: {  	_ =	shalt  }
0x4a: {  	_ =	shalt  }
0x4b: {  	_ =	shalt  }
0x4c: {  	_ =	shalt  }
0x4d: {  	_ =	shalt  }
0x4e: {  	_ =	shalt  }
0x4f: {  	_ =	shalt  }
0x50: {  	_ =	shalt  }
0x51: {  	_ =	shalt  }
0x52: {  	_ =	shalt  }
0x53: {  	_ =	shalt  }
0x54: {  	_ =	shalt  }
0x55: {  	_ =	shalt  }
0x56: {  	_ =	shalt  }
0x57: {  	_ =	shalt  }
0x58: {  	_ =	shalt  }
0x59: {  	_ =	shalt  }
0x5a: {  	_ =	shalt  }
0x5b: {  	_ =	shalt  }
0x5c: {  	_ =	shalt  }
0x5d: {  	_ =	shalt  }
0x5e: {  	_ =	shalt  }
0x5f: {  	_ =	shalt  }
0x60: {  	_ =	shalt  }
0x61: {  	_ =	shalt  }
0x62: {  	_ =	shalt  }
0x63: {  	_ =	shalt  }
0x64: {  	_ =	shalt  }
0x65: {  	_ =	shalt  }
0x66: {  	_ =	shalt  }
0x67: {  	_ =	shalt  }
0x68: {  	_ =	shalt  }
0x69: {  	_ =	shalt  }
0x6a: {  	_ =	shalt  }
0x6b: {  	_ =	shalt  }
0x6c: {  	_ =	shalt  }
0x6d: {  	_ =	shalt  }
0x6e: {  	_ =	shalt  }
0x6f: {  	_ =	shalt  }
0x70: {  	_ =	shalt  }
0x71: {  	_ =	shalt  }
0x72: {  	_ =	shalt  }
0x73: {  	_ =	shalt  }
0x74: {  	_ =	shalt  }
0x75: {  	_ =	shalt  }
0x76: {  	_ =	shalt  }
0x77: {  	_ =	shalt  }
0x78: {  	_ =	shalt  }
0x79: {  	_ =	shalt  }
0x7a: {  	_ =	shalt  }
0x7b: {  	_ =	shalt  }
0x7c: {  	_ =	shalt  }
0x7d: {  	_ =	shalt  }
0x7e: {  	_ =	shalt  }
0x7f: {  	_ =	shalt  }
0x80: {  	_ =	shalt  }
0x81: {  	_ =	shalt  }
0x82: {  	_ =	shalt  }
0x83: {  	_ =	shalt  }
0x84: {  	_ =	shalt  }
0x85: {  	_ =	shalt  }
0x86: {  	_ =	shalt  }
0x87: {  	_ =	shalt  }
.Lfunc_end0:
.L_simem_size_0:
called_computation.1_lowered:
.L_overlay_start_0:
0x88: {  	s2 =	sld [smem:$0x3FD9]  }
0x89: {  	s3 =	sld [smem:$0x3FFE];
	_ =	sdelay $0x1  }
0x8a: {  	s1 =	srdreg.scid  }
0x8b: {  	s0 =	sand.u32 $0x1, s1  }
0x8c: {  	s16 =	sshll.u32 s0, $0xA;
	s2 =	sadd.s32 s3, s2  }
0x8d: {  	s2 =	sadd.s32 s2, s16  }
0x8e: {  	[smem:$0x3FBD] =	sst s2  }
0x8f: {  	_ = 	snop  }
0x90: {  	(tm) =	ssettm $0x1  }
0x91: {  	s17 =	sld [smem:$0x3FFB];
	_ =	sdelay $0x3  }
0x92: {  	_ =	strace s17  }
0x93: {  	s2 =	sld [smem:$0x3FFC];
	_ =	sdelay $0x3  }
0x94: {  	_ =	strace s2  }
0x95: {  	s2 =	sld [smem:$0x3FFD];
	_ =	sdelay $0x3  }
0x96: {  	_ =	strace s2  }
0x97: {  	_ =	strace $0x8FFFFFFF  }
0x98: {  	s18 =	sld [smem:$0x3FDB];
	_ =	sdelay $0x1  }
0x99: {  	s19 =	simm.s32 $_scs_section_size  }
0x9a: {  	s4 =	simm.s32 $_size__tile_overlayer_lowered;
	s5 =	simm.s32 $_tile_overlayer_lowered  }
0x9b: {  	s22 =	simm.s32 $0x1BFF;
	s21 =	sshll.u32 s5, $0x1;
	s2 =	sadd.s32 s19, s18  }
0x9c: {  	s6 =	simm.s32 $0x0;
	s20 =	sshll.u32 s4, $0x1;
	s4 =	sadd.s32 s21, s2  }
0x9d: {  	[timem:s6], [sflag:s22] =	dma.local [hbm:s4], s20  }
0x9e: {  	_ =	swait.ge [sflag:s22], s20  }
0x9f: {  	s3 =	ssub.s32 $0x0, s20;
	[sflag:s22] =	ssyncset.done $0x0  }
0xa0: {  	[sflag:s22] =	ssyncadd.s32 s3;
	_ =	sdelay $0x1  }
0xa1: {  	s23 =	simm.s32 $0x1B8B  }
0xa2: {  	_ =	swait.ge [sflag:s23], $0x1  }
0xa3: {  	[sflag:s23] =	ssyncset.done $0x0  }
0xa4: {  	s25 =	simm.s32 $0x1B8E;
	s24 =	sld [smem:$0x3FFE];
	[sflag:s23] =	ssyncadd.s32 $0xFFFFFFFF  }
0xa5: {  	s26 =	simm.s32 $execute0_lowered;
	[smem:$0x3FD2] =	sst s25  }
0xa6: {  	s4 =	sshll.u32 s26, $0x1;
	_ =	strace $0x80000049;
	[dreg:$0x1] =	wrdreg $0xFFFFFFFF  }
0xa7: {  	s28 =	simm.s32 $_size_execute0_lowered;
	s2 =	sadd.s32 s2, s4;
	[dreg:$0x0] =	wrdreg $0x0  }
0xa8: {  	s4 =	sshll.u32 s28, $0x1;
	[dreg:$0x2] =	wrdreg s2  }
0xa9: {  	[dreg:$0x3] =	wrdreg s4  }
0xaa: {  	[dreg:$0x4] =	wrdreg $0xC0  }
0xab: {  	_ =	task [dreg:s6], $0x5FFFF  }
0xac: {  	[dreg:$0x1] =	wrdreg $0xFFFFFFFF  }
0xad: {  	[dreg:$0x0] =	wrdreg $0x60  }
0xae: {  	[dreg:$0x2] =	wrdreg s24  }
0xaf: {  	[dreg:$0x3] =	wrdreg $0x0  }
0xb0: {  	[dreg:$0x4] =	wrdreg $0x9  }
0xb1: {  	_ =	task.clear_ibuf [dreg:s6], $0x5FFFF;
	_ =	strace $0x90000049  }
0xb2: {  	s29 =	simm.s32 $0x9;
	_ =	strace $0x8000004B  }
0xb3: {  	_ =	swait.ge [sflag:s29], $0x1  }
0xb4: {  	[sflag:s29] =	ssyncadd.s32 $0xFFFFFFFF  }
0xb5: {  	_ =	strace $0x9000004B  }
0xb6: {  	_ =	sfence  }
0xb7: {  	s30 =	sld [smem:$0x0];
	_ =	sdelay $0x2  }
0xb8: {  	s31 =	sshll.u32 s1, $0xD;
	s1 =	sshrl.u32 s1, $0x2  }
0xb9: {  	s3 =	sand.u32 $0x4000, s31;
	s1 =	sadd.s32 s1, s30  }
0xba: {  	s0 =	sor.u32 s3, s0;
	s1 =	sshll.u32 s1, $0x11  }
0xbb: {  	s0 =	sor.u32 s1, s0  }
0xbc: {  	s0 =	sadd.s32 $0x8F2B, s0  }
0xbd: {  	[sflag:s0] =	ssyncadd.remote.s32 $0x1  }
0xbe: {  	_ =	sfence.sel $0xFFFF  }
0xbf: {  	[dreg:$0x0] =	wrdreg $0xFFFFFFFF;
	(pc) =	sbr.abs _section_cstart, $3  }
0xc0: {  	[dreg:$0x1] =	wrdreg $0xFFFFFFFF  }
0xc1: {  	_ =	task.clear_ibuf [dreg:s6], $0x2FFFF;
	_ =	strace $0x9FFFFFFF  }
0xc2: {  	(tm) =	ssettm $0x7FFFFFFF  }
0xc3: {  	_ =	shalt  }
tec
execute0_lowered:
.L_overlay_start_1:
0x0: {  	(tag) =	ssettag $0x1  }
0x1: {  	s0 =	rddreg [dreg:$0x0]  }
0x2: {  	s1 =	rddreg [dreg:$0x1];
	s2 =	simm.s32 $0x0  }
0x3: {  	s3 =	srdreg.scid;
	s12 =	stileid.u32;
	s29 =	simm.s32 $0x2  }
0x4: {  	s30 =	simm.s32 $0x164C0;
	s31 =	simm.s32 $0x5;
	[smem:$0x7FF] =	sst s2  }
0x5: {  	s4 =	sand.u32 $0x1, s3;
	s3 =	sadd.s32 $0x33400, s0;
	s8 =	smul.u32 $0x4E000, s12  }
0x6: {  	s11 =	sadd.s32 $0x5A600, s0;
	s6 =	sadd.s32 $0x14000, s0;
	s14 =	smul.u32 $0x2700, s12  }
0x7: {  	s0 =	sadd.s32 $0x81800, s0;
	p4 =	sne.s32 s12, $0xF;
	s17 =	smul.u32 $0x13800, s12  }
0x8: {  	p0 =	seq.s32 s12, $0xF;
	s9 =	sadd.s32 $0x124800, s1;
	s21 =	smul.u32 $0x7D00, s12  }
0x9: {  	s25 =	sshll.u32 s12, $0x6;
	_ =	strace $0x8000004A;
	s5 =	ssub.s32 $0x2, s4  }
0xa: {  	s13 =	sshll.u32 s4, $0x4;
	p2 =	seq.s32 s4, $0x0;
	[dreg:$0x4] =	wrdreg s9  }
0xb: {  	p3 =	seq.s32 s4, $0x1;
	s15 =	smul.u32 $0x138800, s4;
	[dreg:$0x3] =	wrdreg s11  }
0xc: {  	s4 =	smul.u32 $0x7D000, s4;
	s26 =	sor.u32 $0x1C0D, s25;
	s25 =	simm.s32 $0x1  }
0xd: {  	s7 =	sshrl.u32 s5, $0x1;
	p1 =	por !p2, !p4;
	p2 =	por !p2, !p0  }
0xe: {  	s10 =	sshrl.u32 s8, $0x2;
	p4 =	por !p4, !p3;
	s16 =	sadd.s32 s3, s14  }
0xf: {  	s9 =	sadd.s32 s11, s14;
	[dreg:$0xf] =	wrdreg s26;
	s26 =	simm.s32 $0x50  }
0x10: {  	s14 =	simm.s32 $0x4;
	s5 =	ssub.s32 s5, s7;
	s7 =	sor.u32 s12, s13  }
0x11: {  	p1 =	por !p1, !p1;
	p2 =	por !p2, !p2;
	[dreg:$0x6] =	wrdreg s16  }
0x12: {  	s13 =	sadd.s32 s10, s1;
	p4 =	por !p4, !p4;
	[dreg:$0x7] =	wrdreg s9  }
0x13: {  	s20 =	sadd.s32 s17, s15;
	s4 =	sadd.s32 s21, s4;
	s10 =	simm.s32 $0x3  }
0x14: {  	s21 =	simm.s32 $0x6;
	s12 =	simm.s32 $0x1B4C0;
	s16 =	simm.s32 $0xA  }
0x15: {  	s8 =	smul.u32 $0x7D00, s7;
	s9 =	sshrl.u32 s20, $0x3;
	s7 =	sshrl.u32 s15, $0x3  }
0x16: {  	s22 =	smax.u32 s5, $0x1;
	s23 =	sadd.s32 $0x500, s4;
	s17 =	sadd.s32 $0x400, s4  }
0x17: {  	s4 =	sadd.s32 $0x300, s4;
	[dreg:$0x5] =	wrdreg s13;
	s28 =	sshrl.u32 s13, $0x3  }
0x18: {  	s20 =	simm.s32 $0x18CC0;
	s5 =	simm.s32 $0x9;
	s13 =	simm.s32 $0x13BC0  }
0x19: {  	s15 =	simm.s32 $0x7;
	s9 =	sadd.s32 s0, s9;
	[dreg:$0xc] =	wrdreg s22  }
0x1a: {  	s0 =	sadd.s32 s0, s7;
	s24 =	sshrl.u32 s4, $0x3;
	[dreg:$0x10] =	wrdreg s28  }
0x1b: {  	s18 =	sshrl.u32 s8, $0x3;
	[dreg:$0xa] =	wrdreg s9;
	s0 =	sadd.s32 $0x24900, s0  }
0x1c: {  	s4 =	simm.s32 $0xB;
	s19 =	sadd.s32 s6, s18;
	[dreg:$0xb] =	wrdreg s0  }
.Ltmp0:
0x1d: {  	s0 =	sshrl.u32 s23, $0x3;
	s23 =	simm.s32 $0x138C0;
	(pc) =	sbr.rel .LBB2_1-.Ltmp0, $4  }
0x1e: {  	s18 =	simm.s32 $0x0;
	[dreg:$0x8] =	wrdreg s19;
	s11 =	sadd.s32 $0x20, s19  }
0x1f: {  	s0 =	sadd.s32 s0, s6;
	s19 =	simm.s32 $0x8;
	[dreg:$0x9] =	wrdreg s11  }
0x20: {  	[dreg:$0xd] =	wrdreg s0;
	s11 =	stileid.u32;
	s0 =	sadd.s32 s24, s6  }
0x21: {  	s24 =	simm.s32 $0x139C0;
	[dreg:$0xe] =	wrdreg s0;
	s0 =	simm.s32 $0x13AC0  }
.LBB2_10:
0x22: {  	_ =	swait.ge [sflag:s31], $0x2800  }
0x23: {  	[sflag:s31] =	ssyncset.done $0x0  }
0x24: {  	s7 =	simm.s32 $0xC;
	[sflag:s31] =	ssyncadd.s32 $0xFFFFD800  }
0x25: {  	_ =	swait.ge [sflag:s7], $0x2800  }
0x26: {  	[sflag:s7] =	ssyncset.done $0x0  }
0x27: {  	s18 =	simm.s32 $0x13CC0;
	s9 =	simm.s32 $0x13940;
	[sflag:s7] =	ssyncadd.s32 $0xFFFFD800  }
0x28: {  	[spmem:s1] =	stream.indirect.scatter.add.f32 [tilespmem:s18], [sflag:$0x9], $0x80, s9, s26, $0xb8;
	[tilespmem:$0x1DCC0] =	vst v63  }
0x29: {  	_ =	swait.ge [sflag:s5], $0x2800  }
0x2a: {  	[sflag:s5] =	ssyncset.done $0x0  }
0x2b: {  	[sflag:s5] =	ssyncadd.s32 $0xFFFFD800  }
0x2c: {  	s18 =	stileid.u32;
	[bflag:$0x0] =	sbarrier.arrive $0xFFFF  }
0x2d: {  	s7 =	sshll.u32 @!p0 s18, $0x6;
	s9 =	rddreg [dreg:$0x5]  }
0x2e: {  	s7 =	sor.u32 @!p0 $0x1C0D, s7;
	s11 =	rddreg [dreg:$0xa];
	s9 =	sshrl.u32 @!p0 s9, $0x3  }
0x2f: {  	[hbm:s11], [sflag:s7] =	dma.local @!p0 [spmem:s9], $0x2700  }
0x30: {  	s7 =	simm.s32 @!p0 $0xD  }
0x31: {  	_ =	swait.ge @!p0 [sflag:s7], $0x2700  }
0x32: {  	s9 =	sshll.u32 @p5 s18, $0x6;
	[sflag:s7] =	ssyncset.done @!p0 $0x0  }
0x33: {  	[sflag:s7] =	ssyncadd.s32 @!p0 $0xFFFFD900;
	s7 =	sor.u32 @p5 $0x1C0D, s9;
	s9 =	rddreg [dreg:$0x4]  }
0x34: {  	s18 =	rddreg [dreg:$0xb];
	s9 =	sshrl.u32 @p5 s9, $0x3  }
0x35: {  	[hbm:s18], [sflag:s7] =	dma.local @p5 [spmem:s9], $0x2800  }
0x36: {  	s7 =	simm.s32 @p5 $0xD  }
0x37: {  	_ =	swait.ge @p5 [sflag:s7], $0x2800  }
0x38: {  	s22 =	rddreg [dreg:$0x11]  }
0x39: {  	s28 =	rddreg [dreg:$0xc];
	s18 =	sadd.s32 $0x1, s22  }
0x3a: {  	p6 =	sne.s32 s18, s28  }
.Ltmp1:
0x3b: {  	_ = 	snop;
	(pc) =	sbr.rel @!p6 .LBB2_11-.Ltmp1, $3  }
0x3c: {  	_ =	sdelay $0x1  }
0x3d: {  	[sflag:s7] =	ssyncset.done @p5 $0x0  }
0x3e: {  	s11 =	stileid.u32;
	[sflag:s7] =	ssyncadd.s32 @p5 $0xFFFFD800  }
.LBB2_1:
.Ltmp2:
0x3f: {  	(pc) =	sbr.rel @!p1 .LBB2_4-.Ltmp2, $2  }
0x40: {  	_ =	sdelay $0x2  }
0x41: {  	[dreg:$0x11] =	wrdreg s18  }
0x42: {  	s7 =	rddreg [dreg:$0x6]  }
0x43: {  	s9 =	rddreg [dreg:$0xf]  }
.Ltmp3:
0x44: {  	s18 =	rddreg [dreg:$0x10];
	s28 =	simm.s32 $0xD;
	(pc) =	sbr.rel .LBB2_3-.Ltmp3, $4  }
0x45: {  	[spmem:s18], [sflag:s9] =	dma.local [hbm:s7], $0x2700  }
0x46: {  	_ =	swait.ge [sflag:s28], $0x2700  }
0x47: {  	[sflag:s28] =	ssyncset.done $0x0  }
0x48: {  	p5 =	por $0x0, $0x0;
	[sflag:s28] =	ssyncadd.s32 $0xFFFFD900  }
.LBB2_4:
.Ltmp4:
0x49: {  	(pc) =	sbr.rel @!p2 .LBB2_3-.Ltmp4, $2  }
0x4a: {  	_ =	sdelay $0x2  }
0x4b: {  	p5 =	por p0, p0  }
.Ltmp5:
0x4c: {  	(pc) =	sbr.rel .LBB2_6-.Ltmp5, $2  }
0x4d: {  	_ =	sdelay $0x2  }
0x4e: {  	p5 =	por $0x1, $0x1;
	s11 =	simm.s32 $0xF;
	s9 =	smov.u32 s3  }
.LBB2_3:
0x4f: {  	s9 =	sshll.u32 @p4 s11, $0x6  }
0x50: {  	s7 =	rddreg [dreg:$0x5];
	p6 =	por @p4 $0x1, $0x1;
	s9 =	sor.u32 @p4 $0x1C0D, s9  }
0x51: {  	s11 =	sshrl.u32 @p4 s7, $0x3;
	s7 =	rddreg [dreg:$0x7];
	p6 =	por @!p4 p3, p3  }
0x52: {  	[spmem:s11], [sflag:s9] =	dma.local @p4 [hbm:s7], $0x2700  }
0x53: {  	p6 =	por !p6, !p5  }
0x54: {  	p6 =	por !p6, !p6  }
.Ltmp6:
0x55: {  	_ = 	snop;
	(pc) =	sbr.rel @!p6 .LBB2_7-.Ltmp6, $4  }
0x56: {  	s9 =	simm.s32 @p4 $0xD  }
0x57: {  	_ =	swait.ge @p4 [sflag:s9], $0x2700  }
0x58: {  	[sflag:s9] =	ssyncset.done @p4 $0x0  }
0x59: {  	s11 =	stileid.u32;
	[sflag:s9] =	ssyncadd.s32 @p4 $0xFFFFD900;
	s9 =	rddreg [dreg:$0x3]  }
.LBB2_6:
0x5a: {  	s11 =	sshll.u32 s11, $0x6;
	s9 =	sadd.s32 $0x24900, s9;
	s7 =	rddreg [dreg:$0x4]  }
0x5b: {  	s28 =	simm.s32 $0xD;
	s11 =	sor.u32 $0x1C0D, s11;
	s22 =	sshrl.u32 s7, $0x3  }
0x5c: {  	[spmem:s22], [sflag:s11] =	dma.local [hbm:s9], $0x2800  }
0x5d: {  	_ =	swait.ge [sflag:s28], $0x2800  }
0x5e: {  	[sflag:s28] =	ssyncset.done $0x0  }
0x5f: {  	[sflag:s28] =	ssyncadd.s32 $0xFFFFD800  }
.LBB2_7:
0x60: {  	[bflag:$0x0] =	sbarrier.arrive $0xFFFF  }
0x61: {  	s9 =	simm.s32 $0x0;
	s7 =	rddreg [dreg:$0x8]  }
0x62: {  	[tilespmem:s23], [sflag:$0x1] =	stream.linear.gather [hbm4b:s7+s9], $0x100, $0x38;
	[tilespmem:$0x1DCC0] =	vst v63  }
0x63: {  	s22 =	rddreg [dreg:$0x9]  }
0x64: {  	[tilespmem:s24], [sflag:$0x2] =	stream.linear.gather [hbm4b:s22+s9], $0x100, $0x38;
	[tilespmem:$0x1DCC0] =	vst v63  }
0x65: {  	_ =	swait.ge [sflag:s25], $0x100  }
0x66: {  	[sflag:s25] =	ssyncset.done $0x0;
	s22 =	rddreg [dreg:$0xe]  }
0x67: {  	s28 =	simm.s32 $0x13CC0;
	s11 =	rddreg [dreg:$0xd];
	[sflag:s25] =	ssyncadd.s32 $0xFFFFFF00  }
0x68: {  	[tilespmem:s28], [sflag:$0x5] =	stream.indirect.gather [hbm4b:s3+s26], $0x80, s23, s26, $0xb8;
	[tilespmem:$0x1DCC0] =	vst v63  }
.LBB2_8:
0x69: {  	_ =	swait.ge [sflag:s29], $0x100  }
0x6a: {  	[sflag:s29] =	ssyncset.done $0x0  }
0x6b: {  	[sflag:s29] =	ssyncadd.s32 $0xFFFFFF00  }
0x6c: {  	[tilespmem:s30], [sflag:$0x6] =	stream.indirect.gather [hbm4b:s3+s26], $0x80, s24, s26, $0xb8;
	[tilespmem:$0x1DCC0] =	vst v63  }
0x6d: {  	_ =	swait.ge [sflag:s31], $0x2800  }
0x6e: {  	p6 =	sne.s32 s9, $0x0;
	[sflag:s31] =	ssyncset.done $0x0  }
0x6f: {  	s28 =	simm.s32 @p6 $0xC;
	[sflag:s31] =	ssyncadd.s32 $0xFFFFD800  }
0x70: {  	_ =	swait.ge @p6 [sflag:s28], $0x2800  }
0x71: {  	s18 =	simm.s32 @p6 $0x13940;
	[sflag:s28] =	ssyncset.done @p6 $0x0  }
0x72: {  	s7 =	simm.s32 @p6 $0x13CC0;
	[sflag:s28] =	ssyncadd.s32 @p6 $0xFFFFD800;
	s28 =	simm.s32 @p6 $0x50  }
0x73: {  	[spmem:s1] =	stream.indirect.scatter.add.f32 @p6 [tilespmem:s7], [sflag:$0x9], $0x80, s18, s28, $0xb8;
	[tilespmem:$0x1DCC0] =	vst v63  }
0x74: {  	s7 =	simm.s32 @!p6 $0x50;
	s18 =	simm.s32 @!p6 $0x13940;
	s28 =	simm.s32 @!p6 $0x13CC0  }
0x75: {  	[spmem:s1] =	stream.indirect.scatter.add.f32 @!p6 [tilespmem:s28], [sflag:$0x9], $0x80, s18, s7, $0xb8;
	[tilespmem:$0x1DCC0] =	vst v63  }
0x76: {  	s7 =	sadd.s32 @p6 $0x200, s9  }
0x77: {  	s7 =	simm.s32 @!p6 $0x200  }
0x78: {  	s7 =	sadd.s32 s8, s7  }
0x79: {  	s7 =	sshrl.u32 s7, $0x3  }
0x7a: {  	s7 =	sadd.s32 s6, s7  }
0x7b: {  	[tilespmem:s0], [sflag:$0x3] =	stream.linear.gather [hbm4b:s7+s2], $0x100, $0x38;
	[tilespmem:$0x1DCC0] =	vst v63  }
0x7c: {  	_ =	swait.ge [sflag:s10], $0x100  }
0x7d: {  	[sflag:s10] =	ssyncset.done $0x0  }
0x7e: {  	[sflag:s10] =	ssyncadd.s32 $0xFFFFFF00  }
0x7f: {  	[tilespmem:s20], [sflag:$0x7] =	stream.indirect.gather [hbm4b:s3+s26], $0x80, s0, s26, $0xb8;
	[tilespmem:$0x1DCC0] =	vst v63  }
0x80: {  	_ =	swait.ge [sflag:s21], $0x2800  }
0x81: {  	[sflag:s21] =	ssyncset.done $0x0  }
0x82: {  	[sflag:s21] =	ssyncadd.s32 $0xFFFFD800  }
0x83: {  	_ =	swait.ge [sflag:s5], $0x2800  }
0x84: {  	[sflag:s5] =	ssyncset.done $0x0  }
0x85: {  	s28 =	simm.s32 $0x13A40;
	[sflag:s5] =	ssyncadd.s32 $0xFFFFD800  }
0x86: {  	[spmem:s1] =	stream.indirect.scatter.add.f32 [tilespmem:s30], [sflag:$0xA], $0x80, s28, s26, $0xb8;
	[tilespmem:$0x1DCC0] =	vst v63  }
0x87: {  	_ = 	snop  }
0x88: {  	[tilespmem:s13], [sflag:$0x4] =	stream.linear.gather [hbm4b:s22+s2], $0x100, $0x38;
	[tilespmem:$0x1DCC0] =	vst v63  }
0x89: {  	_ =	swait.ge [sflag:s14], $0x100  }
0x8a: {  	[sflag:s14] =	ssyncset.done $0x0  }
0x8b: {  	[sflag:s14] =	ssyncadd.s32 $0xFFFFFF00  }
0x8c: {  	[tilespmem:s12], [sflag:$0x8] =	stream.indirect.gather [hbm4b:s3+s26], $0x80, s13, s26, $0xb8;
	[tilespmem:$0x1DCC0] =	vst v63  }
0x8d: {  	_ =	swait.ge [sflag:s15], $0x2800  }
0x8e: {  	[sflag:s15] =	ssyncset.done $0x0  }
0x8f: {  	[sflag:s15] =	ssyncadd.s32 $0xFFFFD800  }
0x90: {  	_ =	swait.ge [sflag:s16], $0x2800  }
0x91: {  	s28 =	sadd.s32 s9, s17;
	[sflag:s16] =	ssyncset.done $0x0  }
0x92: {  	s18 =	simm.s32 $0x13B40;
	s7 =	sshrl.u32 s28, $0x3;
	[sflag:s16] =	ssyncadd.s32 $0xFFFFD800  }
0x93: {  	[spmem:s1] =	stream.indirect.scatter.add.f32 [tilespmem:s20], [sflag:$0xB], $0x80, s18, s26, $0xb8;
	[tilespmem:$0x1DCC0] =	vst v63  }
0x94: {  	s7 =	sadd.s32 s6, s7  }
0x95: {  	[tilespmem:s23], [sflag:$0x1] =	stream.linear.gather [hbm4b:s7+s2], $0x100, $0x38;
	[tilespmem:$0x1DCC0] =	vst v63  }
0x96: {  	_ =	swait.ge [sflag:s25], $0x100  }
0x97: {  	[sflag:s25] =	ssyncset.done $0x0  }
0x98: {  	s18 =	simm.s32 $0x13CC0;
	[sflag:s25] =	ssyncadd.s32 $0xFFFFFF00  }
0x99: {  	[tilespmem:s18], [sflag:$0x5] =	stream.indirect.gather [hbm4b:s3+s26], $0x80, s23, s26, $0xb8;
	[tilespmem:$0x1DCC0] =	vst v63  }
0x9a: {  	_ =	swait.ge [sflag:s19], $0x2800  }
0x9b: {  	p6 =	seq.s32 s9, $0x7800;
	[sflag:s19] =	ssyncset.done $0x0  }
.Ltmp7:
0x9c: {  	[sflag:s19] =	ssyncadd.s32 $0xFFFFD800;
	(pc) =	sbr.rel @p6 .LBB2_10-.Ltmp7, $4  }
0x9d: {  	_ =	swait.ge [sflag:s4], $0x2800  }
0x9e: {  	[sflag:s4] =	ssyncset.done $0x0  }
0x9f: {  	s28 =	simm.s32 $0x13C40;
	[sflag:s4] =	ssyncadd.s32 $0xFFFFD800  }
0xa0: {  	[spmem:s1] =	stream.indirect.scatter.add.f32 [tilespmem:s12], [sflag:$0xC], $0x80, s28, s26, $0xb8;
	[tilespmem:$0x1DCC0] =	vst v63  }
.Ltmp8:
0xa1: {  	(pc) =	sbr.rel .LBB2_8-.Ltmp8, $3  }
0xa2: {  	_ =	sdelay $0x1  }
0xa3: {  	[tilespmem:s24], [sflag:$0x2] =	stream.linear.gather [hbm4b:s11+s2], $0x100, $0x38;
	[tilespmem:$0x1DCC0] =	vst v63  }
0xa4: {  	s9 =	sadd.s32 $0x400, s9;
	s11 =	sadd.s32 $0x80, s11;
	s22 =	sadd.s32 $0x80, s22  }
.LBB2_11:
0xa5: {  	_ =	sfence.sel $0x180000  }
0xa6: {  	[bflag:$0x0] =	sbarrier.arrive $0xFFFF  }
0xa7: {  	_ =	strace $0x9000004A  }
0xa8: {  	[bflag:$0x2] =	sbarrier.arrive $0xFFFF  }
0xa9: {  	p0 =	sne.s32 s11, $0x0;
	s0 =	rddreg [dreg:$0x2]  }
0xaa: {  	s0 =	sadd.s32 @!p0 $0x100000, s0  }
0xab: {  	[sflag:s0] =	ssyncadd.tile.s32 @!p0 $0x1;
	_ =	shalt  }
.Lfunc_end2:
_tile_overlayer_lowered:
.L_overlay_start_2:
0xac: {  	(tag) =	ssettag $0x2  }
0xad: {  	s0 =	rddreg [dreg:$0x0];
	s2 =	stileid.u32  }
0xae: {  	s1 =	rddreg [dreg:$0x1];
	p0 =	sne.s32 s2, $0x0  }
0xaf: {  	s3 =	rddreg [dreg:$0x2];
	[bflag:$0x3] =	sbarrier.arrive $0xFFFF;
	s2 =	simm.s32 @!p0 $0x1C0D  }
0xb0: {  	[timem:s3], [sflag:s2] =	dma.local @!p0 [hbm:s0], s1  }
0xb1: {  	s0 =	simm.s32 @!p0 $0xD  }
0xb2: {  	_ =	swait.ge @!p0 [sflag:s0], s1  }
0xb3: {  	s1 =	ssub.s32 @!p0 $0x0, s1;
	[sflag:s0] =	ssyncset.done @!p0 $0x0  }
0xb4: {  	[sflag:s0] =	ssyncadd.s32 @!p0 s1  }
0xb5: {  	[bflag:$0x3] =	sbarrier.arrive $0xFFFF  }
0xb6: {  	_ =	shalt  }

// kernel: kernel.16.cloned.1.call-start
scs
__scs_entry_jumppad:
0x0: {  	(pc) =	sbr.rel $0x88, $3  }
0x1: {  	(tag) =	ssettag $0x0;
	lr =	simm.s32 $0x1  }
0x2: {  	[smem:$0x3F96] =	sst lr;
	_ =	strace $0xD0000000  }
0x3: {  	_ = 	snop  }
0x4: {  	_ = 	snop  }
0x5: {  	_ = 	snop  }
0x6: {  	_ = 	snop  }
0x7: {  	_ = 	snop  }
__scs_overlays_trampoline_lowered:
0x8: {  	[smem:$0x3FA5] =	sst s0  }
0x9: {  	[smem:$0x3FA6] =	sst s1  }
0xa: {  	[smem:$0x3FA7] =	sst s2  }
0xb: {  	[smem:$0x3FA8] =	sst s3  }
0xc: {  	[smem:$0x3FA9] =	sst s4  }
0xd: {  	[smem:$0x3FAA] =	sst s5  }
0xe: {  	[smem:$0x3FAB] =	sst s6  }
0xf: {  	[smem:$0x3FAC] =	sst s7  }
0x10: {  	[smem:$0x3FAD] =	sst s8  }
0x11: {  	[smem:$0x3FAE] =	sst s9;
	s0 =	simm.s32 @!p0 $0x0  }
0x12: {  	s1 =	sld [smem:$0x3F94];
	s0 =	simm.s32 @p0 $0x1  }
0x13: {  	[smem:$0x3FAF] =	sst s0;
	s0 =	simm.s32 @!p1 $0x0  }
0x14: {  	s2 =	sld [smem:$0x3F93];
	s0 =	simm.s32 @p1 $0x1  }
0x15: {  	[smem:$0x3FB0] =	sst s0;
	s0 =	simm.s32 @!p2 $0x0  }
0x16: {  	s3 =	sld [smem:$0x3FDB];
	s0 =	simm.s32 @p2 $0x1  }
0x17: {  	s4 =	simm.s32 $0x1BF5;
	[smem:$0x3FB2] =	sst s0  }
0x18: {  	s0 =	sld [smem:$0x3F95];
	_ =	swait.ge [sflag:s4], $0x0  }
0x19: {  	s7 =	sld [smem:$0x3F96]  }
0x1a: {  	s8 =	sadd.s32 $0xFFFFE003, lr  }
0x1b: {  	s9 =	sadd.s32 $0xFFFFFEF7, lr;
	s5 =	simm.s32 $0xFFFFFFFF;
	p2 =	slt.u32 s8, $0xFFFFF086  }
0x1c: {  	p1 =	slt.u32 s9, $0xF7A;
	s5 =	simm.s32 @!p2 $0x0  }
0x1d: {  	s5 =	simm.s32 @p1 $0x1;
	p0 =	seq.s32 s7, s2  }
0x1e: {  	s7 =	smul.u32 @!p0 $0xF7A, s2;
	p2 =	seq.s32 @!p0 s5, $0x0  }
0x1f: {  	s9 =	smul.u32 $0xF7A, s1;
	s8 =	simm.s32 @!p0 $0x1BF5;
	p2 =	por !p2, p0  }
0x20: {  	[sflag:s8] =	ssyncset.s32 @!p0 $0xFFFFF086;
	s6 =	sadd.s32 @!p0 s3, s7;
	s7 =	simm.s32 @!p0 $0x108  }
0x21: {  	s3 =	sadd.s32 s3, s9;
	s6 =	sadd.s32 @!p0 $0x88, s6;
	s7 =	simm.s32 @p2 $0x1082  }
0x22: {  	[simem:s7], [sflag:s8] =	dma.local @!p0 [hbm:s6], $0xF7A  }
0x23: {  	s9 =	sor.u32 $0xD0000000, s2;
	s6 =	simm.s32 $0x108;
	_ =	swait.ge @!p0 [sflag:s8], $0x0  }
0x24: {  	s3 =	sadd.s32 $0x88, s3;
	s6 =	simm.s32 @!p1 $0x1082;
	[sflag:s4] =	ssyncset.s32 $0xFFFFF086  }
0x25: {  	[simem:s6], [sflag:s4] =	dma.local [hbm:s3], $0xF7A  }
0x26: {  	[smem:$0x3F96] =	sst s1;
	(tag) =	ssettag s2;
	_ =	strace s9  }
0x27: {  	s1 =	sld [smem:$0x3FA6]  }
0x28: {  	s2 =	sld [smem:$0x3FA7]  }
0x29: {  	s4 =	sld [smem:$0x3FA9]  }
0x2a: {  	p0 =	seq.s32 s5, $0x0;
	s5 =	sld [smem:$0x3FAA]  }
0x2b: {  	s6 =	sld [smem:$0x3FAB]  }
0x2c: {  	s7 =	sld [smem:$0x3FAC]  }
0x2d: {  	s3 =	simm.s32 $0x108;
	s8 =	sld [smem:$0x3FAD]  }
0x2e: {  	s3 =	simm.s32 @!p0 $0x1082;
	s9 =	sld [smem:$0x3FAE]  }
0x2f: {  	lr =	sadd.s32 s0, s3;
	s0 =	sld [smem:$0x3FA5]  }
0x30: {  	s3 =	sld [smem:$0x3FA8]  }
0x31: {  	[smem:$0x3FB1] =	sst s10  }
0x32: {  	s10 =	sld [smem:$0x3FAF];
	_ =	sdelay $0x3  }
0x33: {  	p0 =	seq.s32 s10, $0x1;
	s10 =	sld [smem:$0x3FB1];
	_ =	sdelay $0x3  }
0x34: {  	[smem:$0x3FB1] =	sst s10  }
0x35: {  	s10 =	sld [smem:$0x3FB0];
	_ =	sdelay $0x3  }
0x36: {  	p1 =	seq.s32 s10, $0x1;
	s10 =	sld [smem:$0x3FB1];
	_ =	sdelay $0x3  }
0x37: {  	[smem:$0x3FB1] =	sst s10  }
0x38: {  	s10 =	sld [smem:$0x3FB2]  }
0x39: {  	_ = 	snop;
	(pc) =	sbr.ind lr, $3  }
0x3a: {  	_ = 	snop  }
0x3b: {  	_ = 	snop  }
0x3c: {  	p2 =	seq.s32 s10, $0x1;
	s10 =	sld [smem:$0x3FB1]  }
0x3d: {  	_ =	shalt  }
0x3e: {  	_ =	shalt  }
0x3f: {  	_ =	shalt  }
0x40: {  	_ =	shalt  }
0x41: {  	_ =	shalt  }
0x42: {  	_ =	shalt  }
0x43: {  	_ =	shalt  }
0x44: {  	_ =	shalt  }
0x45: {  	_ =	shalt  }
0x46: {  	_ =	shalt  }
0x47: {  	_ =	shalt  }
0x48: {  	_ =	shalt  }
0x49: {  	_ =	shalt  }
0x4a: {  	_ =	shalt  }
0x4b: {  	_ =	shalt  }
0x4c: {  	_ =	shalt  }
0x4d: {  	_ =	shalt  }
0x4e: {  	_ =	shalt  }
0x4f: {  	_ =	shalt  }
0x50: {  	_ =	shalt  }
0x51: {  	_ =	shalt  }
0x52: {  	_ =	shalt  }
0x53: {  	_ =	shalt  }
0x54: {  	_ =	shalt  }
0x55: {  	_ =	shalt  }
0x56: {  	_ =	shalt  }
0x57: {  	_ =	shalt  }
0x58: {  	_ =	shalt  }
0x59: {  	_ =	shalt  }
0x5a: {  	_ =	shalt  }
0x5b: {  	_ =	shalt  }
0x5c: {  	_ =	shalt  }
0x5d: {  	_ =	shalt  }
0x5e: {  	_ =	shalt  }
0x5f: {  	_ =	shalt  }
0x60: {  	_ =	shalt  }
0x61: {  	_ =	shalt  }
0x62: {  	_ =	shalt  }
0x63: {  	_ =	shalt  }
0x64: {  	_ =	shalt  }
0x65: {  	_ =	shalt  }
0x66: {  	_ =	shalt  }
0x67: {  	_ =	shalt  }
0x68: {  	_ =	shalt  }
0x69: {  	_ =	shalt  }
0x6a: {  	_ =	shalt  }
0x6b: {  	_ =	shalt  }
0x6c: {  	_ =	shalt  }
0x6d: {  	_ =	shalt  }
0x6e: {  	_ =	shalt  }
0x6f: {  	_ =	shalt  }
0x70: {  	_ =	shalt  }
0x71: {  	_ =	shalt  }
0x72: {  	_ =	shalt  }
0x73: {  	_ =	shalt  }
0x74: {  	_ =	shalt  }
0x75: {  	_ =	shalt  }
0x76: {  	_ =	shalt  }
0x77: {  	_ =	shalt  }
0x78: {  	_ =	shalt  }
0x79: {  	_ =	shalt  }
0x7a: {  	_ =	shalt  }
0x7b: {  	_ =	shalt  }
0x7c: {  	_ =	shalt  }
0x7d: {  	_ =	shalt  }
0x7e: {  	_ =	shalt  }
0x7f: {  	_ =	shalt  }
0x80: {  	_ =	shalt  }
0x81: {  	_ =	shalt  }
0x82: {  	_ =	shalt  }
0x83: {  	_ =	shalt  }
0x84: {  	_ =	shalt  }
0x85: {  	_ =	shalt  }
0x86: {  	_ =	shalt  }
0x87: {  	_ =	shalt  }
.Lfunc_end0:
.L_simem_size_0:
called_computation.2_lowered:
.L_overlay_start_0:
0x88: {  	s2 =	sld [smem:$0x3FD9]  }
0x89: {  	s3 =	sld [smem:$0x3FFE];
	_ =	sdelay $0x1  }
0x8a: {  	s1 =	srdreg.scid  }
0x8b: {  	s0 =	sand.u32 $0x1, s1  }
0x8c: {  	s16 =	sshll.u32 s0, $0xA;
	s2 =	sadd.s32 s3, s2  }
0x8d: {  	s2 =	sadd.s32 s2, s16  }
0x8e: {  	[smem:$0x3FBD] =	sst s2  }
0x8f: {  	_ = 	snop  }
0x90: {  	(tm) =	ssettm $0x1  }
0x91: {  	s17 =	sld [smem:$0x3FFB];
	_ =	sdelay $0x3  }
0x92: {  	_ =	strace s17  }
0x93: {  	s2 =	sld [smem:$0x3FFC];
	_ =	sdelay $0x3  }
0x94: {  	_ =	strace s2  }
0x95: {  	s2 =	sld [smem:$0x3FFD];
	_ =	sdelay $0x3  }
0x96: {  	_ =	strace s2  }
0x97: {  	_ =	strace $0x8FFFFFFF  }
0x98: {  	s18 =	sld [smem:$0x3FDB];
	_ =	sdelay $0x1  }
0x99: {  	s19 =	simm.s32 $_scs_section_size  }
0x9a: {  	s4 =	simm.s32 $_size__tile_overlayer_lowered;
	s5 =	simm.s32 $_tile_overlayer_lowered  }
0x9b: {  	s22 =	simm.s32 $0x1BFF;
	s21 =	sshll.u32 s5, $0x1;
	s2 =	sadd.s32 s19, s18  }
0x9c: {  	s6 =	simm.s32 $0x0;
	s20 =	sshll.u32 s4, $0x1;
	s4 =	sadd.s32 s21, s2  }
0x9d: {  	[timem:s6], [sflag:s22] =	dma.local [hbm:s4], s20  }
0x9e: {  	_ =	swait.ge [sflag:s22], s20  }
0x9f: {  	s3 =	ssub.s32 $0x0, s20;
	[sflag:s22] =	ssyncset.done $0x0  }
0xa0: {  	[sflag:s22] =	ssyncadd.s32 s3;
	_ =	sdelay $0x1  }
0xa1: {  	s23 =	simm.s32 $0x1B8B  }
0xa2: {  	_ =	swait.ge [sflag:s23], $0x1  }
0xa3: {  	[sflag:s23] =	ssyncset.done $0x0  }
0xa4: {  	s25 =	simm.s32 $0x1B8E;
	s24 =	sld [smem:$0x3FFE];
	[sflag:s23] =	ssyncadd.s32 $0xFFFFFFFF  }
0xa5: {  	s26 =	simm.s32 $execute0_lowered;
	[smem:$0x3FD2] =	sst s25  }
0xa6: {  	s4 =	sshll.u32 s26, $0x1;
	_ =	strace $0x8000004C;
	[dreg:$0x1] =	wrdreg $0xFFFFFFFF  }
0xa7: {  	s28 =	simm.s32 $_size_execute0_lowered;
	s2 =	sadd.s32 s2, s4;
	[dreg:$0x0] =	wrdreg $0x0  }
0xa8: {  	s4 =	sshll.u32 s28, $0x1;
	[dreg:$0x2] =	wrdreg s2  }
0xa9: {  	[dreg:$0x3] =	wrdreg s4  }
0xaa: {  	[dreg:$0x4] =	wrdreg $0xC0  }
0xab: {  	_ =	task [dreg:s6], $0x5FFFF  }
0xac: {  	[dreg:$0x1] =	wrdreg $0xFFFFFFFF  }
0xad: {  	[dreg:$0x0] =	wrdreg $0x60  }
0xae: {  	[dreg:$0x2] =	wrdreg s24  }
0xaf: {  	[dreg:$0x3] =	wrdreg $0x0  }
0xb0: {  	[dreg:$0x4] =	wrdreg $0x9  }
0xb1: {  	_ =	task.clear_ibuf [dreg:s6], $0x5FFFF;
	_ =	strace $0x9000004C  }
0xb2: {  	s29 =	simm.s32 $0x9;
	_ =	strace $0x8000004E  }
0xb3: {  	_ =	swait.ge [sflag:s29], $0x1  }
0xb4: {  	[sflag:s29] =	ssyncadd.s32 $0xFFFFFFFF  }
0xb5: {  	_ =	strace $0x9000004E  }
0xb6: {  	_ =	sfence  }
0xb7: {  	s30 =	sld [smem:$0x0];
	_ =	sdelay $0x2  }
0xb8: {  	s31 =	sshll.u32 s1, $0xD;
	s1 =	sshrl.u32 s1, $0x2  }
0xb9: {  	s3 =	sand.u32 $0x4000, s31;
	s1 =	sadd.s32 s1, s30  }
0xba: {  	s0 =	sor.u32 s3, s0;
	s1 =	sshll.u32 s1, $0x11  }
0xbb: {  	s0 =	sor.u32 s1, s0  }
0xbc: {  	s0 =	sadd.s32 $0x8F2B, s0  }
0xbd: {  	[sflag:s0] =	ssyncadd.remote.s32 $0x1  }
0xbe: {  	_ =	sfence.sel $0xFFFF  }
0xbf: {  	[dreg:$0x0] =	wrdreg $0xFFFFFFFF;
	(pc) =	sbr.abs _section_cstart, $3  }
0xc0: {  	[dreg:$0x1] =	wrdreg $0xFFFFFFFF  }
0xc1: {  	_ =	task.clear_ibuf [dreg:s6], $0x2FFFF;
	_ =	strace $0x9FFFFFFF  }
0xc2: {  	(tm) =	ssettm $0x7FFFFFFF  }
0xc3: {  	_ =	shalt  }
tec
execute0_lowered:
.L_overlay_start_1:
0x0: {  	(tag) =	ssettag $0x1  }
0x1: {  	s0 =	rddreg [dreg:$0x0]  }
0x2: {  	s1 =	rddreg [dreg:$0x1];
	s2 =	simm.s32 $0x0  }
0x3: {  	s3 =	srdreg.scid;
	s12 =	stileid.u32;
	s29 =	simm.s32 $0x2  }
0x4: {  	s30 =	simm.s32 $0x164C0;
	s31 =	simm.s32 $0x5;
	[smem:$0x7FF] =	sst s2  }
0x5: {  	s4 =	sand.u32 $0x1, s3;
	s3 =	sadd.s32 $0x33400, s0;
	s8 =	smul.u32 $0x4E000, s12  }
0x6: {  	s11 =	sadd.s32 $0x5A600, s0;
	s6 =	sadd.s32 $0x14000, s0;
	s14 =	smul.u32 $0x2700, s12  }
0x7: {  	s0 =	sadd.s32 $0x81800, s0;
	p4 =	sne.s32 s12, $0xF;
	s17 =	smul.u32 $0x13800, s12  }
0x8: {  	p0 =	seq.s32 s12, $0xF;
	s9 =	sadd.s32 $0x124800, s1;
	s21 =	smul.u32 $0x7D00, s12  }
0x9: {  	s25 =	sshll.u32 s12, $0x6;
	_ =	strace $0x8000004D;
	s5 =	ssub.s32 $0x2, s4  }
0xa: {  	s13 =	sshll.u32 s4, $0x4;
	p2 =	seq.s32 s4, $0x0;
	[dreg:$0x4] =	wrdreg s9  }
0xb: {  	p3 =	seq.s32 s4, $0x1;
	s15 =	smul.u32 $0x138800, s4;
	[dreg:$0x3] =	wrdreg s11  }
0xc: {  	s4 =	smul.u32 $0x7D000, s4;
	s26 =	sor.u32 $0x1C0D, s25;
	s25 =	simm.s32 $0x1  }
0xd: {  	s7 =	sshrl.u32 s5, $0x1;
	p1 =	por !p2, !p4;
	p2 =	por !p2, !p0  }
0xe: {  	s10 =	sshrl.u32 s8, $0x2;
	p4 =	por !p4, !p3;
	s16 =	sadd.s32 s3, s14  }
0xf: {  	s9 =	sadd.s32 s11, s14;
	[dreg:$0xf] =	wrdreg s26;
	s26 =	simm.s32 $0x50  }
0x10: {  	s14 =	simm.s32 $0x4;
	s5 =	ssub.s32 s5, s7;
	s7 =	sor.u32 s12, s13  }
0x11: {  	p1 =	por !p1, !p1;
	p2 =	por !p2, !p2;
	[dreg:$0x6] =	wrdreg s16  }
0x12: {  	s13 =	sadd.s32 s10, s1;
	p4 =	por !p4, !p4;
	[dreg:$0x7] =	wrdreg s9  }
0x13: {  	s20 =	sadd.s32 s17, s15;
	s4 =	sadd.s32 s21, s4;
	s10 =	simm.s32 $0x3  }
0x14: {  	s21 =	simm.s32 $0x6;
	s12 =	simm.s32 $0x1B4C0;
	s16 =	simm.s32 $0xA  }
0x15: {  	s8 =	smul.u32 $0x7D00, s7;
	s9 =	sshrl.u32 s20, $0x3;
	s7 =	sshrl.u32 s15, $0x3  }
0x16: {  	s22 =	smax.u32 s5, $0x1;
	s23 =	sadd.s32 $0x500, s4;
	s17 =	sadd.s32 $0x400, s4  }
0x17: {  	s4 =	sadd.s32 $0x300, s4;
	[dreg:$0x5] =	wrdreg s13;
	s28 =	sshrl.u32 s13, $0x3  }
0x18: {  	s20 =	simm.s32 $0x18CC0;
	s5 =	simm.s32 $0x9;
	s13 =	simm.s32 $0x13BC0  }
0x19: {  	s15 =	simm.s32 $0x7;
	s9 =	sadd.s32 s0, s9;
	[dreg:$0xc] =	wrdreg s22  }
0x1a: {  	s0 =	sadd.s32 s0, s7;
	s24 =	sshrl.u32 s4, $0x3;
	[dreg:$0x10] =	wrdreg s28  }
0x1b: {  	s18 =	sshrl.u32 s8, $0x3;
	[dreg:$0xa] =	wrdreg s9;
	s0 =	sadd.s32 $0x24900, s0  }
0x1c: {  	s4 =	simm.s32 $0xB;
	s19 =	sadd.s32 s6, s18;
	[dreg:$0xb] =	wrdreg s0  }
.Ltmp0:
0x1d: {  	s0 =	sshrl.u32 s23, $0x3;
	s23 =	simm.s32 $0x138C0;
	(pc) =	sbr.rel .LBB2_1-.Ltmp0, $4  }
0x1e: {  	s18 =	simm.s32 $0x0;
	[dreg:$0x8] =	wrdreg s19;
	s11 =	sadd.s32 $0x20, s19  }
0x1f: {  	s0 =	sadd.s32 s0, s6;
	s19 =	simm.s32 $0x8;
	[dreg:$0x9] =	wrdreg s11  }
0x20: {  	[dreg:$0xd] =	wrdreg s0;
	s11 =	stileid.u32;
	s0 =	sadd.s32 s24, s6  }
0x21: {  	s24 =	simm.s32 $0x139C0;
	[dreg:$0xe] =	wrdreg s0;
	s0 =	simm.s32 $0x13AC0  }
.LBB2_10:
0x22: {  	_ =	swait.ge [sflag:s31], $0x2800  }
0x23: {  	[sflag:s31] =	ssyncset.done $0x0  }
0x24: {  	s7 =	simm.s32 $0xC;
	[sflag:s31] =	ssyncadd.s32 $0xFFFFD800  }
0x25: {  	_ =	swait.ge [sflag:s7], $0x2800  }
0x26: {  	[sflag:s7] =	ssyncset.done $0x0  }
0x27: {  	s18 =	simm.s32 $0x13CC0;
	s9 =	simm.s32 $0x13940;
	[sflag:s7] =	ssyncadd.s32 $0xFFFFD800  }
0x28: {  	[spmem:s1] =	stream.indirect.scatter.add.f32 [tilespmem:s18], [sflag:$0x9], $0x80, s9, s26, $0xb8;
	[tilespmem:$0x1DCC0] =	vst v63  }
0x29: {  	_ =	swait.ge [sflag:s5], $0x2800  }
0x2a: {  	[sflag:s5] =	ssyncset.done $0x0  }
0x2b: {  	[sflag:s5] =	ssyncadd.s32 $0xFFFFD800  }
0x2c: {  	s18 =	stileid.u32;
	[bflag:$0x0] =	sbarrier.arrive $0xFFFF  }
0x2d: {  	s7 =	sshll.u32 @!p0 s18, $0x6;
	s9 =	rddreg [dreg:$0x5]  }
0x2e: {  	s7 =	sor.u32 @!p0 $0x1C0D, s7;
	s11 =	rddreg [dreg:$0xa];
	s9 =	sshrl.u32 @!p0 s9, $0x3  }
0x2f: {  	[hbm:s11], [sflag:s7] =	dma.local @!p0 [spmem:s9], $0x2700  }
0x30: {  	s7 =	simm.s32 @!p0 $0xD  }
0x31: {  	_ =	swait.ge @!p0 [sflag:s7], $0x2700  }
0x32: {  	s9 =	sshll.u32 @p5 s18, $0x6;
	[sflag:s7] =	ssyncset.done @!p0 $0x0  }
0x33: {  	[sflag:s7] =	ssyncadd.s32 @!p0 $0xFFFFD900;
	s7 =	sor.u32 @p5 $0x1C0D, s9;
	s9 =	rddreg [dreg:$0x4]  }
0x34: {  	s18 =	rddreg [dreg:$0xb];
	s9 =	sshrl.u32 @p5 s9, $0x3  }
0x35: {  	[hbm:s18], [sflag:s7] =	dma.local @p5 [spmem:s9], $0x2800  }
0x36: {  	s7 =	simm.s32 @p5 $0xD  }
0x37: {  	_ =	swait.ge @p5 [sflag:s7], $0x2800  }
0x38: {  	s22 =	rddreg [dreg:$0x11]  }
0x39: {  	s28 =	rddreg [dreg:$0xc];
	s18 =	sadd.s32 $0x1, s22  }
0x3a: {  	p6 =	sne.s32 s18, s28  }
.Ltmp1:
0x3b: {  	_ = 	snop;
	(pc) =	sbr.rel @!p6 .LBB2_11-.Ltmp1, $3  }
0x3c: {  	_ =	sdelay $0x1  }
0x3d: {  	[sflag:s7] =	ssyncset.done @p5 $0x0  }
0x3e: {  	s11 =	stileid.u32;
	[sflag:s7] =	ssyncadd.s32 @p5 $0xFFFFD800  }
.LBB2_1:
.Ltmp2:
0x3f: {  	(pc) =	sbr.rel @!p1 .LBB2_4-.Ltmp2, $2  }
0x40: {  	_ =	sdelay $0x2  }
0x41: {  	[dreg:$0x11] =	wrdreg s18  }
0x42: {  	s7 =	rddreg [dreg:$0x6]  }
0x43: {  	s9 =	rddreg [dreg:$0xf]  }
.Ltmp3:
0x44: {  	s18 =	rddreg [dreg:$0x10];
	s28 =	simm.s32 $0xD;
	(pc) =	sbr.rel .LBB2_3-.Ltmp3, $4  }
0x45: {  	[spmem:s18], [sflag:s9] =	dma.local [hbm:s7], $0x2700  }
0x46: {  	_ =	swait.ge [sflag:s28], $0x2700  }
0x47: {  	[sflag:s28] =	ssyncset.done $0x0  }
0x48: {  	p5 =	por $0x0, $0x0;
	[sflag:s28] =	ssyncadd.s32 $0xFFFFD900  }
.LBB2_4:
.Ltmp4:
0x49: {  	(pc) =	sbr.rel @!p2 .LBB2_3-.Ltmp4, $2  }
0x4a: {  	_ =	sdelay $0x2  }
0x4b: {  	p5 =	por p0, p0  }
.Ltmp5:
0x4c: {  	(pc) =	sbr.rel .LBB2_6-.Ltmp5, $2  }
0x4d: {  	_ =	sdelay $0x2  }
0x4e: {  	p5 =	por $0x1, $0x1;
	s11 =	simm.s32 $0xF;
	s9 =	smov.u32 s3  }
.LBB2_3:
0x4f: {  	s9 =	sshll.u32 @p4 s11, $0x6  }
0x50: {  	s7 =	rddreg [dreg:$0x5];
	p6 =	por @p4 $0x1, $0x1;
	s9 =	sor.u32 @p4 $0x1C0D, s9  }
0x51: {  	s11 =	sshrl.u32 @p4 s7, $0x3;
	s7 =	rddreg [dreg:$0x7];
	p6 =	por @!p4 p3, p3  }
0x52: {  	[spmem:s11], [sflag:s9] =	dma.local @p4 [hbm:s7], $0x2700  }
0x53: {  	p6 =	por !p6, !p5  }
0x54: {  	p6 =	por !p6, !p6  }
.Ltmp6:
0x55: {  	_ = 	snop;
	(pc) =	sbr.rel @!p6 .LBB2_7-.Ltmp6, $4  }
0x56: {  	s9 =	simm.s32 @p4 $0xD  }
0x57: {  	_ =	swait.ge @p4 [sflag:s9], $0x2700  }
0x58: {  	[sflag:s9] =	ssyncset.done @p4 $0x0  }
0x59: {  	s11 =	stileid.u32;
	[sflag:s9] =	ssyncadd.s32 @p4 $0xFFFFD900;
	s9 =	rddreg [dreg:$0x3]  }
.LBB2_6:
0x5a: {  	s11 =	sshll.u32 s11, $0x6;
	s9 =	sadd.s32 $0x24900, s9;
	s7 =	rddreg [dreg:$0x4]  }
0x5b: {  	s28 =	simm.s32 $0xD;
	s11 =	sor.u32 $0x1C0D, s11;
	s22 =	sshrl.u32 s7, $0x3  }
0x5c: {  	[spmem:s22], [sflag:s11] =	dma.local [hbm:s9], $0x2800  }
0x5d: {  	_ =	swait.ge [sflag:s28], $0x2800  }
0x5e: {  	[sflag:s28] =	ssyncset.done $0x0  }
0x5f: {  	[sflag:s28] =	ssyncadd.s32 $0xFFFFD800  }
.LBB2_7:
0x60: {  	[bflag:$0x0] =	sbarrier.arrive $0xFFFF  }
0x61: {  	s9 =	simm.s32 $0x0;
	s7 =	rddreg [dreg:$0x8]  }
0x62: {  	[tilespmem:s23], [sflag:$0x1] =	stream.linear.gather [hbm4b:s7+s9], $0x100, $0x38;
	[tilespmem:$0x1DCC0] =	vst v63  }
0x63: {  	s22 =	rddreg [dreg:$0x9]  }
0x64: {  	[tilespmem:s24], [sflag:$0x2] =	stream.linear.gather [hbm4b:s22+s9], $0x100, $0x38;
	[tilespmem:$0x1DCC0] =	vst v63  }
0x65: {  	_ =	swait.ge [sflag:s25], $0x100  }
0x66: {  	[sflag:s25] =	ssyncset.done $0x0;
	s22 =	rddreg [dreg:$0xe]  }
0x67: {  	s28 =	simm.s32 $0x13CC0;
	s11 =	rddreg [dreg:$0xd];
	[sflag:s25] =	ssyncadd.s32 $0xFFFFFF00  }
0x68: {  	[tilespmem:s28], [sflag:$0x5] =	stream.indirect.gather [hbm4b:s3+s26], $0x80, s23, s26, $0xb8;
	[tilespmem:$0x1DCC0] =	vst v63  }
.LBB2_8:
0x69: {  	_ =	swait.ge [sflag:s29], $0x100  }
0x6a: {  	[sflag:s29] =	ssyncset.done $0x0  }
0x6b: {  	[sflag:s29] =	ssyncadd.s32 $0xFFFFFF00  }
0x6c: {  	[tilespmem:s30], [sflag:$0x6] =	stream.indirect.gather [hbm4b:s3+s26], $0x80, s24, s26, $0xb8;
	[tilespmem:$0x1DCC0] =	vst v63  }
0x6d: {  	_ =	swait.ge [sflag:s31], $0x2800  }
0x6e: {  	p6 =	sne.s32 s9, $0x0;
	[sflag:s31] =	ssyncset.done $0x0  }
0x6f: {  	s28 =	simm.s32 @p6 $0xC;
	[sflag:s31] =	ssyncadd.s32 $0xFFFFD800  }
0x70: {  	_ =	swait.ge @p6 [sflag:s28], $0x2800  }
0x71: {  	s18 =	simm.s32 @p6 $0x13940;
	[sflag:s28] =	ssyncset.done @p6 $0x0  }
0x72: {  	s7 =	simm.s32 @p6 $0x13CC0;
	[sflag:s28] =	ssyncadd.s32 @p6 $0xFFFFD800;
	s28 =	simm.s32 @p6 $0x50  }
0x73: {  	[spmem:s1] =	stream.indirect.scatter.add.f32 @p6 [tilespmem:s7], [sflag:$0x9], $0x80, s18, s28, $0xb8;
	[tilespmem:$0x1DCC0] =	vst v63  }
0x74: {  	s7 =	simm.s32 @!p6 $0x50;
	s18 =	simm.s32 @!p6 $0x13940;
	s28 =	simm.s32 @!p6 $0x13CC0  }
0x75: {  	[spmem:s1] =	stream.indirect.scatter.add.f32 @!p6 [tilespmem:s28], [sflag:$0x9], $0x80, s18, s7, $0xb8;
	[tilespmem:$0x1DCC0] =	vst v63  }
0x76: {  	s7 =	sadd.s32 @p6 $0x200, s9  }
0x77: {  	s7 =	simm.s32 @!p6 $0x200  }
0x78: {  	s7 =	sadd.s32 s8, s7  }
0x79: {  	s7 =	sshrl.u32 s7, $0x3  }
0x7a: {  	s7 =	sadd.s32 s6, s7  }
0x7b: {  	[tilespmem:s0], [sflag:$0x3] =	stream.linear.gather [hbm4b:s7+s2], $0x100, $0x38;
	[tilespmem:$0x1DCC0] =	vst v63  }
0x7c: {  	_ =	swait.ge [sflag:s10], $0x100  }
0x7d: {  	[sflag:s10] =	ssyncset.done $0x0  }
0x7e: {  	[sflag:s10] =	ssyncadd.s32 $0xFFFFFF00  }
0x7f: {  	[tilespmem:s20], [sflag:$0x7] =	stream.indirect.gather [hbm4b:s3+s26], $0x80, s0, s26, $0xb8;
	[tilespmem:$0x1DCC0] =	vst v63  }
0x80: {  	_ =	swait.ge [sflag:s21], $0x2800  }
0x81: {  	[sflag:s21] =	ssyncset.done $0x0  }
0x82: {  	[sflag:s21] =	ssyncadd.s32 $0xFFFFD800  }
0x83: {  	_ =	swait.ge [sflag:s5], $0x2800  }
0x84: {  	[sflag:s5] =	ssyncset.done $0x0  }
0x85: {  	s28 =	simm.s32 $0x13A40;
	[sflag:s5] =	ssyncadd.s32 $0xFFFFD800  }
0x86: {  	[spmem:s1] =	stream.indirect.scatter.add.f32 [tilespmem:s30], [sflag:$0xA], $0x80, s28, s26, $0xb8;
	[tilespmem:$0x1DCC0] =	vst v63  }
0x87: {  	_ = 	snop  }
0x88: {  	[tilespmem:s13], [sflag:$0x4] =	stream.linear.gather [hbm4b:s22+s2], $0x100, $0x38;
	[tilespmem:$0x1DCC0] =	vst v63  }
0x89: {  	_ =	swait.ge [sflag:s14], $0x100  }
0x8a: {  	[sflag:s14] =	ssyncset.done $0x0  }
0x8b: {  	[sflag:s14] =	ssyncadd.s32 $0xFFFFFF00  }
0x8c: {  	[tilespmem:s12], [sflag:$0x8] =	stream.indirect.gather [hbm4b:s3+s26], $0x80, s13, s26, $0xb8;
	[tilespmem:$0x1DCC0] =	vst v63  }
0x8d: {  	_ =	swait.ge [sflag:s15], $0x2800  }
0x8e: {  	[sflag:s15] =	ssyncset.done $0x0  }
0x8f: {  	[sflag:s15] =	ssyncadd.s32 $0xFFFFD800  }
0x90: {  	_ =	swait.ge [sflag:s16], $0x2800  }
0x91: {  	s28 =	sadd.s32 s9, s17;
	[sflag:s16] =	ssyncset.done $0x0  }
0x92: {  	s18 =	simm.s32 $0x13B40;
	s7 =	sshrl.u32 s28, $0x3;
	[sflag:s16] =	ssyncadd.s32 $0xFFFFD800  }
0x93: {  	[spmem:s1] =	stream.indirect.scatter.add.f32 [tilespmem:s20], [sflag:$0xB], $0x80, s18, s26, $0xb8;
	[tilespmem:$0x1DCC0] =	vst v63  }
0x94: {  	s7 =	sadd.s32 s6, s7  }
0x95: {  	[tilespmem:s23], [sflag:$0x1] =	stream.linear.gather [hbm4b:s7+s2], $0x100, $0x38;
	[tilespmem:$0x1DCC0] =	vst v63  }
0x96: {  	_ =	swait.ge [sflag:s25], $0x100  }
0x97: {  	[sflag:s25] =	ssyncset.done $0x0  }
0x98: {  	s18 =	simm.s32 $0x13CC0;
	[sflag:s25] =	ssyncadd.s32 $0xFFFFFF00  }
0x99: {  	[tilespmem:s18], [sflag:$0x5] =	stream.indirect.gather [hbm4b:s3+s26], $0x80, s23, s26, $0xb8;
	[tilespmem:$0x1DCC0] =	vst v63  }
0x9a: {  	_ =	swait.ge [sflag:s19], $0x2800  }
0x9b: {  	p6 =	seq.s32 s9, $0x7800;
	[sflag:s19] =	ssyncset.done $0x0  }
.Ltmp7:
0x9c: {  	[sflag:s19] =	ssyncadd.s32 $0xFFFFD800;
	(pc) =	sbr.rel @p6 .LBB2_10-.Ltmp7, $4  }
0x9d: {  	_ =	swait.ge [sflag:s4], $0x2800  }
0x9e: {  	[sflag:s4] =	ssyncset.done $0x0  }
0x9f: {  	s28 =	simm.s32 $0x13C40;
	[sflag:s4] =	ssyncadd.s32 $0xFFFFD800  }
0xa0: {  	[spmem:s1] =	stream.indirect.scatter.add.f32 [tilespmem:s12], [sflag:$0xC], $0x80, s28, s26, $0xb8;
	[tilespmem:$0x1DCC0] =	vst v63  }
.Ltmp8:
0xa1: {  	(pc) =	sbr.rel .LBB2_8-.Ltmp8, $3  }
0xa2: {  	_ =	sdelay $0x1  }
0xa3: {  	[tilespmem:s24], [sflag:$0x2] =	stream.linear.gather [hbm4b:s11+s2], $0x100, $0x38;
	[tilespmem:$0x1DCC0] =	vst v63  }
0xa4: {  	s9 =	sadd.s32 $0x400, s9;
	s11 =	sadd.s32 $0x80, s11;
	s22 =	sadd.s32 $0x80, s22  }
.LBB2_11:
0xa5: {  	_ =	sfence.sel $0x180000  }
0xa6: {  	[bflag:$0x0] =	sbarrier.arrive $0xFFFF  }
0xa7: {  	_ =	strace $0x9000004D  }
0xa8: {  	[bflag:$0x2] =	sbarrier.arrive $0xFFFF  }
0xa9: {  	p0 =	sne.s32 s11, $0x0;
	s0 =	rddreg [dreg:$0x2]  }
0xaa: {  	s0 =	sadd.s32 @!p0 $0x100000, s0  }
0xab: {  	[sflag:s0] =	ssyncadd.tile.s32 @!p0 $0x1;
	_ =	shalt  }
.Lfunc_end2:
_tile_overlayer_lowered:
.L_overlay_start_2:
0xac: {  	(tag) =	ssettag $0x2  }
0xad: {  	s0 =	rddreg [dreg:$0x0];
	s2 =	stileid.u32  }
0xae: {  	s1 =	rddreg [dreg:$0x1];
	p0 =	sne.s32 s2, $0x0  }
0xaf: {  	s3 =	rddreg [dreg:$0x2];
	[bflag:$0x3] =	sbarrier.arrive $0xFFFF;
	s2 =	simm.s32 @!p0 $0x1C0D  }
0xb0: {  	[timem:s3], [sflag:s2] =	dma.local @!p0 [hbm:s0], s1  }
0xb1: {  	s0 =	simm.s32 @!p0 $0xD  }
0xb2: {  	_ =	swait.ge @!p0 [sflag:s0], s1  }
0xb3: {  	s1 =	ssub.s32 @!p0 $0x0, s1;
	[sflag:s0] =	ssyncset.done @!p0 $0x0  }
0xb4: {  	[sflag:s0] =	ssyncadd.s32 @!p0 s1  }
0xb5: {  	[bflag:$0x3] =	sbarrier.arrive $0xFFFF  }
0xb6: {  	_ =	shalt  }

// kernel: kernel.19.cloned.1.call-start
scs
__scs_entry_jumppad:
0x0: {  	(pc) =	sbr.rel $0x88, $3  }
0x1: {  	(tag) =	ssettag $0x0;
	lr =	simm.s32 $0x1  }
0x2: {  	[smem:$0x3F96] =	sst lr;
	_ =	strace $0xD0000000  }
0x3: {  	_ = 	snop  }
0x4: {  	_ = 	snop  }
0x5: {  	_ = 	snop  }
0x6: {  	_ = 	snop  }
0x7: {  	_ = 	snop  }
__scs_overlays_trampoline_lowered:
0x8: {  	[smem:$0x3FA5] =	sst s0  }
0x9: {  	[smem:$0x3FA6] =	sst s1  }
0xa: {  	[smem:$0x3FA7] =	sst s2  }
0xb: {  	[smem:$0x3FA8] =	sst s3  }
0xc: {  	[smem:$0x3FA9] =	sst s4  }
0xd: {  	[smem:$0x3FAA] =	sst s5  }
0xe: {  	[smem:$0x3FAB] =	sst s6  }
0xf: {  	[smem:$0x3FAC] =	sst s7  }
0x10: {  	[smem:$0x3FAD] =	sst s8  }
0x11: {  	[smem:$0x3FAE] =	sst s9;
	s0 =	simm.s32 @!p0 $0x0  }
0x12: {  	s1 =	sld [smem:$0x3F94];
	s0 =	simm.s32 @p0 $0x1  }
0x13: {  	[smem:$0x3FAF] =	sst s0;
	s0 =	simm.s32 @!p1 $0x0  }
0x14: {  	s2 =	sld [smem:$0x3F93];
	s0 =	simm.s32 @p1 $0x1  }
0x15: {  	[smem:$0x3FB0] =	sst s0;
	s0 =	simm.s32 @!p2 $0x0  }
0x16: {  	s3 =	sld [smem:$0x3FDB];
	s0 =	simm.s32 @p2 $0x1  }
0x17: {  	s4 =	simm.s32 $0x1BF5;
	[smem:$0x3FB2] =	sst s0  }
0x18: {  	s0 =	sld [smem:$0x3F95];
	_ =	swait.ge [sflag:s4], $0x0  }
0x19: {  	s7 =	sld [smem:$0x3F96]  }
0x1a: {  	s8 =	sadd.s32 $0xFFFFE003, lr  }
0x1b: {  	s9 =	sadd.s32 $0xFFFFFEF7, lr;
	s5 =	simm.s32 $0xFFFFFFFF;
	p2 =	slt.u32 s8, $0xFFFFF086  }
0x1c: {  	p1 =	slt.u32 s9, $0xF7A;
	s5 =	simm.s32 @!p2 $0x0  }
0x1d: {  	s5 =	simm.s32 @p1 $0x1;
	p0 =	seq.s32 s7, s2  }
0x1e: {  	s7 =	smul.u32 @!p0 $0xF7A, s2;
	p2 =	seq.s32 @!p0 s5, $0x0  }
0x1f: {  	s9 =	smul.u32 $0xF7A, s1;
	s8 =	simm.s32 @!p0 $0x1BF5;
	p2 =	por !p2, p0  }
0x20: {  	[sflag:s8] =	ssyncset.s32 @!p0 $0xFFFFF086;
	s6 =	sadd.s32 @!p0 s3, s7;
	s7 =	simm.s32 @!p0 $0x108  }
0x21: {  	s3 =	sadd.s32 s3, s9;
	s6 =	sadd.s32 @!p0 $0x88, s6;
	s7 =	simm.s32 @p2 $0x1082  }
0x22: {  	[simem:s7], [sflag:s8] =	dma.local @!p0 [hbm:s6], $0xF7A  }
0x23: {  	s9 =	sor.u32 $0xD0000000, s2;
	s6 =	simm.s32 $0x108;
	_ =	swait.ge @!p0 [sflag:s8], $0x0  }
0x24: {  	s3 =	sadd.s32 $0x88, s3;
	s6 =	simm.s32 @!p1 $0x1082;
	[sflag:s4] =	ssyncset.s32 $0xFFFFF086  }
0x25: {  	[simem:s6], [sflag:s4] =	dma.local [hbm:s3], $0xF7A  }
0x26: {  	[smem:$0x3F96] =	sst s1;
	(tag) =	ssettag s2;
	_ =	strace s9  }
0x27: {  	s1 =	sld [smem:$0x3FA6]  }
0x28: {  	s2 =	sld [smem:$0x3FA7]  }
0x29: {  	s4 =	sld [smem:$0x3FA9]  }
0x2a: {  	p0 =	seq.s32 s5, $0x0;
	s5 =	sld [smem:$0x3FAA]  }
0x2b: {  	s6 =	sld [smem:$0x3FAB]  }
0x2c: {  	s7 =	sld [smem:$0x3FAC]  }
0x2d: {  	s3 =	simm.s32 $0x108;
	s8 =	sld [smem:$0x3FAD]  }
0x2e: {  	s3 =	simm.s32 @!p0 $0x1082;
	s9 =	sld [smem:$0x3FAE]  }
0x2f: {  	lr =	sadd.s32 s0, s3;
	s0 =	sld [smem:$0x3FA5]  }
0x30: {  	s3 =	sld [smem:$0x3FA8]  }
0x31: {  	[smem:$0x3FB1] =	sst s10  }
0x32: {  	s10 =	sld [smem:$0x3FAF];
	_ =	sdelay $0x3  }
0x33: {  	p0 =	seq.s32 s10, $0x1;
	s10 =	sld [smem:$0x3FB1];
	_ =	sdelay $0x3  }
0x34: {  	[smem:$0x3FB1] =	sst s10  }
0x35: {  	s10 =	sld [smem:$0x3FB0];
	_ =	sdelay $0x3  }
0x36: {  	p1 =	seq.s32 s10, $0x1;
	s10 =	sld [smem:$0x3FB1];
	_ =	sdelay $0x3  }
0x37: {  	[smem:$0x3FB1] =	sst s10  }
0x38: {  	s10 =	sld [smem:$0x3FB2]  }
0x39: {  	_ = 	snop;
	(pc) =	sbr.ind lr, $3  }
0x3a: {  	_ = 	snop  }
0x3b: {  	_ = 	snop  }
0x3c: {  	p2 =	seq.s32 s10, $0x1;
	s10 =	sld [smem:$0x3FB1]  }
0x3d: {  	_ =	shalt  }
0x3e: {  	_ =	shalt  }
0x3f: {  	_ =	shalt  }
0x40: {  	_ =	shalt  }
0x41: {  	_ =	shalt  }
0x42: {  	_ =	shalt  }
0x43: {  	_ =	shalt  }
0x44: {  	_ =	shalt  }
0x45: {  	_ =	shalt  }
0x46: {  	_ =	shalt  }
0x47: {  	_ =	shalt  }
0x48: {  	_ =	shalt  }
0x49: {  	_ =	shalt  }
0x4a: {  	_ =	shalt  }
0x4b: {  	_ =	shalt  }
0x4c: {  	_ =	shalt  }
0x4d: {  	_ =	shalt  }
0x4e: {  	_ =	shalt  }
0x4f: {  	_ =	shalt  }
0x50: {  	_ =	shalt  }
0x51: {  	_ =	shalt  }
0x52: {  	_ =	shalt  }
0x53: {  	_ =	shalt  }
0x54: {  	_ =	shalt  }
0x55: {  	_ =	shalt  }
0x56: {  	_ =	shalt  }
0x57: {  	_ =	shalt  }
0x58: {  	_ =	shalt  }
0x59: {  	_ =	shalt  }
0x5a: {  	_ =	shalt  }
0x5b: {  	_ =	shalt  }
0x5c: {  	_ =	shalt  }
0x5d: {  	_ =	shalt  }
0x5e: {  	_ =	shalt  }
0x5f: {  	_ =	shalt  }
0x60: {  	_ =	shalt  }
0x61: {  	_ =	shalt  }
0x62: {  	_ =	shalt  }
0x63: {  	_ =	shalt  }
0x64: {  	_ =	shalt  }
0x65: {  	_ =	shalt  }
0x66: {  	_ =	shalt  }
0x67: {  	_ =	shalt  }
0x68: {  	_ =	shalt  }
0x69: {  	_ =	shalt  }
0x6a: {  	_ =	shalt  }
0x6b: {  	_ =	shalt  }
0x6c: {  	_ =	shalt  }
0x6d: {  	_ =	shalt  }
0x6e: {  	_ =	shalt  }
0x6f: {  	_ =	shalt  }
0x70: {  	_ =	shalt  }
0x71: {  	_ =	shalt  }
0x72: {  	_ =	shalt  }
0x73: {  	_ =	shalt  }
0x74: {  	_ =	shalt  }
0x75: {  	_ =	shalt  }
0x76: {  	_ =	shalt  }
0x77: {  	_ =	shalt  }
0x78: {  	_ =	shalt  }
0x79: {  	_ =	shalt  }
0x7a: {  	_ =	shalt  }
0x7b: {  	_ =	shalt  }
0x7c: {  	_ =	shalt  }
0x7d: {  	_ =	shalt  }
0x7e: {  	_ =	shalt  }
0x7f: {  	_ =	shalt  }
0x80: {  	_ =	shalt  }
0x81: {  	_ =	shalt  }
0x82: {  	_ =	shalt  }
0x83: {  	_ =	shalt  }
0x84: {  	_ =	shalt  }
0x85: {  	_ =	shalt  }
0x86: {  	_ =	shalt  }
0x87: {  	_ =	shalt  }
.Lfunc_end0:
.L_simem_size_0:
called_computation.3_lowered:
.L_overlay_start_0:
0x88: {  	s2 =	sld [smem:$0x3FD9]  }
0x89: {  	s3 =	sld [smem:$0x3FFE];
	_ =	sdelay $0x1  }
0x8a: {  	s1 =	srdreg.scid  }
0x8b: {  	s0 =	sand.u32 $0x1, s1  }
0x8c: {  	s16 =	sshll.u32 s0, $0xA;
	s2 =	sadd.s32 s3, s2  }
0x8d: {  	s2 =	sadd.s32 s2, s16  }
0x8e: {  	[smem:$0x3FBD] =	sst s2  }
0x8f: {  	_ = 	snop  }
0x90: {  	(tm) =	ssettm $0x1  }
0x91: {  	s17 =	sld [smem:$0x3FFB];
	_ =	sdelay $0x3  }
0x92: {  	_ =	strace s17  }
0x93: {  	s2 =	sld [smem:$0x3FFC];
	_ =	sdelay $0x3  }
0x94: {  	_ =	strace s2  }
0x95: {  	s2 =	sld [smem:$0x3FFD];
	_ =	sdelay $0x3  }
0x96: {  	_ =	strace s2  }
0x97: {  	_ =	strace $0x8FFFFFFF  }
0x98: {  	s18 =	sld [smem:$0x3FDB];
	_ =	sdelay $0x1  }
0x99: {  	s19 =	simm.s32 $_scs_section_size  }
0x9a: {  	s4 =	simm.s32 $_size__tile_overlayer_lowered;
	s5 =	simm.s32 $_tile_overlayer_lowered  }
0x9b: {  	s22 =	simm.s32 $0x1BFF;
	s21 =	sshll.u32 s5, $0x1;
	s2 =	sadd.s32 s19, s18  }
0x9c: {  	s6 =	simm.s32 $0x0;
	s20 =	sshll.u32 s4, $0x1;
	s4 =	sadd.s32 s21, s2  }
0x9d: {  	[timem:s6], [sflag:s22] =	dma.local [hbm:s4], s20  }
0x9e: {  	_ =	swait.ge [sflag:s22], s20  }
0x9f: {  	s3 =	ssub.s32 $0x0, s20;
	[sflag:s22] =	ssyncset.done $0x0  }
0xa0: {  	[sflag:s22] =	ssyncadd.s32 s3;
	_ =	sdelay $0x1  }
0xa1: {  	s23 =	simm.s32 $0x1B8B  }
0xa2: {  	_ =	swait.ge [sflag:s23], $0x1  }
0xa3: {  	[sflag:s23] =	ssyncset.done $0x0  }
0xa4: {  	s25 =	simm.s32 $0x1B8E;
	s24 =	sld [smem:$0x3FFE];
	[sflag:s23] =	ssyncadd.s32 $0xFFFFFFFF  }
0xa5: {  	s26 =	simm.s32 $execute0_lowered;
	[smem:$0x3FD2] =	sst s25  }
0xa6: {  	s4 =	sshll.u32 s26, $0x1;
	_ =	strace $0x8000004F;
	[dreg:$0x1] =	wrdreg $0xFFFFFFFF  }
0xa7: {  	s28 =	simm.s32 $_size_execute0_lowered;
	s2 =	sadd.s32 s2, s4;
	[dreg:$0x0] =	wrdreg $0x0  }
0xa8: {  	s4 =	sshll.u32 s28, $0x1;
	[dreg:$0x2] =	wrdreg s2  }
0xa9: {  	[dreg:$0x3] =	wrdreg s4  }
0xaa: {  	[dreg:$0x4] =	wrdreg $0xC0  }
0xab: {  	_ =	task [dreg:s6], $0x5FFFF  }
0xac: {  	[dreg:$0x1] =	wrdreg $0xFFFFFFFF  }
0xad: {  	[dreg:$0x0] =	wrdreg $0x60  }
0xae: {  	[dreg:$0x2] =	wrdreg s24  }
0xaf: {  	[dreg:$0x3] =	wrdreg $0x0  }
0xb0: {  	[dreg:$0x4] =	wrdreg $0x9  }
0xb1: {  	_ =	task.clear_ibuf [dreg:s6], $0x5FFFF;
	_ =	strace $0x9000004F  }
0xb2: {  	s29 =	simm.s32 $0x9;
	_ =	strace $0x80000051  }
0xb3: {  	_ =	swait.ge [sflag:s29], $0x1  }
0xb4: {  	[sflag:s29] =	ssyncadd.s32 $0xFFFFFFFF  }
0xb5: {  	_ =	strace $0x90000051  }
0xb6: {  	_ =	sfence  }
0xb7: {  	s30 =	sld [smem:$0x0];
	_ =	sdelay $0x2  }
0xb8: {  	s31 =	sshll.u32 s1, $0xD;
	s1 =	sshrl.u32 s1, $0x2  }
0xb9: {  	s3 =	sand.u32 $0x4000, s31;
	s1 =	sadd.s32 s1, s30  }
0xba: {  	s0 =	sor.u32 s3, s0;
	s1 =	sshll.u32 s1, $0x11  }
0xbb: {  	s0 =	sor.u32 s1, s0  }
0xbc: {  	s0 =	sadd.s32 $0x8F2B, s0  }
0xbd: {  	[sflag:s0] =	ssyncadd.remote.s32 $0x1  }
0xbe: {  	_ =	sfence.sel $0xFFFF  }
0xbf: {  	[dreg:$0x0] =	wrdreg $0xFFFFFFFF;
	(pc) =	sbr.abs _section_cstart, $3  }
0xc0: {  	[dreg:$0x1] =	wrdreg $0xFFFFFFFF  }
0xc1: {  	_ =	task.clear_ibuf [dreg:s6], $0x2FFFF;
	_ =	strace $0x9FFFFFFF  }
0xc2: {  	(tm) =	ssettm $0x7FFFFFFF  }
0xc3: {  	_ =	shalt  }
tec
execute0_lowered:
.L_overlay_start_1:
0x0: {  	(tag) =	ssettag $0x1  }
0x1: {  	s0 =	rddreg [dreg:$0x0]  }
0x2: {  	s1 =	rddreg [dreg:$0x1];
	s2 =	simm.s32 $0x0  }
0x3: {  	s3 =	srdreg.scid;
	s12 =	stileid.u32;
	s29 =	simm.s32 $0x2  }
0x4: {  	s30 =	simm.s32 $0x164C0;
	s31 =	simm.s32 $0x5;
	[smem:$0x7FF] =	sst s2  }
0x5: {  	s4 =	sand.u32 $0x1, s3;
	s3 =	sadd.s32 $0x33400, s0;
	s8 =	smul.u32 $0x4E000, s12  }
0x6: {  	s11 =	sadd.s32 $0x5A600, s0;
	s6 =	sadd.s32 $0x14000, s0;
	s14 =	smul.u32 $0x2700, s12  }
0x7: {  	s0 =	sadd.s32 $0x81800, s0;
	p4 =	sne.s32 s12, $0xF;
	s17 =	smul.u32 $0x13800, s12  }
0x8: {  	p0 =	seq.s32 s12, $0xF;
	s9 =	sadd.s32 $0x124800, s1;
	s21 =	smul.u32 $0x7D00, s12  }
0x9: {  	s25 =	sshll.u32 s12, $0x6;
	_ =	strace $0x80000050;
	s5 =	ssub.s32 $0x2, s4  }
0xa: {  	s13 =	sshll.u32 s4, $0x4;
	p2 =	seq.s32 s4, $0x0;
	[dreg:$0x4] =	wrdreg s9  }
0xb: {  	p3 =	seq.s32 s4, $0x1;
	s15 =	smul.u32 $0x138800, s4;
	[dreg:$0x3] =	wrdreg s11  }
0xc: {  	s4 =	smul.u32 $0x7D000, s4;
	s26 =	sor.u32 $0x1C0D, s25;
	s25 =	simm.s32 $0x1  }
0xd: {  	s7 =	sshrl.u32 s5, $0x1;
	p1 =	por !p2, !p4;
	p2 =	por !p2, !p0  }
0xe: {  	s10 =	sshrl.u32 s8, $0x2;
	p4 =	por !p4, !p3;
	s16 =	sadd.s32 s3, s14  }
0xf: {  	s9 =	sadd.s32 s11, s14;
	[dreg:$0xf] =	wrdreg s26;
	s26 =	simm.s32 $0x50  }
0x10: {  	s14 =	simm.s32 $0x4;
	s5 =	ssub.s32 s5, s7;
	s7 =	sor.u32 s12, s13  }
0x11: {  	p1 =	por !p1, !p1;
	p2 =	por !p2, !p2;
	[dreg:$0x6] =	wrdreg s16  }
0x12: {  	s13 =	sadd.s32 s10, s1;
	p4 =	por !p4, !p4;
	[dreg:$0x7] =	wrdreg s9  }
0x13: {  	s20 =	sadd.s32 s17, s15;
	s4 =	sadd.s32 s21, s4;
	s10 =	simm.s32 $0x3  }
0x14: {  	s21 =	simm.s32 $0x6;
	s12 =	simm.s32 $0x1B4C0;
	s16 =	simm.s32 $0xA  }
0x15: {  	s8 =	smul.u32 $0x7D00, s7;
	s9 =	sshrl.u32 s20, $0x3;
	s7 =	sshrl.u32 s15, $0x3  }
0x16: {  	s22 =	smax.u32 s5, $0x1;
	s23 =	sadd.s32 $0x500, s4;
	s17 =	sadd.s32 $0x400, s4  }
0x17: {  	s4 =	sadd.s32 $0x300, s4;
	[dreg:$0x5] =	wrdreg s13;
	s28 =	sshrl.u32 s13, $0x3  }
0x18: {  	s20 =	simm.s32 $0x18CC0;
	s5 =	simm.s32 $0x9;
	s13 =	simm.s32 $0x13BC0  }
0x19: {  	s15 =	simm.s32 $0x7;
	s9 =	sadd.s32 s0, s9;
	[dreg:$0xc] =	wrdreg s22  }
0x1a: {  	s0 =	sadd.s32 s0, s7;
	s24 =	sshrl.u32 s4, $0x3;
	[dreg:$0x10] =	wrdreg s28  }
0x1b: {  	s18 =	sshrl.u32 s8, $0x3;
	[dreg:$0xa] =	wrdreg s9;
	s0 =	sadd.s32 $0x24900, s0  }
0x1c: {  	s4 =	simm.s32 $0xB;
	s19 =	sadd.s32 s6, s18;
	[dreg:$0xb] =	wrdreg s0  }
.Ltmp0:
0x1d: {  	s0 =	sshrl.u32 s23, $0x3;
	s23 =	simm.s32 $0x138C0;
	(pc) =	sbr.rel .LBB2_1-.Ltmp0, $4  }
0x1e: {  	s18 =	simm.s32 $0x0;
	[dreg:$0x8] =	wrdreg s19;
	s11 =	sadd.s32 $0x20, s19  }
0x1f: {  	s0 =	sadd.s32 s0, s6;
	s19 =	simm.s32 $0x8;
	[dreg:$0x9] =	wrdreg s11  }
0x20: {  	[dreg:$0xd] =	wrdreg s0;
	s11 =	stileid.u32;
	s0 =	sadd.s32 s24, s6  }
0x21: {  	s24 =	simm.s32 $0x139C0;
	[dreg:$0xe] =	wrdreg s0;
	s0 =	simm.s32 $0x13AC0  }
.LBB2_10:
0x22: {  	_ =	swait.ge [sflag:s31], $0x2800  }
0x23: {  	[sflag:s31] =	ssyncset.done $0x0  }
0x24: {  	s7 =	simm.s32 $0xC;
	[sflag:s31] =	ssyncadd.s32 $0xFFFFD800  }
0x25: {  	_ =	swait.ge [sflag:s7], $0x2800  }
0x26: {  	[sflag:s7] =	ssyncset.done $0x0  }
0x27: {  	s18 =	simm.s32 $0x13CC0;
	s9 =	simm.s32 $0x13940;
	[sflag:s7] =	ssyncadd.s32 $0xFFFFD800  }
0x28: {  	[spmem:s1] =	stream.indirect.scatter.add.f32 [tilespmem:s18], [sflag:$0x9], $0x80, s9, s26, $0xb8;
	[tilespmem:$0x1DCC0] =	vst v63  }
0x29: {  	_ =	swait.ge [sflag:s5], $0x2800  }
0x2a: {  	[sflag:s5] =	ssyncset.done $0x0  }
0x2b: {  	[sflag:s5] =	ssyncadd.s32 $0xFFFFD800  }
0x2c: {  	s18 =	stileid.u32;
	[bflag:$0x0] =	sbarrier.arrive $0xFFFF  }
0x2d: {  	s7 =	sshll.u32 @!p0 s18, $0x6;
	s9 =	rddreg [dreg:$0x5]  }
0x2e: {  	s7 =	sor.u32 @!p0 $0x1C0D, s7;
	s11 =	rddreg [dreg:$0xa];
	s9 =	sshrl.u32 @!p0 s9, $0x3  }
0x2f: {  	[hbm:s11], [sflag:s7] =	dma.local @!p0 [spmem:s9], $0x2700  }
0x30: {  	s7 =	simm.s32 @!p0 $0xD  }
0x31: {  	_ =	swait.ge @!p0 [sflag:s7], $0x2700  }
0x32: {  	s9 =	sshll.u32 @p5 s18, $0x6;
	[sflag:s7] =	ssyncset.done @!p0 $0x0  }
0x33: {  	[sflag:s7] =	ssyncadd.s32 @!p0 $0xFFFFD900;
	s7 =	sor.u32 @p5 $0x1C0D, s9;
	s9 =	rddreg [dreg:$0x4]  }
0x34: {  	s18 =	rddreg [dreg:$0xb];
	s9 =	sshrl.u32 @p5 s9, $0x3  }
0x35: {  	[hbm:s18], [sflag:s7] =	dma.local @p5 [spmem:s9], $0x2800  }
0x36: {  	s7 =	simm.s32 @p5 $0xD  }
0x37: {  	_ =	swait.ge @p5 [sflag:s7], $0x2800  }
0x38: {  	s22 =	rddreg [dreg:$0x11]  }
0x39: {  	s28 =	rddreg [dreg:$0xc];
	s18 =	sadd.s32 $0x1, s22  }
0x3a: {  	p6 =	sne.s32 s18, s28  }
.Ltmp1:
0x3b: {  	_ = 	snop;
	(pc) =	sbr.rel @!p6 .LBB2_11-.Ltmp1, $3  }
0x3c: {  	_ =	sdelay $0x1  }
0x3d: {  	[sflag:s7] =	ssyncset.done @p5 $0x0  }
0x3e: {  	s11 =	stileid.u32;
	[sflag:s7] =	ssyncadd.s32 @p5 $0xFFFFD800  }
.LBB2_1:
.Ltmp2:
0x3f: {  	(pc) =	sbr.rel @!p1 .LBB2_4-.Ltmp2, $2  }
0x40: {  	_ =	sdelay $0x2  }
0x41: {  	[dreg:$0x11] =	wrdreg s18  }
0x42: {  	s7 =	rddreg [dreg:$0x6]  }
0x43: {  	s9 =	rddreg [dreg:$0xf]  }
.Ltmp3:
0x44: {  	s18 =	rddreg [dreg:$0x10];
	s28 =	simm.s32 $0xD;
	(pc) =	sbr.rel .LBB2_3-.Ltmp3, $4  }
0x45: {  	[spmem:s18], [sflag:s9] =	dma.local [hbm:s7], $0x2700  }
0x46: {  	_ =	swait.ge [sflag:s28], $0x2700  }
0x47: {  	[sflag:s28] =	ssyncset.done $0x0  }
0x48: {  	p5 =	por $0x0, $0x0;
	[sflag:s28] =	ssyncadd.s32 $0xFFFFD900  }
.LBB2_4:
.Ltmp4:
0x49: {  	(pc) =	sbr.rel @!p2 .LBB2_3-.Ltmp4, $2  }
0x4a: {  	_ =	sdelay $0x2  }
0x4b: {  	p5 =	por p0, p0  }
.Ltmp5:
0x4c: {  	(pc) =	sbr.rel .LBB2_6-.Ltmp5, $2  }
0x4d: {  	_ =	sdelay $0x2  }
0x4e: {  	p5 =	por $0x1, $0x1;
	s11 =	simm.s32 $0xF;
	s9 =	smov.u32 s3  }
.LBB2_3:
0x4f: {  	s9 =	sshll.u32 @p4 s11, $0x6  }
0x50: {  	s7 =	rddreg [dreg:$0x5];
	p6 =	por @p4 $0x1, $0x1;
	s9 =	sor.u32 @p4 $0x1C0D, s9  }
0x51: {  	s11 =	sshrl.u32 @p4 s7, $0x3;
	s7 =	rddreg [dreg:$0x7];
	p6 =	por @!p4 p3, p3  }
0x52: {  	[spmem:s11], [sflag:s9] =	dma.local @p4 [hbm:s7], $0x2700  }
0x53: {  	p6 =	por !p6, !p5  }
0x54: {  	p6 =	por !p6, !p6  }
.Ltmp6:
0x55: {  	_ = 	snop;
	(pc) =	sbr.rel @!p6 .LBB2_7-.Ltmp6, $4  }
0x56: {  	s9 =	simm.s32 @p4 $0xD  }
0x57: {  	_ =	swait.ge @p4 [sflag:s9], $0x2700  }
0x58: {  	[sflag:s9] =	ssyncset.done @p4 $0x0  }
0x59: {  	s11 =	stileid.u32;
	[sflag:s9] =	ssyncadd.s32 @p4 $0xFFFFD900;
	s9 =	rddreg [dreg:$0x3]  }
.LBB2_6:
0x5a: {  	s11 =	sshll.u32 s11, $0x6;
	s9 =	sadd.s32 $0x24900, s9;
	s7 =	rddreg [dreg:$0x4]  }
0x5b: {  	s28 =	simm.s32 $0xD;
	s11 =	sor.u32 $0x1C0D, s11;
	s22 =	sshrl.u32 s7, $0x3  }
0x5c: {  	[spmem:s22], [sflag:s11] =	dma.local [hbm:s9], $0x2800  }
0x5d: {  	_ =	swait.ge [sflag:s28], $0x2800  }
0x5e: {  	[sflag:s28] =	ssyncset.done $0x0  }
0x5f: {  	[sflag:s28] =	ssyncadd.s32 $0xFFFFD800  }
.LBB2_7:
0x60: {  	[bflag:$0x0] =	sbarrier.arrive $0xFFFF  }
0x61: {  	s9 =	simm.s32 $0x0;
	s7 =	rddreg [dreg:$0x8]  }
0x62: {  	[tilespmem:s23], [sflag:$0x1] =	stream.linear.gather [hbm4b:s7+s9], $0x100, $0x38;
	[tilespmem:$0x1DCC0] =	vst v63  }
0x63: {  	s22 =	rddreg [dreg:$0x9]  }
0x64: {  	[tilespmem:s24], [sflag:$0x2] =	stream.linear.gather [hbm4b:s22+s9], $0x100, $0x38;
	[tilespmem:$0x1DCC0] =	vst v63  }
0x65: {  	_ =	swait.ge [sflag:s25], $0x100  }
0x66: {  	[sflag:s25] =	ssyncset.done $0x0;
	s22 =	rddreg [dreg:$0xe]  }
0x67: {  	s28 =	simm.s32 $0x13CC0;
	s11 =	rddreg [dreg:$0xd];
	[sflag:s25] =	ssyncadd.s32 $0xFFFFFF00  }
0x68: {  	[tilespmem:s28], [sflag:$0x5] =	stream.indirect.gather [hbm4b:s3+s26], $0x80, s23, s26, $0xb8;
	[tilespmem:$0x1DCC0] =	vst v63  }
.LBB2_8:
0x69: {  	_ =	swait.ge [sflag:s29], $0x100  }
0x6a: {  	[sflag:s29] =	ssyncset.done $0x0  }
0x6b: {  	[sflag:s29] =	ssyncadd.s32 $0xFFFFFF00  }
0x6c: {  	[tilespmem:s30], [sflag:$0x6] =	stream.indirect.gather [hbm4b:s3+s26], $0x80, s24, s26, $0xb8;
	[tilespmem:$0x1DCC0] =	vst v63  }
0x6d: {  	_ =	swait.ge [sflag:s31], $0x2800  }
0x6e: {  	p6 =	sne.s32 s9, $0x0;
	[sflag:s31] =	ssyncset.done $0x0  }
0x6f: {  	s28 =	simm.s32 @p6 $0xC;
	[sflag:s31] =	ssyncadd.s32 $0xFFFFD800  }
0x70: {  	_ =	swait.ge @p6 [sflag:s28], $0x2800  }
0x71: {  	s18 =	simm.s32 @p6 $0x13940;
	[sflag:s28] =	ssyncset.done @p6 $0x0  }
0x72: {  	s7 =	simm.s32 @p6 $0x13CC0;
	[sflag:s28] =	ssyncadd.s32 @p6 $0xFFFFD800;
	s28 =	simm.s32 @p6 $0x50  }
0x73: {  	[spmem:s1] =	stream.indirect.scatter.add.f32 @p6 [tilespmem:s7], [sflag:$0x9], $0x80, s18, s28, $0xb8;
	[tilespmem:$0x1DCC0] =	vst v63  }
0x74: {  	s7 =	simm.s32 @!p6 $0x50;
	s18 =	simm.s32 @!p6 $0x13940;
	s28 =	simm.s32 @!p6 $0x13CC0  }
0x75: {  	[spmem:s1] =	stream.indirect.scatter.add.f32 @!p6 [tilespmem:s28], [sflag:$0x9], $0x80, s18, s7, $0xb8;
	[tilespmem:$0x1DCC0] =	vst v63  }
0x76: {  	s7 =	sadd.s32 @p6 $0x200, s9  }
0x77: {  	s7 =	simm.s32 @!p6 $0x200  }
0x78: {  	s7 =	sadd.s32 s8, s7  }
0x79: {  	s7 =	sshrl.u32 s7, $0x3  }
0x7a: {  	s7 =	sadd.s32 s6, s7  }
0x7b: {  	[tilespmem:s0], [sflag:$0x3] =	stream.linear.gather [hbm4b:s7+s2], $0x100, $0x38;
	[tilespmem:$0x1DCC0] =	vst v63  }
0x7c: {  	_ =	swait.ge [sflag:s10], $0x100  }
0x7d: {  	[sflag:s10] =	ssyncset.done $0x0  }
0x7e: {  	[sflag:s10] =	ssyncadd.s32 $0xFFFFFF00  }
0x7f: {  	[tilespmem:s20], [sflag:$0x7] =	stream.indirect.gather [hbm4b:s3+s26], $0x80, s0, s26, $0xb8;
	[tilespmem:$0x1DCC0] =	vst v63  }
0x80: {  	_ =	swait.ge [sflag:s21], $0x2800  }
0x81: {  	[sflag:s21] =	ssyncset.done $0x0  }
0x82: {  	[sflag:s21] =	ssyncadd.s32 $0xFFFFD800  }
0x83: {  	_ =	swait.ge [sflag:s5], $0x2800  }
0x84: {  	[sflag:s5] =	ssyncset.done $0x0  }
0x85: {  	s28 =	simm.s32 $0x13A40;
	[sflag:s5] =	ssyncadd.s32 $0xFFFFD800  }
0x86: {  	[spmem:s1] =	stream.indirect.scatter.add.f32 [tilespmem:s30], [sflag:$0xA], $0x80, s28, s26, $0xb8;
	[tilespmem:$0x1DCC0] =	vst v63  }
0x87: {  	_ = 	snop  }
0x88: {  	[tilespmem:s13], [sflag:$0x4] =	stream.linear.gather [hbm4b:s22+s2], $0x100, $0x38;
	[tilespmem:$0x1DCC0] =	vst v63  }
0x89: {  	_ =	swait.ge [sflag:s14], $0x100  }
0x8a: {  	[sflag:s14] =	ssyncset.done $0x0  }
0x8b: {  	[sflag:s14] =	ssyncadd.s32 $0xFFFFFF00  }
0x8c: {  	[tilespmem:s12], [sflag:$0x8] =	stream.indirect.gather [hbm4b:s3+s26], $0x80, s13, s26, $0xb8;
	[tilespmem:$0x1DCC0] =	vst v63  }
0x8d: {  	_ =	swait.ge [sflag:s15], $0x2800  }
0x8e: {  	[sflag:s15] =	ssyncset.done $0x0  }
0x8f: {  	[sflag:s15] =	ssyncadd.s32 $0xFFFFD800  }
0x90: {  	_ =	swait.ge [sflag:s16], $0x2800  }
0x91: {  	s28 =	sadd.s32 s9, s17;
	[sflag:s16] =	ssyncset.done $0x0  }
0x92: {  	s18 =	simm.s32 $0x13B40;
	s7 =	sshrl.u32 s28, $0x3;
	[sflag:s16] =	ssyncadd.s32 $0xFFFFD800  }
0x93: {  	[spmem:s1] =	stream.indirect.scatter.add.f32 [tilespmem:s20], [sflag:$0xB], $0x80, s18, s26, $0xb8;
	[tilespmem:$0x1DCC0] =	vst v63  }
0x94: {  	s7 =	sadd.s32 s6, s7  }
0x95: {  	[tilespmem:s23], [sflag:$0x1] =	stream.linear.gather [hbm4b:s7+s2], $0x100, $0x38;
	[tilespmem:$0x1DCC0] =	vst v63  }
0x96: {  	_ =	swait.ge [sflag:s25], $0x100  }
0x97: {  	[sflag:s25] =	ssyncset.done $0x0  }
0x98: {  	s18 =	simm.s32 $0x13CC0;
	[sflag:s25] =	ssyncadd.s32 $0xFFFFFF00  }
0x99: {  	[tilespmem:s18], [sflag:$0x5] =	stream.indirect.gather [hbm4b:s3+s26], $0x80, s23, s26, $0xb8;
	[tilespmem:$0x1DCC0] =	vst v63  }
0x9a: {  	_ =	swait.ge [sflag:s19], $0x2800  }
0x9b: {  	p6 =	seq.s32 s9, $0x7800;
	[sflag:s19] =	ssyncset.done $0x0  }
.Ltmp7:
0x9c: {  	[sflag:s19] =	ssyncadd.s32 $0xFFFFD800;
	(pc) =	sbr.rel @p6 .LBB2_10-.Ltmp7, $4  }
0x9d: {  	_ =	swait.ge [sflag:s4], $0x2800  }
0x9e: {  	[sflag:s4] =	ssyncset.done $0x0  }
0x9f: {  	s28 =	simm.s32 $0x13C40;
	[sflag:s4] =	ssyncadd.s32 $0xFFFFD800  }
0xa0: {  	[spmem:s1] =	stream.indirect.scatter.add.f32 [tilespmem:s12], [sflag:$0xC], $0x80, s28, s26, $0xb8;
	[tilespmem:$0x1DCC0] =	vst v63  }
.Ltmp8:
0xa1: {  	(pc) =	sbr.rel .LBB2_8-.Ltmp8, $3  }
0xa2: {  	_ =	sdelay $0x1  }
0xa3: {  	[tilespmem:s24], [sflag:$0x2] =	stream.linear.gather [hbm4b:s11+s2], $0x100, $0x38;
	[tilespmem:$0x1DCC0] =	vst v63  }
0xa4: {  	s9 =	sadd.s32 $0x400, s9;
	s11 =	sadd.s32 $0x80, s11;
	s22 =	sadd.s32 $0x80, s22  }
.LBB2_11:
0xa5: {  	_ =	sfence.sel $0x180000  }
0xa6: {  	[bflag:$0x0] =	sbarrier.arrive $0xFFFF  }
0xa7: {  	_ =	strace $0x90000050  }
0xa8: {  	[bflag:$0x2] =	sbarrier.arrive $0xFFFF  }
0xa9: {  	p0 =	sne.s32 s11, $0x0;
	s0 =	rddreg [dreg:$0x2]  }
0xaa: {  	s0 =	sadd.s32 @!p0 $0x100000, s0  }
0xab: {  	[sflag:s0] =	ssyncadd.tile.s32 @!p0 $0x1;
	_ =	shalt  }
.Lfunc_end2:
_tile_overlayer_lowered:
.L_overlay_start_2:
0xac: {  	(tag) =	ssettag $0x2  }
0xad: {  	s0 =	rddreg [dreg:$0x0];
	s2 =	stileid.u32  }
0xae: {  	s1 =	rddreg [dreg:$0x1];
	p0 =	sne.s32 s2, $0x0  }
0xaf: {  	s3 =	rddreg [dreg:$0x2];
	[bflag:$0x3] =	sbarrier.arrive $0xFFFF;
	s2 =	simm.s32 @!p0 $0x1C0D  }
0xb0: {  	[timem:s3], [sflag:s2] =	dma.local @!p0 [hbm:s0], s1  }
0xb1: {  	s0 =	simm.s32 @!p0 $0xD  }
0xb2: {  	_ =	swait.ge @!p0 [sflag:s0], s1  }
0xb3: {  	s1 =	ssub.s32 @!p0 $0x0, s1;
	[sflag:s0] =	ssyncset.done @!p0 $0x0  }
0xb4: {  	[sflag:s0] =	ssyncadd.s32 @!p0 s1  }
0xb5: {  	[bflag:$0x3] =	sbarrier.arrive $0xFFFF  }
0xb6: {  	_ =	shalt  }

</sc_bundles>
